<compile_context>
chip_gen: v7x
topology: tpu7x:2x2x1
jax: 0.10.2.dev20260603
libtpu: 0.0.44.dev20260713+nightly
codegen_flags: <defaults>
</compile_context>

<pallas_src>
import jax
import jax.numpy as jnp
from jax import lax
from jax.experimental import pallas as pl
from jax.experimental.pallas import tpu as pltpu
from jax.experimental.pallas import tpu_sc as plsc

N_NODES = 100000
NPAD = 100352
E_EDGES = 6400000
NCORES = 2
NSUB = 16
NWORK = NCORES * NSUB
EPW = E_EDGES // NWORK
SLICE = NPAD // NSUB
WA = 25000
WB = 10000

_MESH = plsc.VectorSubcoreMesh(
    core_axis_name="c", subcore_axis_name="s", num_cores=NCORES,
    num_subcores=NSUB)
_SC_PARAMS = pltpu.CompilerParams(needs_layout_passes=False)

_f32 = jnp.float32


def _zero_slice(zb_v, acc_sh, base):
    @plsc.parallel_loop(0, SLICE, step=16, unroll=8)
    def _(i):
        zb_v[pl.ds(i, 16)] = jnp.zeros((16,), _f32)
    pltpu.sync_copy(zb_v, acc_sh.at[pl.ds(base, SLICE)])


def _emit_slice(zb_v, acc_sh, base, out_hbm, obase):
    pltpu.sync_copy(acc_sh.at[pl.ds(base, SLICE)], zb_v)
    pltpu.sync_copy(zb_v, out_hbm.at[pl.ds(obase, SLICE)])


def _pa_body(ei_hbm, ew_hbm, out_hbm,
             dst_v0, dst_v1, ew_v0, ew_v1, zb_v, acc_sh,
             sem_d0, sem_d1, sem_e0, sem_e1):
    c = lax.axis_index("c")
    s = lax.axis_index("s")
    wid = c * NSUB + s
    base_e = wid * EPW
    bufs = ((dst_v0, ew_v0, sem_d0, sem_e0), (dst_v1, ew_v1, sem_d1, sem_e1))
    nw = EPW // WA

    _zero_slice(zb_v, acc_sh, s * SLICE)
    plsc.subcore_barrier()

    def fire(w, b):
        dv, ev, sd, se = bufs[b]
        off = base_e + w * WA
        pltpu.async_copy(ei_hbm.at[pl.ds(E_EDGES + off, WA)], dv, sd)
        pltpu.async_copy(ew_hbm.at[pl.ds(off, WA)], ev, se)

    fire(0, 0)
    fire(1, 1)

    def outer(w0, _):
        for b in range(2):
            w = 2 * w0 + b
            dv, ev, sd, se = bufs[b]
            pltpu.make_async_copy(ei_hbm.at[pl.ds(0, WA)], dv, sd).wait()
            pltpu.make_async_copy(ew_hbm.at[pl.ds(0, WA)], ev, se).wait()
            pltpu.sync_copy(ev, acc_sh.at[dv], add=True)

            @pl.when(w + 2 < nw)
            def _():
                fire(w + 2, b)
        return 0
    lax.fori_loop(0, nw // 2, outer, 0)

    plsc.subcore_barrier()
    _emit_slice(zb_v, acc_sh, s * SLICE, out_hbm, c * NPAD + s * SLICE)


_pass_a = pl.kernel(
    _pa_body,
    out_type=jax.ShapeDtypeStruct((NCORES * NPAD,), _f32),
    mesh=_MESH,
    compiler_params=_SC_PARAMS,
    scratch_types=[
        pltpu.VMEM((WA,), jnp.int32),
        pltpu.VMEM((WA,), jnp.int32),
        pltpu.VMEM((WA,), _f32),
        pltpu.VMEM((WA,), _f32),
        pltpu.VMEM((SLICE,), _f32),
        pltpu.VMEM_SHARED((NPAD,), _f32),
        pltpu.SemaphoreType.DMA,
        pltpu.SemaphoreType.DMA,
        pltpu.SemaphoreType.DMA,
        pltpu.SemaphoreType.DMA,
    ],
)


def _edge_pass(ei_hbm, ew_hbm, tab_hbm, out_hbm,
               src_v0, src_v1, dst_v0, dst_v1, ew_v0, ew_v1,
               val_v0, val_v1, idx_v0, idx_v1,
               zb_v, tab_sh, acc_sh, sems, *, second_layer):
    c = lax.axis_index("c")
    s = lax.axis_index("s")
    wid = c * NSUB + s
    base_e = wid * EPW
    nw = EPW // WB
    bufs = ((src_v0, dst_v0, ew_v0, val_v0, idx_v0,
             sems[0], sems[1], sems[2], sems[6]),
            (src_v1, dst_v1, ew_v1, val_v1, idx_v1,
             sems[3], sems[4], sems[5], sems[7]))

    _zero_slice(zb_v, acc_sh, s * SLICE)
    if second_layer:
        _zero_slice(zb_v, acc_sh, NPAD + s * SLICE)
    pltpu.sync_copy(tab_hbm.at[pl.ds(s * SLICE, SLICE)], zb_v)
    pltpu.sync_copy(zb_v, tab_sh.at[pl.ds(s * SLICE, SLICE)])
    plsc.subcore_barrier()

    def fire(w, b):
        sv, dv, ev, vv, iv, ss, sd, se, sscat = bufs[b]
        off = base_e + w * WB
        pltpu.async_copy(ei_hbm.at[pl.ds(off, WB)], sv, ss)
        pltpu.async_copy(ei_hbm.at[pl.ds(E_EDGES + off, WB)], dv, sd)
        pltpu.async_copy(ew_hbm.at[pl.ds(off, WB)], ev, se)

    def wait_scat(b):
        sv, dv, ev, vv, iv, ss, sd, se, sscat = bufs[b]
        pltpu.make_async_copy(vv, acc_sh.at[iv], sscat).wait()

    fire(0, 0)
    fire(1, 1)

    def outer(w0, _):
        for b in range(2):
            w = 2 * w0 + b
            sv, dv, ev, vv, iv, ss, sd, se, sscat = bufs[b]
            pltpu.make_async_copy(ei_hbm.at[pl.ds(0, WB)], sv, ss).wait()
            pltpu.make_async_copy(ei_hbm.at[pl.ds(0, WB)], dv, sd).wait()
            pltpu.make_async_copy(ew_hbm.at[pl.ds(0, WB)], ev, se).wait()

            @pl.when(w0 > 0)
            def _():
                wait_scat(b)
            pltpu.sync_copy(tab_sh.at[sv], vv)

            if second_layer:
                @plsc.parallel_loop(0, WB, step=16, unroll=5)
                def _(i):
                    sl = pl.ds(i, 16)
                    g = vv[sl]
                    vv[sl] = jnp.abs(g) * ev[sl]
                    iv[sl] = dv[sl] + jnp.where(g < 0.0, NPAD, 0)
            else:
                @plsc.parallel_loop(0, WB, step=16, unroll=5)
                def _(i):
                    sl = pl.ds(i, 16)
                    vv[sl] = vv[sl] * ev[sl]
                    iv[sl] = dv[sl]
            pltpu.async_copy(vv, acc_sh.at[iv], sscat, add=True)

            @pl.when(w + 2 < nw)
            def _():
                fire(w + 2, b)
        return 0
    lax.fori_loop(0, nw // 2, outer, 0)
    wait_scat(0)
    wait_scat(1)

    plsc.subcore_barrier()
    nacc = 2 if second_layer else 1
    _emit_slice(zb_v, acc_sh, s * SLICE,
                out_hbm, nacc * c * NPAD + s * SLICE)
    if second_layer:
        _emit_slice(zb_v, acc_sh, NPAD + s * SLICE,
                    out_hbm, (2 * c + 1) * NPAD + s * SLICE)


def _pb_body(ei_hbm, ew_hbm, a_hbm, out_hbm,
             src_v0, src_v1, dst_v0, dst_v1, ew_v0, ew_v1,
             val_v0, val_v1, idx_v0, idx_v1,
             zb_v, tab_sh, acc_sh, s0, s1, s2, s3, s4, s5, s6, s7):
    _edge_pass(ei_hbm, ew_hbm, a_hbm, out_hbm,
               src_v0, src_v1, dst_v0, dst_v1, ew_v0, ew_v1,
               val_v0, val_v1, idx_v0, idx_v1,
               zb_v, tab_sh, acc_sh, (s0, s1, s2, s3, s4, s5, s6, s7),
               second_layer=False)


def _pc_body(ei_hbm, ew_hbm, sd_hbm, out_hbm,
             src_v0, src_v1, dst_v0, dst_v1, ew_v0, ew_v1,
             val_v0, val_v1, idx_v0, idx_v1,
             zb_v, tab_sh, acc_sh, s0, s1, s2, s3, s4, s5, s6, s7):
    _edge_pass(ei_hbm, ew_hbm, sd_hbm, out_hbm,
               src_v0, src_v1, dst_v0, dst_v1, ew_v0, ew_v1,
               val_v0, val_v1, idx_v0, idx_v1,
               zb_v, tab_sh, acc_sh, (s0, s1, s2, s3, s4, s5, s6, s7),
               second_layer=True)


def _edge_scratch(second_layer):
    sc = [
        pltpu.VMEM((WB,), jnp.int32),
        pltpu.VMEM((WB,), jnp.int32),
        pltpu.VMEM((WB,), jnp.int32),
        pltpu.VMEM((WB,), jnp.int32),
        pltpu.VMEM((WB,), _f32),
        pltpu.VMEM((WB,), _f32),
        pltpu.VMEM((WB,), _f32),
        pltpu.VMEM((WB,), _f32),
        pltpu.VMEM((WB,), jnp.int32),
        pltpu.VMEM((WB,), jnp.int32),
    ]
    sc += [
        pltpu.VMEM((SLICE,), _f32),
        pltpu.VMEM_SHARED((NPAD,), _f32),
        pltpu.VMEM_SHARED(((2 if second_layer else 1) * NPAD,), _f32),
    ]
    sc += [pltpu.SemaphoreType.DMA] * 8
    return sc


_pass_b = pl.kernel(
    _pb_body,
    out_type=jax.ShapeDtypeStruct((NCORES * NPAD,), _f32),
    mesh=_MESH,
    compiler_params=_SC_PARAMS,
    scratch_types=_edge_scratch(False),
)

_pass_c = pl.kernel(
    _pc_body,
    out_type=jax.ShapeDtypeStruct((2 * NCORES * NPAD,), _f32),
    mesh=_MESH,
    compiler_params=_SC_PARAMS,
    scratch_types=_edge_scratch(True),
)


def _glue1_body(d0, d1, x2, a_o, dis_o, xd2_o):
    deg = d0[...] + d1[...] + 1.0
    dis = lax.rsqrt(deg)
    a_o[...] = x2[...] * dis
    dis_o[...] = dis
    xd2_o[...] = x2[...] * dis * dis


def _glue1(d0, d1, x2):
    sds = jax.ShapeDtypeStruct((NPAD // 128, 128), _f32)
    return pl.pallas_call(_glue1_body, out_shape=[sds, sds, sds])(d0, d1, x2)


def _glue2_body(t0, t1, dis, xd2, sd_o):
    s = dis[...] * (t0[...] + t1[...]) + xd2[...]
    sd_o[...] = s * dis[...]


def _glue2(t0, t1, dis, xd2):
    sds = jax.ShapeDtypeStruct((NPAD // 128, 128), _f32)
    return pl.pallas_call(_glue2_body, out_shape=sds)(t0, t1, dis, xd2)


def _glue3_body(u20, u21, v20, v21, sd, dis, p_o, q_o):
    r = lambda z: jnp.maximum(z, 0.0)
    p_o[...] = dis[...] * (u20[...] + u21[...] + r(sd[...]))
    q_o[...] = dis[...] * (v20[...] + v21[...] + r(-sd[...]))


def _glue3(u20, u21, v20, v21, sd, dis):
    sds = jax.ShapeDtypeStruct((NPAD // 128, 128), _f32)
    return pl.pallas_call(_glue3_body, out_shape=[sds, sds])(
        u20, u21, v20, v21, sd, dis)


_ROWS = N_NODES // 10
_RB = 2000


def _fc_body(pb, qb, ku, kv, b80, f1w, f1b, f2w, f2b, out):
    r = lambda z: jnp.maximum(z, 0.0)
    z = (jnp.dot(pb[...], ku[...], preferred_element_type=_f32)
         + jnp.dot(qb[...], kv[...], preferred_element_type=_f32) + b80[...])
    y = r(jnp.dot(r(z), f1w[...], preferred_element_type=_f32) + f1b[...])
    out[...] = jnp.dot(y, f2w[...], preferred_element_type=_f32) + f2b[...]


def _fc(pb, qb, ku, kv, b80, f1w, f1b, f2w, f2b):
    node = pl.BlockSpec((_RB, 10), lambda i: (i, 0))
    full = lambda a, b: pl.BlockSpec((a, b), lambda i: (0, 0))
    return pl.pallas_call(
        _fc_body,
        grid=(_ROWS // _RB,),
        in_specs=[node] * 2 + [full(10, 80), full(10, 80), full(1, 80),
                               full(80, 16), full(1, 16), full(16, 3),
                               full(1, 3)],
        out_specs=pl.BlockSpec((_RB, 3), lambda i: (i, 0)),
        out_shape=jax.ShapeDtypeStruct((_ROWS, 3), _f32),
    )(pb, qb, ku, kv, b80, f1w, f1b, f2w, f2b)


def kernel(x, edge_index, edge_attr, W1, b1, W2, b2, fc1_W, fc1_b, fc2_W,
           fc2_b):
    ei = edge_index.reshape(2 * E_EDGES)
    xpad = jnp.pad(x[:, 0], (0, NPAD - N_NODES))

    degp = _pass_a(ei, edge_attr).reshape(NCORES, NPAD // 128, 128)
    a2d, dis2d, xd2d = _glue1(degp[0], degp[1],
                              xpad.reshape(NPAD // 128, 128))
    tp = _pass_b(ei, edge_attr, a2d.reshape(NPAD)
                 ).reshape(NCORES, NPAD // 128, 128)
    sd2d = _glue2(tp[0], tp[1], dis2d, xd2d)
    accc = _pass_c(ei, edge_attr, sd2d.reshape(NPAD)
                   ).reshape(2 * NCORES, NPAD // 128, 128)
    p2d, q2d = _glue3(accc[0], accc[2], accc[1], accc[3], sd2d, dis2d)

    u = (jnp.maximum(W1, 0.0) @ W2)[0]
    v = (jnp.maximum(-W1, 0.0) @ W2)[0]
    ku = jnp.kron(jnp.eye(10, dtype=_f32), u[None, :])
    kv = jnp.kron(jnp.eye(10, dtype=_f32), v[None, :])
    b80 = jnp.tile(b2, 10)[None, :]

    blk = lambda t: t.reshape(NPAD)[:N_NODES].reshape(_ROWS, 10)
    out = _fc(blk(p2d), blk(q2d), ku, kv, b80,
              fc1_W, fc1_b[None, :], fc2_W, fc2_b[None, :])
    return out

# --- scband reference (transcript-rebuilt; emitter-appended) ---
"""Pipeline reference for scband-gcn-7928509629358 (READ-ONLY COPY).

The authoritative reference and input builder live on the scoring server;
editing this copy changes nothing except your own understanding.
"""

import jax, jax.numpy as jnp
import numpy as np

N = 100000
E = 6400000


def _gcn_conv(x, src, dst, ew, W, b):
    num_nodes = x.shape[0]
    deg = jnp.zeros((num_nodes,), dtype=x.dtype).at[dst].add(ew)
    dis = jnp.where(deg > 0, jax.lax.rsqrt(jnp.maximum(deg, 1e-12)), 0.0)
    norm = dis[src] * ew * dis[dst]
    h = x @ W
    msg = h[src] * norm[:, None]
    out = jnp.zeros((num_nodes, h.shape[1]), dtype=x.dtype).at[dst].add(msg)
    return out + b


def setup_inputs(seed: int = 0) -> dict:
    key = jax.random.key(seed)
    ks = jax.random.split(key, 11)
    x = jax.random.normal(ks[0], (N, 1), dtype=jnp.float32)
    edge_index = jax.random.randint(ks[1], (2, E), 0, N, dtype=jnp.int32)
    edge_attr = jax.random.uniform(ks[2], (E,), dtype=jnp.float32)
    W1 = jax.random.normal(ks[3], (1, 8), dtype=jnp.float32) * 0.5
    b1 = jnp.zeros((8,), dtype=jnp.float32)
    W2 = jax.random.normal(ks[4], (8, 8), dtype=jnp.float32) * 0.3
    b2 = jnp.zeros((8,), dtype=jnp.float32)
    fc1_W = jax.random.normal(ks[5], (80, 16), dtype=jnp.float32) * 0.1
    fc1_b = jnp.zeros((16,), dtype=jnp.float32)
    fc2_W = jax.random.normal(ks[6], (16, 3), dtype=jnp.float32) * 0.2
    fc2_b = jnp.zeros((3,), dtype=jnp.float32)
    return {"x": x, "edge_index": edge_index, "edge_attr": edge_attr,
            "W1": W1, "b1": b1, "W2": W2, "b2": b2,
            "fc1_W": fc1_W, "fc1_b": fc1_b, "fc2_W": fc2_W, "fc2_b": fc2_b}


def reference(x, edge_index, edge_attr, W1, b1, W2, b2, fc1_W, fc1_b, fc2_W, fc2_b):
    num_nodes = x.shape[0]
    loop = jnp.arange(num_nodes, dtype=edge_index.dtype)
    src = jnp.concatenate([edge_index[0], loop])
    dst = jnp.concatenate([edge_index[1], loop])
    ew = jnp.concatenate([edge_attr, jnp.ones((num_nodes,), dtype=x.dtype)])
    h = jax.nn.relu(_gcn_conv(x, src, dst, ew, W1, b1))
    h = jax.nn.relu(_gcn_conv(h, src, dst, ew, W2, b2))
    h = h.reshape(-1, 80)
    h = jax.nn.relu(h @ fc1_W + fc1_b)
    out = h @ fc2_W + fc2_b
    return out

if __name__ == "__main__":
    import jax
    _d = setup_inputs()
    print(jax.jit(kernel)(*tuple(_d.values())))

</pallas_src>

<mosaic_0001>
#map = affine_map<(d0, d1) -> (0)>
module attributes {stable_mosaic.version = 14 : i64} {
  func.func @_pc_body(%arg0: i32, %arg1: i32, %arg2: memref<12800000xi32, #tpu.memory_space<hbm>>, %arg3: memref<6400000xf32, #tpu.memory_space<hbm>>, %arg4: memref<100352xf32, #tpu.memory_space<hbm>>, %arg5: memref<401408xf32, #tpu.memory_space<hbm>>, %arg6: memref<10000xi32, #tpu.memory_space<vmem>>, %arg7: memref<10000xi32, #tpu.memory_space<vmem>>, %arg8: memref<10000xi32, #tpu.memory_space<vmem>>, %arg9: memref<10000xi32, #tpu.memory_space<vmem>>, %arg10: memref<10000xf32, #tpu.memory_space<vmem>>, %arg11: memref<10000xf32, #tpu.memory_space<vmem>>, %arg12: memref<10000xf32, #tpu.memory_space<vmem>>, %arg13: memref<10000xf32, #tpu.memory_space<vmem>>, %arg14: memref<10000xi32, #tpu.memory_space<vmem>>, %arg15: memref<10000xi32, #tpu.memory_space<vmem>>, %arg16: memref<6272xf32, #tpu.memory_space<vmem>>, %arg17: memref<100352xf32, #tpu.memory_space<vmem_shared>>, %arg18: memref<200704xf32, #tpu.memory_space<vmem_shared>>, %arg19: memref<!tpu.dma_semaphore, #tpu.memory_space<semaphore_mem>>, %arg20: memref<!tpu.dma_semaphore, #tpu.memory_space<semaphore_mem>>, %arg21: memref<!tpu.dma_semaphore, #tpu.memory_space<semaphore_mem>>, %arg22: memref<!tpu.dma_semaphore, #tpu.memory_space<semaphore_mem>>, %arg23: memref<!tpu.dma_semaphore, #tpu.memory_space<semaphore_mem>>, %arg24: memref<!tpu.dma_semaphore, #tpu.memory_space<semaphore_mem>>, %arg25: memref<!tpu.dma_semaphore, #tpu.memory_space<semaphore_mem>>, %arg26: memref<!tpu.dma_semaphore, #tpu.memory_space<semaphore_mem>>) attributes {dimension_semantics = [#tpu.dimension_semantics<core_parallel>, #tpu.dimension_semantics<subcore_parallel>], iteration_bounds = array<i64: 2, 16>, scalar_prefetch = 0 : i64, scratch_operands = 21 : i64, tpu.core_type = #tpu.core_type<sc_vector_subcore>, window_params = [{transform_indices = #map}, {transform_indices = #map}, {transform_indices = #map}, {transform_indices = #map}]} {
    %mul3A = arith.constant 16 : i32
    %mul3A_0 = arith.muli %arg0, %mul3A : i32
    %add3A = arith.addi %mul3A_0, %arg1 : i32
    %mul3A_1 = arith.constant 200000 : i32
    %mul3A_2 = arith.muli %add3A, %mul3A_1 : i32
    %mul3A_3 = arith.constant 6272 : i32
    %mul3A_4 = arith.muli %arg1, %mul3A_3 : i32
    %parallel_loop3A = arith.constant 0 : i32
    %parallel_loop3A_5 = arith.constant 6272 : i32
    %parallel_loop3A_6 = arith.constant 16 : i32
    scf.for %parallel_loop3A_69 = %parallel_loop3A to %parallel_loop3A_5 step %parallel_loop3A_6  : i32 {
      %parallel_loop3A_70 = arith.constant 0.000000e+00 : f32
      %parallel_loop3A_71 = vector.broadcast %parallel_loop3A_70 : f32 to vector<16xf32>
      %parallel_loop3A_72 = arith.index_cast %parallel_loop3A_69 : i32 to index
      %parallel_loop3A_73 = tpu.vector_load %arg16[%parallel_loop3A_72] {strides = array<i32>} : memref<6272xf32, #tpu.memory_space<vmem>>, vector<16xf32>,
      tpu.vector_store %arg16[%parallel_loop3A_72], %parallel_loop3A_71 {strides = array<i32>} : memref<6272xf32, #tpu.memory_space<vmem>>, vector<16xf32>,
    } {sc.loop_unroll_factor = 8 : i64, sc.parallel_access}
    "tpu.region"() ({
      %run_scoped3A = tpu.sem_alloc : memref<!tpu.dma_semaphore, #tpu.memory_space<semaphore_mem>>
      %dma_start3A_69 = tpu.memref_slice %arg18[%mul3A_4] : memref<200704xf32, #tpu.memory_space<vmem_shared>> -> memref<6272xf32, #tpu.memory_space<vmem_shared>>
      %dma_start3A_70 = tpu.memref_slice %arg18[%mul3A_4] : memref<200704xf32, #tpu.memory_space<vmem_shared>> -> memref<6272xf32, #tpu.memory_space<vmem_shared>>
      tpu.enqueue_dma source(%arg16 : memref<6272xf32, #tpu.memory_space<vmem>>) target(%dma_start3A_70 : memref<6272xf32, #tpu.memory_space<vmem_shared>>) target_semaphore(%run_scoped3A : memref<!tpu.dma_semaphore, #tpu.memory_space<semaphore_mem>>)
      %dma_wait3A_71 = tpu.memref_slice %arg18[%mul3A_4] : memref<200704xf32, #tpu.memory_space<vmem_shared>> -> memref<6272xf32, #tpu.memory_space<vmem_shared>>
      %dma_wait3A_72 = tpu.memref_slice %arg18[%mul3A_4] : memref<200704xf32, #tpu.memory_space<vmem_shared>> -> memref<6272xf32, #tpu.memory_space<vmem_shared>>
      tpu.wait_dma2 semaphore(%run_scoped3A : memref<!tpu.dma_semaphore, #tpu.memory_space<semaphore_mem>>) src(%arg16 : memref<6272xf32, #tpu.memory_space<vmem>>) dst(%dma_wait3A_72 : memref<6272xf32, #tpu.memory_space<vmem_shared>>)
      tpu.yield
    }) : () -> ()
    %mul3A_7 = arith.constant 6272 : i32
    %mul3A_8 = arith.muli %arg1, %mul3A_7 : i32
    %add3A_9 = arith.constant 100352 : i32
    %add3A_10 = arith.addi %add3A_9, %mul3A_8 : i32
    %parallel_loop3A_11 = arith.constant 0 : i32
    %parallel_loop3A_12 = arith.constant 6272 : i32
    %parallel_loop3A_13 = arith.constant 16 : i32
    scf.for %parallel_loop3A_69 = %parallel_loop3A_11 to %parallel_loop3A_12 step %parallel_loop3A_13  : i32 {
      %parallel_loop3A_70 = arith.constant 0.000000e+00 : f32
      %parallel_loop3A_71 = vector.broadcast %parallel_loop3A_70 : f32 to vector<16xf32>
      %parallel_loop3A_72 = arith.index_cast %parallel_loop3A_69 : i32 to index
      %parallel_loop3A_73 = tpu.vector_load %arg16[%parallel_loop3A_72] {strides = array<i32>} : memref<6272xf32, #tpu.memory_space<vmem>>, vector<16xf32>,
      tpu.vector_store %arg16[%parallel_loop3A_72], %parallel_loop3A_71 {strides = array<i32>} : memref<6272xf32, #tpu.memory_space<vmem>>, vector<16xf32>,
    } {sc.loop_unroll_factor = 8 : i64, sc.parallel_access}
    "tpu.region"() ({
      %run_scoped3A = tpu.sem_alloc : memref<!tpu.dma_semaphore, #tpu.memory_space<semaphore_mem>>
      %dma_start3A_69 = tpu.memref_slice %arg18[%add3A_10] : memref<200704xf32, #tpu.memory_space<vmem_shared>> -> memref<6272xf32, #tpu.memory_space<vmem_shared>>
      %dma_start3A_70 = tpu.memref_slice %arg18[%add3A_10] : memref<200704xf32, #tpu.memory_space<vmem_shared>> -> memref<6272xf32, #tpu.memory_space<vmem_shared>>
      tpu.enqueue_dma source(%arg16 : memref<6272xf32, #tpu.memory_space<vmem>>) target(%dma_start3A_70 : memref<6272xf32, #tpu.memory_space<vmem_shared>>) target_semaphore(%run_scoped3A : memref<!tpu.dma_semaphore, #tpu.memory_space<semaphore_mem>>)
      %dma_wait3A_71 = tpu.memref_slice %arg18[%add3A_10] : memref<200704xf32, #tpu.memory_space<vmem_shared>> -> memref<6272xf32, #tpu.memory_space<vmem_shared>>
      %dma_wait3A_72 = tpu.memref_slice %arg18[%add3A_10] : memref<200704xf32, #tpu.memory_space<vmem_shared>> -> memref<6272xf32, #tpu.memory_space<vmem_shared>>
      tpu.wait_dma2 semaphore(%run_scoped3A : memref<!tpu.dma_semaphore, #tpu.memory_space<semaphore_mem>>) src(%arg16 : memref<6272xf32, #tpu.memory_space<vmem>>) dst(%dma_wait3A_72 : memref<6272xf32, #tpu.memory_space<vmem_shared>>)
      tpu.yield
    }) : () -> ()
    %mul3A_14 = arith.constant 6272 : i32
    %mul3A_15 = arith.muli %arg1, %mul3A_14 : i32
    "tpu.region"() ({
      %run_scoped3A = tpu.sem_alloc : memref<!tpu.dma_semaphore, #tpu.memory_space<semaphore_mem>>
      %dma_start3A_69 = tpu.memref_slice %arg4[%mul3A_15] : memref<100352xf32, #tpu.memory_space<hbm>> -> memref<6272xf32, #tpu.memory_space<hbm>>
      %dma_start3A_70 = tpu.memref_slice %arg4[%mul3A_15] : memref<100352xf32, #tpu.memory_space<hbm>> -> memref<6272xf32, #tpu.memory_space<hbm>>
      tpu.enqueue_dma source(%dma_start3A_70 : memref<6272xf32, #tpu.memory_space<hbm>>) target(%arg16 : memref<6272xf32, #tpu.memory_space<vmem>>) target_semaphore(%run_scoped3A : memref<!tpu.dma_semaphore, #tpu.memory_space<semaphore_mem>>)
      %dma_wait3A_71 = tpu.memref_slice %arg4[%mul3A_15] : memref<100352xf32, #tpu.memory_space<hbm>> -> memref<6272xf32, #tpu.memory_space<hbm>>
      %dma_wait3A_72 = tpu.memref_slice %arg4[%mul3A_15] : memref<100352xf32, #tpu.memory_space<hbm>> -> memref<6272xf32, #tpu.memory_space<hbm>>
      tpu.wait_dma2 semaphore(%run_scoped3A : memref<!tpu.dma_semaphore, #tpu.memory_space<semaphore_mem>>) src(%dma_wait3A_72 : memref<6272xf32, #tpu.memory_space<hbm>>) dst(%arg16 : memref<6272xf32, #tpu.memory_space<vmem>>)
      tpu.yield
    }) : () -> ()
    %mul3A_16 = arith.constant 6272 : i32
    %mul3A_17 = arith.muli %arg1, %mul3A_16 : i32
    "tpu.region"() ({
      %run_scoped3A = tpu.sem_alloc : memref<!tpu.dma_semaphore, #tpu.memory_space<semaphore_mem>>
      %dma_start3A_69 = tpu.memref_slice %arg17[%mul3A_17] : memref<100352xf32, #tpu.memory_space<vmem_shared>> -> memref<6272xf32, #tpu.memory_space<vmem_shared>>
      %dma_start3A_70 = tpu.memref_slice %arg17[%mul3A_17] : memref<100352xf32, #tpu.memory_space<vmem_shared>> -> memref<6272xf32, #tpu.memory_space<vmem_shared>>
      tpu.enqueue_dma source(%arg16 : memref<6272xf32, #tpu.memory_space<vmem>>) target(%dma_start3A_70 : memref<6272xf32, #tpu.memory_space<vmem_shared>>) target_semaphore(%run_scoped3A : memref<!tpu.dma_semaphore, #tpu.memory_space<semaphore_mem>>)
      %dma_wait3A_71 = tpu.memref_slice %arg17[%mul3A_17] : memref<100352xf32, #tpu.memory_space<vmem_shared>> -> memref<6272xf32, #tpu.memory_space<vmem_shared>>
      %dma_wait3A_72 = tpu.memref_slice %arg17[%mul3A_17] : memref<100352xf32, #tpu.memory_space<vmem_shared>> -> memref<6272xf32, #tpu.memory_space<vmem_shared>>
      tpu.wait_dma2 semaphore(%run_scoped3A : memref<!tpu.dma_semaphore, #tpu.memory_space<semaphore_mem>>) src(%arg16 : memref<6272xf32, #tpu.memory_space<vmem>>) dst(%dma_wait3A_72 : memref<6272xf32, #tpu.memory_space<vmem_shared>>)
      tpu.yield
    }) : () -> ()
    %barrier3A = arith.constant 0 : index
    tpu.barrier barrier_id(%barrier3A)
    %add3A_18 = arith.constant 0 : i32
    %add3A_19 = arith.addi %mul3A_2, %add3A_18 : i32
    %dma_start3A = tpu.memref_slice %arg2[%add3A_19] : memref<12800000xi32, #tpu.memory_space<hbm>> -> memref<10000xi32, #tpu.memory_space<hbm>>
    %dma_start3A_20 = tpu.memref_slice %arg2[%add3A_19] : memref<12800000xi32, #tpu.memory_space<hbm>> -> memref<10000xi32, #tpu.memory_space<hbm>>
    tpu.enqueue_dma source(%dma_start3A_20 : memref<10000xi32, #tpu.memory_space<hbm>>) target(%arg6 : memref<10000xi32, #tpu.memory_space<vmem>>) target_semaphore(%arg19 : memref<!tpu.dma_semaphore, #tpu.memory_space<semaphore_mem>>)
    %add3A_21 = arith.constant 6400000 : i32
    %add3A_22 = arith.addi %add3A_21, %add3A_19 : i32
    %dma_start3A_23 = tpu.memref_slice %arg2[%add3A_22] : memref<12800000xi32, #tpu.memory_space<hbm>> -> memref<10000xi32, #tpu.memory_space<hbm>>
    %dma_start3A_24 = tpu.memref_slice %arg2[%add3A_22] : memref<12800000xi32, #tpu.memory_space<hbm>> -> memref<10000xi32, #tpu.memory_space<hbm>>
    tpu.enqueue_dma source(%dma_start3A_24 : memref<10000xi32, #tpu.memory_space<hbm>>) target(%arg8 : memref<10000xi32, #tpu.memory_space<vmem>>) target_semaphore(%arg20 : memref<!tpu.dma_semaphore, #tpu.memory_space<semaphore_mem>>)
    %dma_start3A_25 = tpu.memref_slice %arg3[%add3A_19] : memref<6400000xf32, #tpu.memory_space<hbm>> -> memref<10000xf32, #tpu.memory_space<hbm>>
    %dma_start3A_26 = tpu.memref_slice %arg3[%add3A_19] : memref<6400000xf32, #tpu.memory_space<hbm>> -> memref<10000xf32, #tpu.memory_space<hbm>>
    tpu.enqueue_dma source(%dma_start3A_26 : memref<10000xf32, #tpu.memory_space<hbm>>) target(%arg10 : memref<10000xf32, #tpu.memory_space<vmem>>) target_semaphore(%arg21 : memref<!tpu.dma_semaphore, #tpu.memory_space<semaphore_mem>>)
    %add3A_27 = arith.constant 10000 : i32
    %add3A_28 = arith.addi %mul3A_2, %add3A_27 : i32
    %dma_start3A_29 = tpu.memref_slice %arg2[%add3A_28] : memref<12800000xi32, #tpu.memory_space<hbm>> -> memref<10000xi32, #tpu.memory_space<hbm>>
    %dma_start3A_30 = tpu.memref_slice %arg2[%add3A_28] : memref<12800000xi32, #tpu.memory_space<hbm>> -> memref<10000xi32, #tpu.memory_space<hbm>>
    tpu.enqueue_dma source(%dma_start3A_30 : memref<10000xi32, #tpu.memory_space<hbm>>) target(%arg7 : memref<10000xi32, #tpu.memory_space<vmem>>) target_semaphore(%arg22 : memref<!tpu.dma_semaphore, #tpu.memory_space<semaphore_mem>>)
    %add3A_31 = arith.constant 6400000 : i32
    %add3A_32 = arith.addi %add3A_31, %add3A_28 : i32
    %dma_start3A_33 = tpu.memref_slice %arg2[%add3A_32] : memref<12800000xi32, #tpu.memory_space<hbm>> -> memref<10000xi32, #tpu.memory_space<hbm>>
    %dma_start3A_34 = tpu.memref_slice %arg2[%add3A_32] : memref<12800000xi32, #tpu.memory_space<hbm>> -> memref<10000xi32, #tpu.memory_space<hbm>>
    tpu.enqueue_dma source(%dma_start3A_34 : memref<10000xi32, #tpu.memory_space<hbm>>) target(%arg9 : memref<10000xi32, #tpu.memory_space<vmem>>) target_semaphore(%arg23 : memref<!tpu.dma_semaphore, #tpu.memory_space<semaphore_mem>>)
    %dma_start3A_35 = tpu.memref_slice %arg3[%add3A_28] : memref<6400000xf32, #tpu.memory_space<hbm>> -> memref<10000xf32, #tpu.memory_space<hbm>>
    %dma_start3A_36 = tpu.memref_slice %arg3[%add3A_28] : memref<6400000xf32, #tpu.memory_space<hbm>> -> memref<10000xf32, #tpu.memory_space<hbm>>
    tpu.enqueue_dma source(%dma_start3A_36 : memref<10000xf32, #tpu.memory_space<hbm>>) target(%arg11 : memref<10000xf32, #tpu.memory_space<vmem>>) target_semaphore(%arg24 : memref<!tpu.dma_semaphore, #tpu.memory_space<semaphore_mem>>)
    %scan3A = arith.constant 0 : i32
    %scan3A_37 = arith.constant 0 : i32
    %scan3A_38 = arith.constant 10 : i32
    %scan3A_39 = arith.addi %scan3A_37, %scan3A_38 : i32
    %scan3A_40 = arith.constant 1 : i32
    %scan3A_41 = scf.for %scan3A_69 = %scan3A_37 to %scan3A_39 step %scan3A_40 iter_args(%scan3A_70 = %scan3A) -> (i32)  : i32 {
      %mul3A_71 = arith.constant 2 : i32
      %mul3A_72 = arith.muli %mul3A_71, %scan3A_69 : i32
      %add3A_73 = arith.constant 0 : i32
      %add3A_74 = arith.addi %mul3A_72, %add3A_73 : i32
      %dma_wait3A_75 = arith.constant 0 : i32
      %dma_wait3A_76 = tpu.memref_slice %arg2[%dma_wait3A_75] : memref<12800000xi32, #tpu.memory_space<hbm>> -> memref<10000xi32, #tpu.memory_space<hbm>>
      %dma_wait3A_77 = arith.constant 0 : i32
      %dma_wait3A_78 = tpu.memref_slice %arg2[%dma_wait3A_77] : memref<12800000xi32, #tpu.memory_space<hbm>> -> memref<10000xi32, #tpu.memory_space<hbm>>
      tpu.wait_dma2 semaphore(%arg19 : memref<!tpu.dma_semaphore, #tpu.memory_space<semaphore_mem>>) src(%dma_wait3A_78 : memref<10000xi32, #tpu.memory_space<hbm>>) dst(%arg6 : memref<10000xi32, #tpu.memory_space<vmem>>)
      %dma_wait3A_79 = arith.constant 0 : i32
      %dma_wait3A_80 = tpu.memref_slice %arg2[%dma_wait3A_79] : memref<12800000xi32, #tpu.memory_space<hbm>> -> memref<10000xi32, #tpu.memory_space<hbm>>
      %dma_wait3A_81 = arith.constant 0 : i32
      %dma_wait3A_82 = tpu.memref_slice %arg2[%dma_wait3A_81] : memref<12800000xi32, #tpu.memory_space<hbm>> -> memref<10000xi32, #tpu.memory_space<hbm>>
      tpu.wait_dma2 semaphore(%arg20 : memref<!tpu.dma_semaphore, #tpu.memory_space<semaphore_mem>>) src(%dma_wait3A_82 : memref<10000xi32, #tpu.memory_space<hbm>>) dst(%arg8 : memref<10000xi32, #tpu.memory_space<vmem>>)
      %dma_wait3A_83 = arith.constant 0 : i32
      %dma_wait3A_84 = tpu.memref_slice %arg3[%dma_wait3A_83] : memref<6400000xf32, #tpu.memory_space<hbm>> -> memref<10000xf32, #tpu.memory_space<hbm>>
      %dma_wait3A_85 = arith.constant 0 : i32
      %dma_wait3A_86 = tpu.memref_slice %arg3[%dma_wait3A_85] : memref<6400000xf32, #tpu.memory_space<hbm>> -> memref<10000xf32, #tpu.memory_space<hbm>>
      tpu.wait_dma2 semaphore(%arg21 : memref<!tpu.dma_semaphore, #tpu.memory_space<semaphore_mem>>) src(%dma_wait3A_86 : memref<10000xf32, #tpu.memory_space<hbm>>) dst(%arg10 : memref<10000xf32, #tpu.memory_space<vmem>>)
      %gt3A = arith.constant 0 : i32
      %gt3A_87 = arith.cmpi sgt, %scan3A_69, %gt3A : i32
      %convert_element_type3A = arith.extui %gt3A_87 : i1 to i32
      %cond3A = arith.constant 0 : i32
      %cond3A_88 = arith.cmpi ne, %convert_element_type3A, %cond3A : i32
      scf.if %cond3A_88 {
        %dma_wait3A_134 = arith.constant 0 : i32
        %dma_wait3A_135 = tpu.memref_slice %arg18[%dma_wait3A_134] : memref<200704xf32, #tpu.memory_space<vmem_shared>> -> memref<200704xf32, #tpu.memory_space<vmem_shared>>
        tpu.wait_indirect_dma semaphore(%arg25 : memref<!tpu.dma_semaphore, #tpu.memory_space<semaphore_mem>>) src(%arg12 : memref<10000xf32, #tpu.memory_space<vmem>>) dst(%dma_wait3A_135 : memref<200704xf32, #tpu.memory_space<vmem_shared>>)
      } else {
      }
      "tpu.region"() ({
        %run_scoped3A = tpu.sem_alloc : memref<!tpu.dma_semaphore, #tpu.memory_space<semaphore_mem>>
        %dma_start3A_134 = arith.constant 0 : i32
        %dma_start3A_135 = tpu.memref_slice %arg17[%dma_start3A_134] : memref<100352xf32, #tpu.memory_space<vmem_shared>> -> memref<100352xf32, #tpu.memory_space<vmem_shared>>
        tpu.enqueue_indirect_dma source(%dma_start3A_135 : memref<100352xf32, #tpu.memory_space<vmem_shared>>) target(%arg12 : memref<10000xf32, #tpu.memory_space<vmem>>) offsets(%arg6 : memref<10000xi32, #tpu.memory_space<vmem>>) semaphore(%run_scoped3A : memref<!tpu.dma_semaphore, #tpu.memory_space<semaphore_mem>>)
        %dma_wait3A_136 = arith.constant 0 : i32
        %dma_wait3A_137 = tpu.memref_slice %arg17[%dma_wait3A_136] : memref<100352xf32, #tpu.memory_space<vmem_shared>> -> memref<100352xf32, #tpu.memory_space<vmem_shared>>
        tpu.wait_indirect_dma semaphore(%run_scoped3A : memref<!tpu.dma_semaphore, #tpu.memory_space<semaphore_mem>>) src(%dma_wait3A_137 : memref<100352xf32, #tpu.memory_space<vmem_shared>>) dst(%arg12 : memref<10000xf32, #tpu.memory_space<vmem>>)
        tpu.yield
      }) : () -> ()
      %parallel_loop3A_89 = arith.constant 0 : i32
      %parallel_loop3A_90 = arith.constant 10000 : i32
      %parallel_loop3A_91 = arith.constant 16 : i32
      scf.for %parallel_loop3A_134 = %parallel_loop3A_89 to %parallel_loop3A_90 step %parallel_loop3A_91  : i32 {
        %parallel_loop3A_135 = arith.index_cast %parallel_loop3A_134 : i32 to index
        %parallel_loop3A_136 = tpu.vector_load %arg12[%parallel_loop3A_135] {strides = array<i32>} : memref<10000xf32, #tpu.memory_space<vmem>>, vector<16xf32>,
        %parallel_loop3A_137 = math.absf %parallel_loop3A_136 : vector<16xf32>
        %parallel_loop3A_138 = arith.index_cast %parallel_loop3A_134 : i32 to index
        %parallel_loop3A_139 = tpu.vector_load %arg10[%parallel_loop3A_138] {strides = array<i32>} : memref<10000xf32, #tpu.memory_space<vmem>>, vector<16xf32>,
        %parallel_loop3A_140 = arith.mulf %parallel_loop3A_137, %parallel_loop3A_139 : vector<16xf32>
        %parallel_loop3A_141 = arith.index_cast %parallel_loop3A_134 : i32 to index
        %parallel_loop3A_142 = tpu.vector_load %arg12[%parallel_loop3A_141] {strides = array<i32>} : memref<10000xf32, #tpu.memory_space<vmem>>, vector<16xf32>,
        tpu.vector_store %arg12[%parallel_loop3A_141], %parallel_loop3A_140 {strides = array<i32>} : memref<10000xf32, #tpu.memory_space<vmem>>, vector<16xf32>,
        %parallel_loop3A_143 = arith.index_cast %parallel_loop3A_134 : i32 to index
        %parallel_loop3A_144 = tpu.vector_load %arg8[%parallel_loop3A_143] {strides = array<i32>} : memref<10000xi32, #tpu.memory_space<vmem>>, vector<16xi32>,
        %parallel_loop3A_145 = arith.constant 0.000000e+00 : f32
        %parallel_loop3A_146 = vector.broadcast %parallel_loop3A_145 : f32 to vector<16xf32>
        %parallel_loop3A_147 = arith.cmpf olt, %parallel_loop3A_136, %parallel_loop3A_146 : vector<16xf32>
        %parallel_loop3A_148 = arith.constant 100352 : i32
        %parallel_loop3A_149 = arith.constant 0 : i32
        %parallel_loop3A_150 = vector.broadcast %parallel_loop3A_148 : i32 to vector<16xi32>
        %parallel_loop3A_151 = vector.broadcast %parallel_loop3A_149 : i32 to vector<16xi32>
        %parallel_loop3A_152 = arith.select %parallel_loop3A_147, %parallel_loop3A_150, %parallel_loop3A_151 : vector<16xi1>, vector<16xi32>
        %parallel_loop3A_153 = arith.addi %parallel_loop3A_144, %parallel_loop3A_152 : vector<16xi32>
        %parallel_loop3A_154 = arith.index_cast %parallel_loop3A_134 : i32 to index
        %parallel_loop3A_155 = tpu.vector_load %arg14[%parallel_loop3A_154] {strides = array<i32>} : memref<10000xi32, #tpu.memory_space<vmem>>, vector<16xi32>,
        tpu.vector_store %arg14[%parallel_loop3A_154], %parallel_loop3A_153 {strides = array<i32>} : memref<10000xi32, #tpu.memory_space<vmem>>, vector<16xi32>,
      } {sc.loop_unroll_factor = 5 : i64, sc.parallel_access}
      %dma_start3A_92 = arith.constant 0 : i32
      %dma_start3A_93 = tpu.memref_slice %arg18[%dma_start3A_92] : memref<200704xf32, #tpu.memory_space<vmem_shared>> -> memref<200704xf32, #tpu.memory_space<vmem_shared>>
      tpu.enqueue_indirect_dma source(%arg12 : memref<10000xf32, #tpu.memory_space<vmem>>) target(%dma_start3A_93 : memref<200704xf32, #tpu.memory_space<vmem_shared>>) offsets(%arg14 : memref<10000xi32, #tpu.memory_space<vmem>>) semaphore(%arg25 : memref<!tpu.dma_semaphore, #tpu.memory_space<semaphore_mem>>) {add = true}
      %add3A_94 = arith.constant 2 : i32
      %add3A_95 = arith.addi %add3A_74, %add3A_94 : i32
      %lt3A = arith.constant 20 : i32
      %lt3A_96 = arith.cmpi slt, %add3A_95, %lt3A : i32
      %convert_element_type3A_97 = arith.extui %lt3A_96 : i1 to i32
      %cond3A_98 = arith.constant 0 : i32
      %cond3A_99 = arith.cmpi ne, %convert_element_type3A_97, %cond3A_98 : i32
      scf.if %cond3A_99 {
        %add3A_134 = arith.constant 2 : i32
        %add3A_135 = arith.addi %add3A_74, %add3A_134 : i32
        %mul3A_136 = arith.constant 10000 : i32
        %mul3A_137 = arith.muli %add3A_135, %mul3A_136 : i32
        %add3A_138 = arith.addi %mul3A_2, %mul3A_137 : i32
        %dma_start3A_139 = tpu.memref_slice %arg2[%add3A_138] : memref<12800000xi32, #tpu.memory_space<hbm>> -> memref<10000xi32, #tpu.memory_space<hbm>>
        %dma_start3A_140 = tpu.memref_slice %arg2[%add3A_138] : memref<12800000xi32, #tpu.memory_space<hbm>> -> memref<10000xi32, #tpu.memory_space<hbm>>
        tpu.enqueue_dma source(%dma_start3A_140 : memref<10000xi32, #tpu.memory_space<hbm>>) target(%arg6 : memref<10000xi32, #tpu.memory_space<vmem>>) target_semaphore(%arg19 : memref<!tpu.dma_semaphore, #tpu.memory_space<semaphore_mem>>)
        %add3A_141 = arith.constant 6400000 : i32
        %add3A_142 = arith.addi %add3A_141, %add3A_138 : i32
        %dma_start3A_143 = tpu.memref_slice %arg2[%add3A_142] : memref<12800000xi32, #tpu.memory_space<hbm>> -> memref<10000xi32, #tpu.memory_space<hbm>>
        %dma_start3A_144 = tpu.memref_slice %arg2[%add3A_142] : memref<12800000xi32, #tpu.memory_space<hbm>> -> memref<10000xi32, #tpu.memory_space<hbm>>
        tpu.enqueue_dma source(%dma_start3A_144 : memref<10000xi32, #tpu.memory_space<hbm>>) target(%arg8 : memref<10000xi32, #tpu.memory_space<vmem>>) target_semaphore(%arg20 : memref<!tpu.dma_semaphore, #tpu.memory_space<semaphore_mem>>)
        %dma_start3A_145 = tpu.memref_slice %arg3[%add3A_138] : memref<6400000xf32, #tpu.memory_space<hbm>> -> memref<10000xf32, #tpu.memory_space<hbm>>
        %dma_start3A_146 = tpu.memref_slice %arg3[%add3A_138] : memref<6400000xf32, #tpu.memory_space<hbm>> -> memref<10000xf32, #tpu.memory_space<hbm>>
        tpu.enqueue_dma source(%dma_start3A_146 : memref<10000xf32, #tpu.memory_space<hbm>>) target(%arg10 : memref<10000xf32, #tpu.memory_space<vmem>>) target_semaphore(%arg21 : memref<!tpu.dma_semaphore, #tpu.memory_space<semaphore_mem>>)
      } else {
      }
      %mul3A_100 = arith.constant 2 : i32
      %mul3A_101 = arith.muli %mul3A_100, %scan3A_69 : i32
      %add3A_102 = arith.constant 1 : i32
      %add3A_103 = arith.addi %mul3A_101, %add3A_102 : i32
      %dma_wait3A_104 = arith.constant 0 : i32
      %dma_wait3A_105 = tpu.memref_slice %arg2[%dma_wait3A_104] : memref<12800000xi32, #tpu.memory_space<hbm>> -> memref<10000xi32, #tpu.memory_space<hbm>>
      %dma_wait3A_106 = arith.constant 0 : i32
      %dma_wait3A_107 = tpu.memref_slice %arg2[%dma_wait3A_106] : memref<12800000xi32, #tpu.memory_space<hbm>> -> memref<10000xi32, #tpu.memory_space<hbm>>
      tpu.wait_dma2 semaphore(%arg22 : memref<!tpu.dma_semaphore, #tpu.memory_space<semaphore_mem>>) src(%dma_wait3A_107 : memref<10000xi32, #tpu.memory_space<hbm>>) dst(%arg7 : memref<10000xi32, #tpu.memory_space<vmem>>)
      %dma_wait3A_108 = arith.constant 0 : i32
      %dma_wait3A_109 = tpu.memref_slice %arg2[%dma_wait3A_108] : memref<12800000xi32, #tpu.memory_space<hbm>> -> memref<10000xi32, #tpu.memory_space<hbm>>
      %dma_wait3A_110 = arith.constant 0 : i32
      %dma_wait3A_111 = tpu.memref_slice %arg2[%dma_wait3A_110] : memref<12800000xi32, #tpu.memory_space<hbm>> -> memref<10000xi32, #tpu.memory_space<hbm>>
      tpu.wait_dma2 semaphore(%arg23 : memref<!tpu.dma_semaphore, #tpu.memory_space<semaphore_mem>>) src(%dma_wait3A_111 : memref<10000xi32, #tpu.memory_space<hbm>>) dst(%arg9 : memref<10000xi32, #tpu.memory_space<vmem>>)
      %dma_wait3A_112 = arith.constant 0 : i32
      %dma_wait3A_113 = tpu.memref_slice %arg3[%dma_wait3A_112] : memref<6400000xf32, #tpu.memory_space<hbm>> -> memref<10000xf32, #tpu.memory_space<hbm>>
      %dma_wait3A_114 = arith.constant 0 : i32
      %dma_wait3A_115 = tpu.memref_slice %arg3[%dma_wait3A_114] : memref<6400000xf32, #tpu.memory_space<hbm>> -> memref<10000xf32, #tpu.memory_space<hbm>>
      tpu.wait_dma2 semaphore(%arg24 : memref<!tpu.dma_semaphore, #tpu.memory_space<semaphore_mem>>) src(%dma_wait3A_115 : memref<10000xf32, #tpu.memory_space<hbm>>) dst(%arg11 : memref<10000xf32, #tpu.memory_space<vmem>>)
      %gt3A_116 = arith.constant 0 : i32
      %gt3A_117 = arith.cmpi sgt, %scan3A_69, %gt3A_116 : i32
      %convert_element_type3A_118 = arith.extui %gt3A_117 : i1 to i32
      %cond3A_119 = arith.constant 0 : i32
      %cond3A_120 = arith.cmpi ne, %convert_element_type3A_118, %cond3A_119 : i32
      scf.if %cond3A_120 {
        %dma_wait3A_134 = arith.constant 0 : i32
        %dma_wait3A_135 = tpu.memref_slice %arg18[%dma_wait3A_134] : memref<200704xf32, #tpu.memory_space<vmem_shared>> -> memref<200704xf32, #tpu.memory_space<vmem_shared>>
        tpu.wait_indirect_dma semaphore(%arg26 : memref<!tpu.dma_semaphore, #tpu.memory_space<semaphore_mem>>) src(%arg13 : memref<10000xf32, #tpu.memory_space<vmem>>) dst(%dma_wait3A_135 : memref<200704xf32, #tpu.memory_space<vmem_shared>>)
      } else {
      }
      "tpu.region"() ({
        %run_scoped3A = tpu.sem_alloc : memref<!tpu.dma_semaphore, #tpu.memory_space<semaphore_mem>>
        %dma_start3A_134 = arith.constant 0 : i32
        %dma_start3A_135 = tpu.memref_slice %arg17[%dma_start3A_134] : memref<100352xf32, #tpu.memory_space<vmem_shared>> -> memref<100352xf32, #tpu.memory_space<vmem_shared>>
        tpu.enqueue_indirect_dma source(%dma_start3A_135 : memref<100352xf32, #tpu.memory_space<vmem_shared>>) target(%arg13 : memref<10000xf32, #tpu.memory_space<vmem>>) offsets(%arg7 : memref<10000xi32, #tpu.memory_space<vmem>>) semaphore(%run_scoped3A : memref<!tpu.dma_semaphore, #tpu.memory_space<semaphore_mem>>)
        %dma_wait3A_136 = arith.constant 0 : i32
        %dma_wait3A_137 = tpu.memref_slice %arg17[%dma_wait3A_136] : memref<100352xf32, #tpu.memory_space<vmem_shared>> -> memref<100352xf32, #tpu.memory_space<vmem_shared>>
        tpu.wait_indirect_dma semaphore(%run_scoped3A : memref<!tpu.dma_semaphore, #tpu.memory_space<semaphore_mem>>) src(%dma_wait3A_137 : memref<100352xf32, #tpu.memory_space<vmem_shared>>) dst(%arg13 : memref<10000xf32, #tpu.memory_space<vmem>>)
        tpu.yield
      }) : () -> ()
      %parallel_loop3A_121 = arith.constant 0 : i32
      %parallel_loop3A_122 = arith.constant 10000 : i32
      %parallel_loop3A_123 = arith.constant 16 : i32
      scf.for %parallel_loop3A_134 = %parallel_loop3A_121 to %parallel_loop3A_122 step %parallel_loop3A_123  : i32 {
        %parallel_loop3A_135 = arith.index_cast %parallel_loop3A_134 : i32 to index
        %parallel_loop3A_136 = tpu.vector_load %arg13[%parallel_loop3A_135] {strides = array<i32>} : memref<10000xf32, #tpu.memory_space<vmem>>, vector<16xf32>,
        %parallel_loop3A_137 = math.absf %parallel_loop3A_136 : vector<16xf32>
        %parallel_loop3A_138 = arith.index_cast %parallel_loop3A_134 : i32 to index
        %parallel_loop3A_139 = tpu.vector_load %arg11[%parallel_loop3A_138] {strides = array<i32>} : memref<10000xf32, #tpu.memory_space<vmem>>, vector<16xf32>,
        %parallel_loop3A_140 = arith.mulf %parallel_loop3A_137, %parallel_loop3A_139 : vector<16xf32>
        %parallel_loop3A_141 = arith.index_cast %parallel_loop3A_134 : i32 to index
        %parallel_loop3A_142 = tpu.vector_load %arg13[%parallel_loop3A_141] {strides = array<i32>} : memref<10000xf32, #tpu.memory_space<vmem>>, vector<16xf32>,
        tpu.vector_store %arg13[%parallel_loop3A_141], %parallel_loop3A_140 {strides = array<i32>} : memref<10000xf32, #tpu.memory_space<vmem>>, vector<16xf32>,
        %parallel_loop3A_143 = arith.index_cast %parallel_loop3A_134 : i32 to index
        %parallel_loop3A_144 = tpu.vector_load %arg9[%parallel_loop3A_143] {strides = array<i32>} : memref<10000xi32, #tpu.memory_space<vmem>>, vector<16xi32>,
        %parallel_loop3A_145 = arith.constant 0.000000e+00 : f32
        %parallel_loop3A_146 = vector.broadcast %parallel_loop3A_145 : f32 to vector<16xf32>
        %parallel_loop3A_147 = arith.cmpf olt, %parallel_loop3A_136, %parallel_loop3A_146 : vector<16xf32>
        %parallel_loop3A_148 = arith.constant 100352 : i32
        %parallel_loop3A_149 = arith.constant 0 : i32
        %parallel_loop3A_150 = vector.broadcast %parallel_loop3A_148 : i32 to vector<16xi32>
        %parallel_loop3A_151 = vector.broadcast %parallel_loop3A_149 : i32 to vector<16xi32>
        %parallel_loop3A_152 = arith.select %parallel_loop3A_147, %parallel_loop3A_150, %parallel_loop3A_151 : vector<16xi1>, vector<16xi32>
        %parallel_loop3A_153 = arith.addi %parallel_loop3A_144, %parallel_loop3A_152 : vector<16xi32>
        %parallel_loop3A_154 = arith.index_cast %parallel_loop3A_134 : i32 to index
        %parallel_loop3A_155 = tpu.vector_load %arg15[%parallel_loop3A_154] {strides = array<i32>} : memref<10000xi32, #tpu.memory_space<vmem>>, vector<16xi32>,
        tpu.vector_store %arg15[%parallel_loop3A_154], %parallel_loop3A_153 {strides = array<i32>} : memref<10000xi32, #tpu.memory_space<vmem>>, vector<16xi32>,
      } {sc.loop_unroll_factor = 5 : i64, sc.parallel_access}
      %dma_start3A_124 = arith.constant 0 : i32
      %dma_start3A_125 = tpu.memref_slice %arg18[%dma_start3A_124] : memref<200704xf32, #tpu.memory_space<vmem_shared>> -> memref<200704xf32, #tpu.memory_space<vmem_shared>>
      tpu.enqueue_indirect_dma source(%arg13 : memref<10000xf32, #tpu.memory_space<vmem>>) target(%dma_start3A_125 : memref<200704xf32, #tpu.memory_space<vmem_shared>>) offsets(%arg15 : memref<10000xi32, #tpu.memory_space<vmem>>) semaphore(%arg26 : memref<!tpu.dma_semaphore, #tpu.memory_space<semaphore_mem>>) {add = true}
      %add3A_126 = arith.constant 2 : i32
      %add3A_127 = arith.addi %add3A_103, %add3A_126 : i32
      %lt3A_128 = arith.constant 20 : i32
      %lt3A_129 = arith.cmpi slt, %add3A_127, %lt3A_128 : i32
      %convert_element_type3A_130 = arith.extui %lt3A_129 : i1 to i32
      %cond3A_131 = arith.constant 0 : i32
      %cond3A_132 = arith.cmpi ne, %convert_element_type3A_130, %cond3A_131 : i32
      scf.if %cond3A_132 {
        %add3A_134 = arith.constant 2 : i32
        %add3A_135 = arith.addi %add3A_103, %add3A_134 : i32
        %mul3A_136 = arith.constant 10000 : i32
        %mul3A_137 = arith.muli %add3A_135, %mul3A_136 : i32
        %add3A_138 = arith.addi %mul3A_2, %mul3A_137 : i32
        %dma_start3A_139 = tpu.memref_slice %arg2[%add3A_138] : memref<12800000xi32, #tpu.memory_space<hbm>> -> memref<10000xi32, #tpu.memory_space<hbm>>
        %dma_start3A_140 = tpu.memref_slice %arg2[%add3A_138] : memref<12800000xi32, #tpu.memory_space<hbm>> -> memref<10000xi32, #tpu.memory_space<hbm>>
        tpu.enqueue_dma source(%dma_start3A_140 : memref<10000xi32, #tpu.memory_space<hbm>>) target(%arg7 : memref<10000xi32, #tpu.memory_space<vmem>>) target_semaphore(%arg22 : memref<!tpu.dma_semaphore, #tpu.memory_space<semaphore_mem>>)
        %add3A_141 = arith.constant 6400000 : i32
        %add3A_142 = arith.addi %add3A_141, %add3A_138 : i32
        %dma_start3A_143 = tpu.memref_slice %arg2[%add3A_142] : memref<12800000xi32, #tpu.memory_space<hbm>> -> memref<10000xi32, #tpu.memory_space<hbm>>
        %dma_start3A_144 = tpu.memref_slice %arg2[%add3A_142] : memref<12800000xi32, #tpu.memory_space<hbm>> -> memref<10000xi32, #tpu.memory_space<hbm>>
        tpu.enqueue_dma source(%dma_start3A_144 : memref<10000xi32, #tpu.memory_space<hbm>>) target(%arg9 : memref<10000xi32, #tpu.memory_space<vmem>>) target_semaphore(%arg23 : memref<!tpu.dma_semaphore, #tpu.memory_space<semaphore_mem>>)
        %dma_start3A_145 = tpu.memref_slice %arg3[%add3A_138] : memref<6400000xf32, #tpu.memory_space<hbm>> -> memref<10000xf32, #tpu.memory_space<hbm>>
        %dma_start3A_146 = tpu.memref_slice %arg3[%add3A_138] : memref<6400000xf32, #tpu.memory_space<hbm>> -> memref<10000xf32, #tpu.memory_space<hbm>>
        tpu.enqueue_dma source(%dma_start3A_146 : memref<10000xf32, #tpu.memory_space<hbm>>) target(%arg11 : memref<10000xf32, #tpu.memory_space<vmem>>) target_semaphore(%arg24 : memref<!tpu.dma_semaphore, #tpu.memory_space<semaphore_mem>>)
      } else {
      }
      %scan3A_133 = arith.constant 0 : i32
      scf.yield %scan3A_133 : i32
    }
    %scan3A_42 = arith.constant 10 : i32
    %dma_wait3A = arith.constant 0 : i32
    %dma_wait3A_43 = tpu.memref_slice %arg18[%dma_wait3A] : memref<200704xf32, #tpu.memory_space<vmem_shared>> -> memref<200704xf32, #tpu.memory_space<vmem_shared>>
    tpu.wait_indirect_dma semaphore(%arg25 : memref<!tpu.dma_semaphore, #tpu.memory_space<semaphore_mem>>) src(%arg12 : memref<10000xf32, #tpu.memory_space<vmem>>) dst(%dma_wait3A_43 : memref<200704xf32, #tpu.memory_space<vmem_shared>>)
    %dma_wait3A_44 = arith.constant 0 : i32
    %dma_wait3A_45 = tpu.memref_slice %arg18[%dma_wait3A_44] : memref<200704xf32, #tpu.memory_space<vmem_shared>> -> memref<200704xf32, #tpu.memory_space<vmem_shared>>
    tpu.wait_indirect_dma semaphore(%arg26 : memref<!tpu.dma_semaphore, #tpu.memory_space<semaphore_mem>>) src(%arg13 : memref<10000xf32, #tpu.memory_space<vmem>>) dst(%dma_wait3A_45 : memref<200704xf32, #tpu.memory_space<vmem_shared>>)
    %barrier3A_46 = arith.constant 0 : index
    tpu.barrier barrier_id(%barrier3A_46)
    %mul3A_47 = arith.constant 6272 : i32
    %mul3A_48 = arith.muli %arg1, %mul3A_47 : i32
    %mul3A_49 = arith.constant 2 : i32
    %mul3A_50 = arith.muli %mul3A_49, %arg0 : i32
    %mul3A_51 = arith.constant 100352 : i32
    %mul3A_52 = arith.muli %mul3A_50, %mul3A_51 : i32
    %mul3A_53 = arith.constant 6272 : i32
    %mul3A_54 = arith.muli %arg1, %mul3A_53 : i32
    %add3A_55 = arith.addi %mul3A_52, %mul3A_54 : i32
    "tpu.region"() ({
      %run_scoped3A = tpu.sem_alloc : memref<!tpu.dma_semaphore, #tpu.memory_space<semaphore_mem>>
      %dma_start3A_69 = tpu.memref_slice %arg18[%mul3A_48] : memref<200704xf32, #tpu.memory_space<vmem_shared>> -> memref<6272xf32, #tpu.memory_space<vmem_shared>>
      %dma_start3A_70 = tpu.memref_slice %arg18[%mul3A_48] : memref<200704xf32, #tpu.memory_space<vmem_shared>> -> memref<6272xf32, #tpu.memory_space<vmem_shared>>
      tpu.enqueue_dma source(%dma_start3A_70 : memref<6272xf32, #tpu.memory_space<vmem_shared>>) target(%arg16 : memref<6272xf32, #tpu.memory_space<vmem>>) target_semaphore(%run_scoped3A : memref<!tpu.dma_semaphore, #tpu.memory_space<semaphore_mem>>)
      %dma_wait3A_71 = tpu.memref_slice %arg18[%mul3A_48] : memref<200704xf32, #tpu.memory_space<vmem_shared>> -> memref<6272xf32, #tpu.memory_space<vmem_shared>>
      %dma_wait3A_72 = tpu.memref_slice %arg18[%mul3A_48] : memref<200704xf32, #tpu.memory_space<vmem_shared>> -> memref<6272xf32, #tpu.memory_space<vmem_shared>>
      tpu.wait_dma2 semaphore(%run_scoped3A : memref<!tpu.dma_semaphore, #tpu.memory_space<semaphore_mem>>) src(%dma_wait3A_72 : memref<6272xf32, #tpu.memory_space<vmem_shared>>) dst(%arg16 : memref<6272xf32, #tpu.memory_space<vmem>>)
      tpu.yield
    }) : () -> ()
    "tpu.region"() ({
      %run_scoped3A = tpu.sem_alloc : memref<!tpu.dma_semaphore, #tpu.memory_space<semaphore_mem>>
      %dma_start3A_69 = tpu.memref_slice %arg5[%add3A_55] : memref<401408xf32, #tpu.memory_space<hbm>> -> memref<6272xf32, #tpu.memory_space<hbm>>
      %dma_start3A_70 = tpu.memref_slice %arg5[%add3A_55] : memref<401408xf32, #tpu.memory_space<hbm>> -> memref<6272xf32, #tpu.memory_space<hbm>>
      tpu.enqueue_dma source(%arg16 : memref<6272xf32, #tpu.memory_space<vmem>>) target(%dma_start3A_70 : memref<6272xf32, #tpu.memory_space<hbm>>) target_semaphore(%run_scoped3A : memref<!tpu.dma_semaphore, #tpu.memory_space<semaphore_mem>>)
      %dma_wait3A_71 = tpu.memref_slice %arg5[%add3A_55] : memref<401408xf32, #tpu.memory_space<hbm>> -> memref<6272xf32, #tpu.memory_space<hbm>>
      %dma_wait3A_72 = tpu.memref_slice %arg5[%add3A_55] : memref<401408xf32, #tpu.memory_space<hbm>> -> memref<6272xf32, #tpu.memory_space<hbm>>
      tpu.wait_dma2 semaphore(%run_scoped3A : memref<!tpu.dma_semaphore, #tpu.memory_space<semaphore_mem>>) src(%arg16 : memref<6272xf32, #tpu.memory_space<vmem>>) dst(%dma_wait3A_72 : memref<6272xf32, #tpu.memory_space<hbm>>)
      tpu.yield
    }) : () -> ()
    %mul3A_56 = arith.constant 6272 : i32
    %mul3A_57 = arith.muli %arg1, %mul3A_56 : i32
    %add3A_58 = arith.constant 100352 : i32
    %add3A_59 = arith.addi %add3A_58, %mul3A_57 : i32
    %mul3A_60 = arith.constant 2 : i32
    %mul3A_61 = arith.muli %mul3A_60, %arg0 : i32
    %add3A_62 = arith.constant 1 : i32
    %add3A_63 = arith.addi %mul3A_61, %add3A_62 : i32
    %mul3A_64 = arith.constant 100352 : i32
    %mul3A_65 = arith.muli %add3A_63, %mul3A_64 : i32
    %mul3A_66 = arith.constant 6272 : i32
    %mul3A_67 = arith.muli %arg1, %mul3A_66 : i32
    %add3A_68 = arith.addi %mul3A_65, %mul3A_67 : i32
    "tpu.region"() ({
      %run_scoped3A = tpu.sem_alloc : memref<!tpu.dma_semaphore, #tpu.memory_space<semaphore_mem>>
      %dma_start3A_69 = tpu.memref_slice %arg18[%add3A_59] : memref<200704xf32, #tpu.memory_space<vmem_shared>> -> memref<6272xf32, #tpu.memory_space<vmem_shared>>
      %dma_start3A_70 = tpu.memref_slice %arg18[%add3A_59] : memref<200704xf32, #tpu.memory_space<vmem_shared>> -> memref<6272xf32, #tpu.memory_space<vmem_shared>>
      tpu.enqueue_dma source(%dma_start3A_70 : memref<6272xf32, #tpu.memory_space<vmem_shared>>) target(%arg16 : memref<6272xf32, #tpu.memory_space<vmem>>) target_semaphore(%run_scoped3A : memref<!tpu.dma_semaphore, #tpu.memory_space<semaphore_mem>>)
      %dma_wait3A_71 = tpu.memref_slice %arg18[%add3A_59] : memref<200704xf32, #tpu.memory_space<vmem_shared>> -> memref<6272xf32, #tpu.memory_space<vmem_shared>>
      %dma_wait3A_72 = tpu.memref_slice %arg18[%add3A_59] : memref<200704xf32, #tpu.memory_space<vmem_shared>> -> memref<6272xf32, #tpu.memory_space<vmem_shared>>
      tpu.wait_dma2 semaphore(%run_scoped3A : memref<!tpu.dma_semaphore, #tpu.memory_space<semaphore_mem>>) src(%dma_wait3A_72 : memref<6272xf32, #tpu.memory_space<vmem_shared>>) dst(%arg16 : memref<6272xf32, #tpu.memory_space<vmem>>)
      tpu.yield
    }) : () -> ()
    "tpu.region"() ({
      %run_scoped3A = tpu.sem_alloc : memref<!tpu.dma_semaphore, #tpu.memory_space<semaphore_mem>>
      %dma_start3A_69 = tpu.memref_slice %arg5[%add3A_68] : memref<401408xf32, #tpu.memory_space<hbm>> -> memref<6272xf32, #tpu.memory_space<hbm>>
      %dma_start3A_70 = tpu.memref_slice %arg5[%add3A_68] : memref<401408xf32, #tpu.memory_space<hbm>> -> memref<6272xf32, #tpu.memory_space<hbm>>
      tpu.enqueue_dma source(%arg16 : memref<6272xf32, #tpu.memory_space<vmem>>) target(%dma_start3A_70 : memref<6272xf32, #tpu.memory_space<hbm>>) target_semaphore(%run_scoped3A : memref<!tpu.dma_semaphore, #tpu.memory_space<semaphore_mem>>)
      %dma_wait3A_71 = tpu.memref_slice %arg5[%add3A_68] : memref<401408xf32, #tpu.memory_space<hbm>> -> memref<6272xf32, #tpu.memory_space<hbm>>
      %dma_wait3A_72 = tpu.memref_slice %arg5[%add3A_68] : memref<401408xf32, #tpu.memory_space<hbm>> -> memref<6272xf32, #tpu.memory_space<hbm>>
      tpu.wait_dma2 semaphore(%run_scoped3A : memref<!tpu.dma_semaphore, #tpu.memory_space<semaphore_mem>>) src(%arg16 : memref<6272xf32, #tpu.memory_space<vmem>>) dst(%dma_wait3A_72 : memref<6272xf32, #tpu.memory_space<hbm>>)
      tpu.yield
    }) : () -> ()
    return
  }
}

#map = affine_map<(d0, d1) -> (0)>
module attributes {stable_mosaic.version = 14 : i64} {
  func.func @_pb_body(%arg0: i32, %arg1: i32, %arg2: memref<12800000xi32, #tpu.memory_space<hbm>>, %arg3: memref<6400000xf32, #tpu.memory_space<hbm>>, %arg4: memref<100352xf32, #tpu.memory_space<hbm>>, %arg5: memref<200704xf32, #tpu.memory_space<hbm>>, %arg6: memref<10000xi32, #tpu.memory_space<vmem>>, %arg7: memref<10000xi32, #tpu.memory_space<vmem>>, %arg8: memref<10000xi32, #tpu.memory_space<vmem>>, %arg9: memref<10000xi32, #tpu.memory_space<vmem>>, %arg10: memref<10000xf32, #tpu.memory_space<vmem>>, %arg11: memref<10000xf32, #tpu.memory_space<vmem>>, %arg12: memref<10000xf32, #tpu.memory_space<vmem>>, %arg13: memref<10000xf32, #tpu.memory_space<vmem>>, %arg14: memref<10000xi32, #tpu.memory_space<vmem>>, %arg15: memref<10000xi32, #tpu.memory_space<vmem>>, %arg16: memref<6272xf32, #tpu.memory_space<vmem>>, %arg17: memref<100352xf32, #tpu.memory_space<vmem_shared>>, %arg18: memref<100352xf32, #tpu.memory_space<vmem_shared>>, %arg19: memref<!tpu.dma_semaphore, #tpu.memory_space<semaphore_mem>>, %arg20: memref<!tpu.dma_semaphore, #tpu.memory_space<semaphore_mem>>, %arg21: memref<!tpu.dma_semaphore, #tpu.memory_space<semaphore_mem>>, %arg22: memref<!tpu.dma_semaphore, #tpu.memory_space<semaphore_mem>>, %arg23: memref<!tpu.dma_semaphore, #tpu.memory_space<semaphore_mem>>, %arg24: memref<!tpu.dma_semaphore, #tpu.memory_space<semaphore_mem>>, %arg25: memref<!tpu.dma_semaphore, #tpu.memory_space<semaphore_mem>>, %arg26: memref<!tpu.dma_semaphore, #tpu.memory_space<semaphore_mem>>) attributes {dimension_semantics = [#tpu.dimension_semantics<core_parallel>, #tpu.dimension_semantics<subcore_parallel>], iteration_bounds = array<i64: 2, 16>, scalar_prefetch = 0 : i64, scratch_operands = 21 : i64, tpu.core_type = #tpu.core_type<sc_vector_subcore>, window_params = [{transform_indices = #map}, {transform_indices = #map}, {transform_indices = #map}, {transform_indices = #map}]} {
    %mul3A = arith.constant 16 : i32
    %mul3A_0 = arith.muli %arg0, %mul3A : i32
    %add3A = arith.addi %mul3A_0, %arg1 : i32
    %mul3A_1 = arith.constant 200000 : i32
    %mul3A_2 = arith.muli %add3A, %mul3A_1 : i32
    %mul3A_3 = arith.constant 6272 : i32
    %mul3A_4 = arith.muli %arg1, %mul3A_3 : i32
    %parallel_loop3A = arith.constant 0 : i32
    %parallel_loop3A_5 = arith.constant 6272 : i32
    %parallel_loop3A_6 = arith.constant 16 : i32
    scf.for %parallel_loop3A_49 = %parallel_loop3A to %parallel_loop3A_5 step %parallel_loop3A_6  : i32 {
      %parallel_loop3A_50 = arith.constant 0.000000e+00 : f32
      %parallel_loop3A_51 = vector.broadcast %parallel_loop3A_50 : f32 to vector<16xf32>
      %parallel_loop3A_52 = arith.index_cast %parallel_loop3A_49 : i32 to index
      %parallel_loop3A_53 = tpu.vector_load %arg16[%parallel_loop3A_52] {strides = array<i32>} : memref<6272xf32, #tpu.memory_space<vmem>>, vector<16xf32>,
      tpu.vector_store %arg16[%parallel_loop3A_52], %parallel_loop3A_51 {strides = array<i32>} : memref<6272xf32, #tpu.memory_space<vmem>>, vector<16xf32>,
    } {sc.loop_unroll_factor = 8 : i64, sc.parallel_access}
    "tpu.region"() ({
      %run_scoped3A = tpu.sem_alloc : memref<!tpu.dma_semaphore, #tpu.memory_space<semaphore_mem>>
      %dma_start3A_49 = tpu.memref_slice %arg18[%mul3A_4] : memref<100352xf32, #tpu.memory_space<vmem_shared>> -> memref<6272xf32, #tpu.memory_space<vmem_shared>>
      %dma_start3A_50 = tpu.memref_slice %arg18[%mul3A_4] : memref<100352xf32, #tpu.memory_space<vmem_shared>> -> memref<6272xf32, #tpu.memory_space<vmem_shared>>
      tpu.enqueue_dma source(%arg16 : memref<6272xf32, #tpu.memory_space<vmem>>) target(%dma_start3A_50 : memref<6272xf32, #tpu.memory_space<vmem_shared>>) target_semaphore(%run_scoped3A : memref<!tpu.dma_semaphore, #tpu.memory_space<semaphore_mem>>)
      %dma_wait3A_51 = tpu.memref_slice %arg18[%mul3A_4] : memref<100352xf32, #tpu.memory_space<vmem_shared>> -> memref<6272xf32, #tpu.memory_space<vmem_shared>>
      %dma_wait3A_52 = tpu.memref_slice %arg18[%mul3A_4] : memref<100352xf32, #tpu.memory_space<vmem_shared>> -> memref<6272xf32, #tpu.memory_space<vmem_shared>>
      tpu.wait_dma2 semaphore(%run_scoped3A : memref<!tpu.dma_semaphore, #tpu.memory_space<semaphore_mem>>) src(%arg16 : memref<6272xf32, #tpu.memory_space<vmem>>) dst(%dma_wait3A_52 : memref<6272xf32, #tpu.memory_space<vmem_shared>>)
      tpu.yield
    }) : () -> ()
    %mul3A_7 = arith.constant 6272 : i32
    %mul3A_8 = arith.muli %arg1, %mul3A_7 : i32
    "tpu.region"() ({
      %run_scoped3A = tpu.sem_alloc : memref<!tpu.dma_semaphore, #tpu.memory_space<semaphore_mem>>
      %dma_start3A_49 = tpu.memref_slice %arg4[%mul3A_8] : memref<100352xf32, #tpu.memory_space<hbm>> -> memref<6272xf32, #tpu.memory_space<hbm>>
      %dma_start3A_50 = tpu.memref_slice %arg4[%mul3A_8] : memref<100352xf32, #tpu.memory_space<hbm>> -> memref<6272xf32, #tpu.memory_space<hbm>>
      tpu.enqueue_dma source(%dma_start3A_50 : memref<6272xf32, #tpu.memory_space<hbm>>) target(%arg16 : memref<6272xf32, #tpu.memory_space<vmem>>) target_semaphore(%run_scoped3A : memref<!tpu.dma_semaphore, #tpu.memory_space<semaphore_mem>>)
      %dma_wait3A_51 = tpu.memref_slice %arg4[%mul3A_8] : memref<100352xf32, #tpu.memory_space<hbm>> -> memref<6272xf32, #tpu.memory_space<hbm>>
      %dma_wait3A_52 = tpu.memref_slice %arg4[%mul3A_8] : memref<100352xf32, #tpu.memory_space<hbm>> -> memref<6272xf32, #tpu.memory_space<hbm>>
      tpu.wait_dma2 semaphore(%run_scoped3A : memref<!tpu.dma_semaphore, #tpu.memory_space<semaphore_mem>>) src(%dma_wait3A_52 : memref<6272xf32, #tpu.memory_space<hbm>>) dst(%arg16 : memref<6272xf32, #tpu.memory_space<vmem>>)
      tpu.yield
    }) : () -> ()
    %mul3A_9 = arith.constant 6272 : i32
    %mul3A_10 = arith.muli %arg1, %mul3A_9 : i32
    "tpu.region"() ({
      %run_scoped3A = tpu.sem_alloc : memref<!tpu.dma_semaphore, #tpu.memory_space<semaphore_mem>>
      %dma_start3A_49 = tpu.memref_slice %arg17[%mul3A_10] : memref<100352xf32, #tpu.memory_space<vmem_shared>> -> memref<6272xf32, #tpu.memory_space<vmem_shared>>
      %dma_start3A_50 = tpu.memref_slice %arg17[%mul3A_10] : memref<100352xf32, #tpu.memory_space<vmem_shared>> -> memref<6272xf32, #tpu.memory_space<vmem_shared>>
      tpu.enqueue_dma source(%arg16 : memref<6272xf32, #tpu.memory_space<vmem>>) target(%dma_start3A_50 : memref<6272xf32, #tpu.memory_space<vmem_shared>>) target_semaphore(%run_scoped3A : memref<!tpu.dma_semaphore, #tpu.memory_space<semaphore_mem>>)
      %dma_wait3A_51 = tpu.memref_slice %arg17[%mul3A_10] : memref<100352xf32, #tpu.memory_space<vmem_shared>> -> memref<6272xf32, #tpu.memory_space<vmem_shared>>
      %dma_wait3A_52 = tpu.memref_slice %arg17[%mul3A_10] : memref<100352xf32, #tpu.memory_space<vmem_shared>> -> memref<6272xf32, #tpu.memory_space<vmem_shared>>
      tpu.wait_dma2 semaphore(%run_scoped3A : memref<!tpu.dma_semaphore, #tpu.memory_space<semaphore_mem>>) src(%arg16 : memref<6272xf32, #tpu.memory_space<vmem>>) dst(%dma_wait3A_52 : memref<6272xf32, #tpu.memory_space<vmem_shared>>)
      tpu.yield
    }) : () -> ()
    %barrier3A = arith.constant 0 : index
    tpu.barrier barrier_id(%barrier3A)
    %add3A_11 = arith.constant 0 : i32
    %add3A_12 = arith.addi %mul3A_2, %add3A_11 : i32
    %dma_start3A = tpu.memref_slice %arg2[%add3A_12] : memref<12800000xi32, #tpu.memory_space<hbm>> -> memref<10000xi32, #tpu.memory_space<hbm>>
    %dma_start3A_13 = tpu.memref_slice %arg2[%add3A_12] : memref<12800000xi32, #tpu.memory_space<hbm>> -> memref<10000xi32, #tpu.memory_space<hbm>>
    tpu.enqueue_dma source(%dma_start3A_13 : memref<10000xi32, #tpu.memory_space<hbm>>) target(%arg6 : memref<10000xi32, #tpu.memory_space<vmem>>) target_semaphore(%arg19 : memref<!tpu.dma_semaphore, #tpu.memory_space<semaphore_mem>>)
    %add3A_14 = arith.constant 6400000 : i32
    %add3A_15 = arith.addi %add3A_14, %add3A_12 : i32
    %dma_start3A_16 = tpu.memref_slice %arg2[%add3A_15] : memref<12800000xi32, #tpu.memory_space<hbm>> -> memref<10000xi32, #tpu.memory_space<hbm>>
    %dma_start3A_17 = tpu.memref_slice %arg2[%add3A_15] : memref<12800000xi32, #tpu.memory_space<hbm>> -> memref<10000xi32, #tpu.memory_space<hbm>>
    tpu.enqueue_dma source(%dma_start3A_17 : memref<10000xi32, #tpu.memory_space<hbm>>) target(%arg8 : memref<10000xi32, #tpu.memory_space<vmem>>) target_semaphore(%arg20 : memref<!tpu.dma_semaphore, #tpu.memory_space<semaphore_mem>>)
    %dma_start3A_18 = tpu.memref_slice %arg3[%add3A_12] : memref<6400000xf32, #tpu.memory_space<hbm>> -> memref<10000xf32, #tpu.memory_space<hbm>>
    %dma_start3A_19 = tpu.memref_slice %arg3[%add3A_12] : memref<6400000xf32, #tpu.memory_space<hbm>> -> memref<10000xf32, #tpu.memory_space<hbm>>
    tpu.enqueue_dma source(%dma_start3A_19 : memref<10000xf32, #tpu.memory_space<hbm>>) target(%arg10 : memref<10000xf32, #tpu.memory_space<vmem>>) target_semaphore(%arg21 : memref<!tpu.dma_semaphore, #tpu.memory_space<semaphore_mem>>)
    %add3A_20 = arith.constant 10000 : i32
    %add3A_21 = arith.addi %mul3A_2, %add3A_20 : i32
    %dma_start3A_22 = tpu.memref_slice %arg2[%add3A_21] : memref<12800000xi32, #tpu.memory_space<hbm>> -> memref<10000xi32, #tpu.memory_space<hbm>>
    %dma_start3A_23 = tpu.memref_slice %arg2[%add3A_21] : memref<12800000xi32, #tpu.memory_space<hbm>> -> memref<10000xi32, #tpu.memory_space<hbm>>
    tpu.enqueue_dma source(%dma_start3A_23 : memref<10000xi32, #tpu.memory_space<hbm>>) target(%arg7 : memref<10000xi32, #tpu.memory_space<vmem>>) target_semaphore(%arg22 : memref<!tpu.dma_semaphore, #tpu.memory_space<semaphore_mem>>)
    %add3A_24 = arith.constant 6400000 : i32
    %add3A_25 = arith.addi %add3A_24, %add3A_21 : i32
    %dma_start3A_26 = tpu.memref_slice %arg2[%add3A_25] : memref<12800000xi32, #tpu.memory_space<hbm>> -> memref<10000xi32, #tpu.memory_space<hbm>>
    %dma_start3A_27 = tpu.memref_slice %arg2[%add3A_25] : memref<12800000xi32, #tpu.memory_space<hbm>> -> memref<10000xi32, #tpu.memory_space<hbm>>
    tpu.enqueue_dma source(%dma_start3A_27 : memref<10000xi32, #tpu.memory_space<hbm>>) target(%arg9 : memref<10000xi32, #tpu.memory_space<vmem>>) target_semaphore(%arg23 : memref<!tpu.dma_semaphore, #tpu.memory_space<semaphore_mem>>)
    %dma_start3A_28 = tpu.memref_slice %arg3[%add3A_21] : memref<6400000xf32, #tpu.memory_space<hbm>> -> memref<10000xf32, #tpu.memory_space<hbm>>
    %dma_start3A_29 = tpu.memref_slice %arg3[%add3A_21] : memref<6400000xf32, #tpu.memory_space<hbm>> -> memref<10000xf32, #tpu.memory_space<hbm>>
    tpu.enqueue_dma source(%dma_start3A_29 : memref<10000xf32, #tpu.memory_space<hbm>>) target(%arg11 : memref<10000xf32, #tpu.memory_space<vmem>>) target_semaphore(%arg24 : memref<!tpu.dma_semaphore, #tpu.memory_space<semaphore_mem>>)
    %scan3A = arith.constant 0 : i32
    %scan3A_30 = arith.constant 0 : i32
    %scan3A_31 = arith.constant 10 : i32
    %scan3A_32 = arith.addi %scan3A_30, %scan3A_31 : i32
    %scan3A_33 = arith.constant 1 : i32
    %scan3A_34 = scf.for %scan3A_49 = %scan3A_30 to %scan3A_32 step %scan3A_33 iter_args(%scan3A_50 = %scan3A) -> (i32)  : i32 {
      %mul3A_51 = arith.constant 2 : i32
      %mul3A_52 = arith.muli %mul3A_51, %scan3A_49 : i32
      %add3A_53 = arith.constant 0 : i32
      %add3A_54 = arith.addi %mul3A_52, %add3A_53 : i32
      %dma_wait3A_55 = arith.constant 0 : i32
      %dma_wait3A_56 = tpu.memref_slice %arg2[%dma_wait3A_55] : memref<12800000xi32, #tpu.memory_space<hbm>> -> memref<10000xi32, #tpu.memory_space<hbm>>
      %dma_wait3A_57 = arith.constant 0 : i32
      %dma_wait3A_58 = tpu.memref_slice %arg2[%dma_wait3A_57] : memref<12800000xi32, #tpu.memory_space<hbm>> -> memref<10000xi32, #tpu.memory_space<hbm>>
      tpu.wait_dma2 semaphore(%arg19 : memref<!tpu.dma_semaphore, #tpu.memory_space<semaphore_mem>>) src(%dma_wait3A_58 : memref<10000xi32, #tpu.memory_space<hbm>>) dst(%arg6 : memref<10000xi32, #tpu.memory_space<vmem>>)
      %dma_wait3A_59 = arith.constant 0 : i32
      %dma_wait3A_60 = tpu.memref_slice %arg2[%dma_wait3A_59] : memref<12800000xi32, #tpu.memory_space<hbm>> -> memref<10000xi32, #tpu.memory_space<hbm>>
      %dma_wait3A_61 = arith.constant 0 : i32
      %dma_wait3A_62 = tpu.memref_slice %arg2[%dma_wait3A_61] : memref<12800000xi32, #tpu.memory_space<hbm>> -> memref<10000xi32, #tpu.memory_space<hbm>>
      tpu.wait_dma2 semaphore(%arg20 : memref<!tpu.dma_semaphore, #tpu.memory_space<semaphore_mem>>) src(%dma_wait3A_62 : memref<10000xi32, #tpu.memory_space<hbm>>) dst(%arg8 : memref<10000xi32, #tpu.memory_space<vmem>>)
      %dma_wait3A_63 = arith.constant 0 : i32
      %dma_wait3A_64 = tpu.memref_slice %arg3[%dma_wait3A_63] : memref<6400000xf32, #tpu.memory_space<hbm>> -> memref<10000xf32, #tpu.memory_space<hbm>>
      %dma_wait3A_65 = arith.constant 0 : i32
      %dma_wait3A_66 = tpu.memref_slice %arg3[%dma_wait3A_65] : memref<6400000xf32, #tpu.memory_space<hbm>> -> memref<10000xf32, #tpu.memory_space<hbm>>
      tpu.wait_dma2 semaphore(%arg21 : memref<!tpu.dma_semaphore, #tpu.memory_space<semaphore_mem>>) src(%dma_wait3A_66 : memref<10000xf32, #tpu.memory_space<hbm>>) dst(%arg10 : memref<10000xf32, #tpu.memory_space<vmem>>)
      %gt3A = arith.constant 0 : i32
      %gt3A_67 = arith.cmpi sgt, %scan3A_49, %gt3A : i32
      %convert_element_type3A = arith.extui %gt3A_67 : i1 to i32
      %cond3A = arith.constant 0 : i32
      %cond3A_68 = arith.cmpi ne, %convert_element_type3A, %cond3A : i32
      scf.if %cond3A_68 {
        %dma_wait3A_114 = arith.constant 0 : i32
        %dma_wait3A_115 = tpu.memref_slice %arg18[%dma_wait3A_114] : memref<100352xf32, #tpu.memory_space<vmem_shared>> -> memref<100352xf32, #tpu.memory_space<vmem_shared>>
        tpu.wait_indirect_dma semaphore(%arg25 : memref<!tpu.dma_semaphore, #tpu.memory_space<semaphore_mem>>) src(%arg12 : memref<10000xf32, #tpu.memory_space<vmem>>) dst(%dma_wait3A_115 : memref<100352xf32, #tpu.memory_space<vmem_shared>>)
      } else {
      }
      "tpu.region"() ({
        %run_scoped3A = tpu.sem_alloc : memref<!tpu.dma_semaphore, #tpu.memory_space<semaphore_mem>>
        %dma_start3A_114 = arith.constant 0 : i32
        %dma_start3A_115 = tpu.memref_slice %arg17[%dma_start3A_114] : memref<100352xf32, #tpu.memory_space<vmem_shared>> -> memref<100352xf32, #tpu.memory_space<vmem_shared>>
        tpu.enqueue_indirect_dma source(%dma_start3A_115 : memref<100352xf32, #tpu.memory_space<vmem_shared>>) target(%arg12 : memref<10000xf32, #tpu.memory_space<vmem>>) offsets(%arg6 : memref<10000xi32, #tpu.memory_space<vmem>>) semaphore(%run_scoped3A : memref<!tpu.dma_semaphore, #tpu.memory_space<semaphore_mem>>)
        %dma_wait3A_116 = arith.constant 0 : i32
        %dma_wait3A_117 = tpu.memref_slice %arg17[%dma_wait3A_116] : memref<100352xf32, #tpu.memory_space<vmem_shared>> -> memref<100352xf32, #tpu.memory_space<vmem_shared>>
        tpu.wait_indirect_dma semaphore(%run_scoped3A : memref<!tpu.dma_semaphore, #tpu.memory_space<semaphore_mem>>) src(%dma_wait3A_117 : memref<100352xf32, #tpu.memory_space<vmem_shared>>) dst(%arg12 : memref<10000xf32, #tpu.memory_space<vmem>>)
        tpu.yield
      }) : () -> ()
      %parallel_loop3A_69 = arith.constant 0 : i32
      %parallel_loop3A_70 = arith.constant 10000 : i32
      %parallel_loop3A_71 = arith.constant 16 : i32
      scf.for %parallel_loop3A_114 = %parallel_loop3A_69 to %parallel_loop3A_70 step %parallel_loop3A_71  : i32 {
        %parallel_loop3A_115 = arith.index_cast %parallel_loop3A_114 : i32 to index
        %parallel_loop3A_116 = tpu.vector_load %arg12[%parallel_loop3A_115] {strides = array<i32>} : memref<10000xf32, #tpu.memory_space<vmem>>, vector<16xf32>,
        %parallel_loop3A_117 = arith.index_cast %parallel_loop3A_114 : i32 to index
        %parallel_loop3A_118 = tpu.vector_load %arg10[%parallel_loop3A_117] {strides = array<i32>} : memref<10000xf32, #tpu.memory_space<vmem>>, vector<16xf32>,
        %parallel_loop3A_119 = arith.mulf %parallel_loop3A_116, %parallel_loop3A_118 : vector<16xf32>
        %parallel_loop3A_120 = arith.index_cast %parallel_loop3A_114 : i32 to index
        %parallel_loop3A_121 = tpu.vector_load %arg12[%parallel_loop3A_120] {strides = array<i32>} : memref<10000xf32, #tpu.memory_space<vmem>>, vector<16xf32>,
        tpu.vector_store %arg12[%parallel_loop3A_120], %parallel_loop3A_119 {strides = array<i32>} : memref<10000xf32, #tpu.memory_space<vmem>>, vector<16xf32>,
        %parallel_loop3A_122 = arith.index_cast %parallel_loop3A_114 : i32 to index
        %parallel_loop3A_123 = tpu.vector_load %arg8[%parallel_loop3A_122] {strides = array<i32>} : memref<10000xi32, #tpu.memory_space<vmem>>, vector<16xi32>,
        %parallel_loop3A_124 = arith.index_cast %parallel_loop3A_114 : i32 to index
        %parallel_loop3A_125 = tpu.vector_load %arg14[%parallel_loop3A_124] {strides = array<i32>} : memref<10000xi32, #tpu.memory_space<vmem>>, vector<16xi32>,
        tpu.vector_store %arg14[%parallel_loop3A_124], %parallel_loop3A_123 {strides = array<i32>} : memref<10000xi32, #tpu.memory_space<vmem>>, vector<16xi32>,
      } {sc.loop_unroll_factor = 5 : i64, sc.parallel_access}
      %dma_start3A_72 = arith.constant 0 : i32
      %dma_start3A_73 = tpu.memref_slice %arg18[%dma_start3A_72] : memref<100352xf32, #tpu.memory_space<vmem_shared>> -> memref<100352xf32, #tpu.memory_space<vmem_shared>>
      tpu.enqueue_indirect_dma source(%arg12 : memref<10000xf32, #tpu.memory_space<vmem>>) target(%dma_start3A_73 : memref<100352xf32, #tpu.memory_space<vmem_shared>>) offsets(%arg14 : memref<10000xi32, #tpu.memory_space<vmem>>) semaphore(%arg25 : memref<!tpu.dma_semaphore, #tpu.memory_space<semaphore_mem>>) {add = true}
      %add3A_74 = arith.constant 2 : i32
      %add3A_75 = arith.addi %add3A_54, %add3A_74 : i32
      %lt3A = arith.constant 20 : i32
      %lt3A_76 = arith.cmpi slt, %add3A_75, %lt3A : i32
      %convert_element_type3A_77 = arith.extui %lt3A_76 : i1 to i32
      %cond3A_78 = arith.constant 0 : i32
      %cond3A_79 = arith.cmpi ne, %convert_element_type3A_77, %cond3A_78 : i32
      scf.if %cond3A_79 {
        %add3A_114 = arith.constant 2 : i32
        %add3A_115 = arith.addi %add3A_54, %add3A_114 : i32
        %mul3A_116 = arith.constant 10000 : i32
        %mul3A_117 = arith.muli %add3A_115, %mul3A_116 : i32
        %add3A_118 = arith.addi %mul3A_2, %mul3A_117 : i32
        %dma_start3A_119 = tpu.memref_slice %arg2[%add3A_118] : memref<12800000xi32, #tpu.memory_space<hbm>> -> memref<10000xi32, #tpu.memory_space<hbm>>
        %dma_start3A_120 = tpu.memref_slice %arg2[%add3A_118] : memref<12800000xi32, #tpu.memory_space<hbm>> -> memref<10000xi32, #tpu.memory_space<hbm>>
        tpu.enqueue_dma source(%dma_start3A_120 : memref<10000xi32, #tpu.memory_space<hbm>>) target(%arg6 : memref<10000xi32, #tpu.memory_space<vmem>>) target_semaphore(%arg19 : memref<!tpu.dma_semaphore, #tpu.memory_space<semaphore_mem>>)
        %add3A_121 = arith.constant 6400000 : i32
        %add3A_122 = arith.addi %add3A_121, %add3A_118 : i32
        %dma_start3A_123 = tpu.memref_slice %arg2[%add3A_122] : memref<12800000xi32, #tpu.memory_space<hbm>> -> memref<10000xi32, #tpu.memory_space<hbm>>
        %dma_start3A_124 = tpu.memref_slice %arg2[%add3A_122] : memref<12800000xi32, #tpu.memory_space<hbm>> -> memref<10000xi32, #tpu.memory_space<hbm>>
        tpu.enqueue_dma source(%dma_start3A_124 : memref<10000xi32, #tpu.memory_space<hbm>>) target(%arg8 : memref<10000xi32, #tpu.memory_space<vmem>>) target_semaphore(%arg20 : memref<!tpu.dma_semaphore, #tpu.memory_space<semaphore_mem>>)
        %dma_start3A_125 = tpu.memref_slice %arg3[%add3A_118] : memref<6400000xf32, #tpu.memory_space<hbm>> -> memref<10000xf32, #tpu.memory_space<hbm>>
        %dma_start3A_126 = tpu.memref_slice %arg3[%add3A_118] : memref<6400000xf32, #tpu.memory_space<hbm>> -> memref<10000xf32, #tpu.memory_space<hbm>>
        tpu.enqueue_dma source(%dma_start3A_126 : memref<10000xf32, #tpu.memory_space<hbm>>) target(%arg10 : memref<10000xf32, #tpu.memory_space<vmem>>) target_semaphore(%arg21 : memref<!tpu.dma_semaphore, #tpu.memory_space<semaphore_mem>>)
      } else {
      }
      %mul3A_80 = arith.constant 2 : i32
      %mul3A_81 = arith.muli %mul3A_80, %scan3A_49 : i32
      %add3A_82 = arith.constant 1 : i32
      %add3A_83 = arith.addi %mul3A_81, %add3A_82 : i32
      %dma_wait3A_84 = arith.constant 0 : i32
      %dma_wait3A_85 = tpu.memref_slice %arg2[%dma_wait3A_84] : memref<12800000xi32, #tpu.memory_space<hbm>> -> memref<10000xi32, #tpu.memory_space<hbm>>
      %dma_wait3A_86 = arith.constant 0 : i32
      %dma_wait3A_87 = tpu.memref_slice %arg2[%dma_wait3A_86] : memref<12800000xi32, #tpu.memory_space<hbm>> -> memref<10000xi32, #tpu.memory_space<hbm>>
      tpu.wait_dma2 semaphore(%arg22 : memref<!tpu.dma_semaphore, #tpu.memory_space<semaphore_mem>>) src(%dma_wait3A_87 : memref<10000xi32, #tpu.memory_space<hbm>>) dst(%arg7 : memref<10000xi32, #tpu.memory_space<vmem>>)
      %dma_wait3A_88 = arith.constant 0 : i32
      %dma_wait3A_89 = tpu.memref_slice %arg2[%dma_wait3A_88] : memref<12800000xi32, #tpu.memory_space<hbm>> -> memref<10000xi32, #tpu.memory_space<hbm>>
      %dma_wait3A_90 = arith.constant 0 : i32
      %dma_wait3A_91 = tpu.memref_slice %arg2[%dma_wait3A_90] : memref<12800000xi32, #tpu.memory_space<hbm>> -> memref<10000xi32, #tpu.memory_space<hbm>>
      tpu.wait_dma2 semaphore(%arg23 : memref<!tpu.dma_semaphore, #tpu.memory_space<semaphore_mem>>) src(%dma_wait3A_91 : memref<10000xi32, #tpu.memory_space<hbm>>) dst(%arg9 : memref<10000xi32, #tpu.memory_space<vmem>>)
      %dma_wait3A_92 = arith.constant 0 : i32
      %dma_wait3A_93 = tpu.memref_slice %arg3[%dma_wait3A_92] : memref<6400000xf32, #tpu.memory_space<hbm>> -> memref<10000xf32, #tpu.memory_space<hbm>>
      %dma_wait3A_94 = arith.constant 0 : i32
      %dma_wait3A_95 = tpu.memref_slice %arg3[%dma_wait3A_94] : memref<6400000xf32, #tpu.memory_space<hbm>> -> memref<10000xf32, #tpu.memory_space<hbm>>
      tpu.wait_dma2 semaphore(%arg24 : memref<!tpu.dma_semaphore, #tpu.memory_space<semaphore_mem>>) src(%dma_wait3A_95 : memref<10000xf32, #tpu.memory_space<hbm>>) dst(%arg11 : memref<10000xf32, #tpu.memory_space<vmem>>)
      %gt3A_96 = arith.constant 0 : i32
      %gt3A_97 = arith.cmpi sgt, %scan3A_49, %gt3A_96 : i32
      %convert_element_type3A_98 = arith.extui %gt3A_97 : i1 to i32
      %cond3A_99 = arith.constant 0 : i32
      %cond3A_100 = arith.cmpi ne, %convert_element_type3A_98, %cond3A_99 : i32
      scf.if %cond3A_100 {
        %dma_wait3A_114 = arith.constant 0 : i32
        %dma_wait3A_115 = tpu.memref_slice %arg18[%dma_wait3A_114] : memref<100352xf32, #tpu.memory_space<vmem_shared>> -> memref<100352xf32, #tpu.memory_space<vmem_shared>>
        tpu.wait_indirect_dma semaphore(%arg26 : memref<!tpu.dma_semaphore, #tpu.memory_space<semaphore_mem>>) src(%arg13 : memref<10000xf32, #tpu.memory_space<vmem>>) dst(%dma_wait3A_115 : memref<100352xf32, #tpu.memory_space<vmem_shared>>)
      } else {
      }
      "tpu.region"() ({
        %run_scoped3A = tpu.sem_alloc : memref<!tpu.dma_semaphore, #tpu.memory_space<semaphore_mem>>
        %dma_start3A_114 = arith.constant 0 : i32
        %dma_start3A_115 = tpu.memref_slice %arg17[%dma_start3A_114] : memref<100352xf32, #tpu.memory_space<vmem_shared>> -> memref<100352xf32, #tpu.memory_space<vmem_shared>>
        tpu.enqueue_indirect_dma source(%dma_start3A_115 : memref<100352xf32, #tpu.memory_space<vmem_shared>>) target(%arg13 : memref<10000xf32, #tpu.memory_space<vmem>>) offsets(%arg7 : memref<10000xi32, #tpu.memory_space<vmem>>) semaphore(%run_scoped3A : memref<!tpu.dma_semaphore, #tpu.memory_space<semaphore_mem>>)
        %dma_wait3A_116 = arith.constant 0 : i32
        %dma_wait3A_117 = tpu.memref_slice %arg17[%dma_wait3A_116] : memref<100352xf32, #tpu.memory_space<vmem_shared>> -> memref<100352xf32, #tpu.memory_space<vmem_shared>>
        tpu.wait_indirect_dma semaphore(%run_scoped3A : memref<!tpu.dma_semaphore, #tpu.memory_space<semaphore_mem>>) src(%dma_wait3A_117 : memref<100352xf32, #tpu.memory_space<vmem_shared>>) dst(%arg13 : memref<10000xf32, #tpu.memory_space<vmem>>)
        tpu.yield
      }) : () -> ()
      %parallel_loop3A_101 = arith.constant 0 : i32
      %parallel_loop3A_102 = arith.constant 10000 : i32
      %parallel_loop3A_103 = arith.constant 16 : i32
      scf.for %parallel_loop3A_114 = %parallel_loop3A_101 to %parallel_loop3A_102 step %parallel_loop3A_103  : i32 {
        %parallel_loop3A_115 = arith.index_cast %parallel_loop3A_114 : i32 to index
        %parallel_loop3A_116 = tpu.vector_load %arg13[%parallel_loop3A_115] {strides = array<i32>} : memref<10000xf32, #tpu.memory_space<vmem>>, vector<16xf32>,
        %parallel_loop3A_117 = arith.index_cast %parallel_loop3A_114 : i32 to index
        %parallel_loop3A_118 = tpu.vector_load %arg11[%parallel_loop3A_117] {strides = array<i32>} : memref<10000xf32, #tpu.memory_space<vmem>>, vector<16xf32>,
        %parallel_loop3A_119 = arith.mulf %parallel_loop3A_116, %parallel_loop3A_118 : vector<16xf32>
        %parallel_loop3A_120 = arith.index_cast %parallel_loop3A_114 : i32 to index
        %parallel_loop3A_121 = tpu.vector_load %arg13[%parallel_loop3A_120] {strides = array<i32>} : memref<10000xf32, #tpu.memory_space<vmem>>, vector<16xf32>,
        tpu.vector_store %arg13[%parallel_loop3A_120], %parallel_loop3A_119 {strides = array<i32>} : memref<10000xf32, #tpu.memory_space<vmem>>, vector<16xf32>,
        %parallel_loop3A_122 = arith.index_cast %parallel_loop3A_114 : i32 to index
        %parallel_loop3A_123 = tpu.vector_load %arg9[%parallel_loop3A_122] {strides = array<i32>} : memref<10000xi32, #tpu.memory_space<vmem>>, vector<16xi32>,
        %parallel_loop3A_124 = arith.index_cast %parallel_loop3A_114 : i32 to index
        %parallel_loop3A_125 = tpu.vector_load %arg15[%parallel_loop3A_124] {strides = array<i32>} : memref<10000xi32, #tpu.memory_space<vmem>>, vector<16xi32>,
        tpu.vector_store %arg15[%parallel_loop3A_124], %parallel_loop3A_123 {strides = array<i32>} : memref<10000xi32, #tpu.memory_space<vmem>>, vector<16xi32>,
      } {sc.loop_unroll_factor = 5 : i64, sc.parallel_access}
      %dma_start3A_104 = arith.constant 0 : i32
      %dma_start3A_105 = tpu.memref_slice %arg18[%dma_start3A_104] : memref<100352xf32, #tpu.memory_space<vmem_shared>> -> memref<100352xf32, #tpu.memory_space<vmem_shared>>
      tpu.enqueue_indirect_dma source(%arg13 : memref<10000xf32, #tpu.memory_space<vmem>>) target(%dma_start3A_105 : memref<100352xf32, #tpu.memory_space<vmem_shared>>) offsets(%arg15 : memref<10000xi32, #tpu.memory_space<vmem>>) semaphore(%arg26 : memref<!tpu.dma_semaphore, #tpu.memory_space<semaphore_mem>>) {add = true}
      %add3A_106 = arith.constant 2 : i32
      %add3A_107 = arith.addi %add3A_83, %add3A_106 : i32
      %lt3A_108 = arith.constant 20 : i32
      %lt3A_109 = arith.cmpi slt, %add3A_107, %lt3A_108 : i32
      %convert_element_type3A_110 = arith.extui %lt3A_109 : i1 to i32
      %cond3A_111 = arith.constant 0 : i32
      %cond3A_112 = arith.cmpi ne, %convert_element_type3A_110, %cond3A_111 : i32
      scf.if %cond3A_112 {
        %add3A_114 = arith.constant 2 : i32
        %add3A_115 = arith.addi %add3A_83, %add3A_114 : i32
        %mul3A_116 = arith.constant 10000 : i32
        %mul3A_117 = arith.muli %add3A_115, %mul3A_116 : i32
        %add3A_118 = arith.addi %mul3A_2, %mul3A_117 : i32
        %dma_start3A_119 = tpu.memref_slice %arg2[%add3A_118] : memref<12800000xi32, #tpu.memory_space<hbm>> -> memref<10000xi32, #tpu.memory_space<hbm>>
        %dma_start3A_120 = tpu.memref_slice %arg2[%add3A_118] : memref<12800000xi32, #tpu.memory_space<hbm>> -> memref<10000xi32, #tpu.memory_space<hbm>>
        tpu.enqueue_dma source(%dma_start3A_120 : memref<10000xi32, #tpu.memory_space<hbm>>) target(%arg7 : memref<10000xi32, #tpu.memory_space<vmem>>) target_semaphore(%arg22 : memref<!tpu.dma_semaphore, #tpu.memory_space<semaphore_mem>>)
        %add3A_121 = arith.constant 6400000 : i32
        %add3A_122 = arith.addi %add3A_121, %add3A_118 : i32
        %dma_start3A_123 = tpu.memref_slice %arg2[%add3A_122] : memref<12800000xi32, #tpu.memory_space<hbm>> -> memref<10000xi32, #tpu.memory_space<hbm>>
        %dma_start3A_124 = tpu.memref_slice %arg2[%add3A_122] : memref<12800000xi32, #tpu.memory_space<hbm>> -> memref<10000xi32, #tpu.memory_space<hbm>>
        tpu.enqueue_dma source(%dma_start3A_124 : memref<10000xi32, #tpu.memory_space<hbm>>) target(%arg9 : memref<10000xi32, #tpu.memory_space<vmem>>) target_semaphore(%arg23 : memref<!tpu.dma_semaphore, #tpu.memory_space<semaphore_mem>>)
        %dma_start3A_125 = tpu.memref_slice %arg3[%add3A_118] : memref<6400000xf32, #tpu.memory_space<hbm>> -> memref<10000xf32, #tpu.memory_space<hbm>>
        %dma_start3A_126 = tpu.memref_slice %arg3[%add3A_118] : memref<6400000xf32, #tpu.memory_space<hbm>> -> memref<10000xf32, #tpu.memory_space<hbm>>
        tpu.enqueue_dma source(%dma_start3A_126 : memref<10000xf32, #tpu.memory_space<hbm>>) target(%arg11 : memref<10000xf32, #tpu.memory_space<vmem>>) target_semaphore(%arg24 : memref<!tpu.dma_semaphore, #tpu.memory_space<semaphore_mem>>)
      } else {
      }
      %scan3A_113 = arith.constant 0 : i32
      scf.yield %scan3A_113 : i32
    }
    %scan3A_35 = arith.constant 10 : i32
    %dma_wait3A = arith.constant 0 : i32
    %dma_wait3A_36 = tpu.memref_slice %arg18[%dma_wait3A] : memref<100352xf32, #tpu.memory_space<vmem_shared>> -> memref<100352xf32, #tpu.memory_space<vmem_shared>>
    tpu.wait_indirect_dma semaphore(%arg25 : memref<!tpu.dma_semaphore, #tpu.memory_space<semaphore_mem>>) src(%arg12 : memref<10000xf32, #tpu.memory_space<vmem>>) dst(%dma_wait3A_36 : memref<100352xf32, #tpu.memory_space<vmem_shared>>)
    %dma_wait3A_37 = arith.constant 0 : i32
    %dma_wait3A_38 = tpu.memref_slice %arg18[%dma_wait3A_37] : memref<100352xf32, #tpu.memory_space<vmem_shared>> -> memref<100352xf32, #tpu.memory_space<vmem_shared>>
    tpu.wait_indirect_dma semaphore(%arg26 : memref<!tpu.dma_semaphore, #tpu.memory_space<semaphore_mem>>) src(%arg13 : memref<10000xf32, #tpu.memory_space<vmem>>) dst(%dma_wait3A_38 : memref<100352xf32, #tpu.memory_space<vmem_shared>>)
    %barrier3A_39 = arith.constant 0 : index
    tpu.barrier barrier_id(%barrier3A_39)
    %mul3A_40 = arith.constant 6272 : i32
    %mul3A_41 = arith.muli %arg1, %mul3A_40 : i32
    %mul3A_42 = arith.constant 1 : i32
    %mul3A_43 = arith.muli %mul3A_42, %arg0 : i32
    %mul3A_44 = arith.constant 100352 : i32
    %mul3A_45 = arith.muli %mul3A_43, %mul3A_44 : i32
    %mul3A_46 = arith.constant 6272 : i32
    %mul3A_47 = arith.muli %arg1, %mul3A_46 : i32
    %add3A_48 = arith.addi %mul3A_45, %mul3A_47 : i32
    "tpu.region"() ({
      %run_scoped3A = tpu.sem_alloc : memref<!tpu.dma_semaphore, #tpu.memory_space<semaphore_mem>>
      %dma_start3A_49 = tpu.memref_slice %arg18[%mul3A_41] : memref<100352xf32, #tpu.memory_space<vmem_shared>> -> memref<6272xf32, #tpu.memory_space<vmem_shared>>
      %dma_start3A_50 = tpu.memref_slice %arg18[%mul3A_41] : memref<100352xf32, #tpu.memory_space<vmem_shared>> -> memref<6272xf32, #tpu.memory_space<vmem_shared>>
      tpu.enqueue_dma source(%dma_start3A_50 : memref<6272xf32, #tpu.memory_space<vmem_shared>>) target(%arg16 : memref<6272xf32, #tpu.memory_space<vmem>>) target_semaphore(%run_scoped3A : memref<!tpu.dma_semaphore, #tpu.memory_space<semaphore_mem>>)
      %dma_wait3A_51 = tpu.memref_slice %arg18[%mul3A_41] : memref<100352xf32, #tpu.memory_space<vmem_shared>> -> memref<6272xf32, #tpu.memory_space<vmem_shared>>
      %dma_wait3A_52 = tpu.memref_slice %arg18[%mul3A_41] : memref<100352xf32, #tpu.memory_space<vmem_shared>> -> memref<6272xf32, #tpu.memory_space<vmem_shared>>
      tpu.wait_dma2 semaphore(%run_scoped3A : memref<!tpu.dma_semaphore, #tpu.memory_space<semaphore_mem>>) src(%dma_wait3A_52 : memref<6272xf32, #tpu.memory_space<vmem_shared>>) dst(%arg16 : memref<6272xf32, #tpu.memory_space<vmem>>)
      tpu.yield
    }) : () -> ()
    "tpu.region"() ({
      %run_scoped3A = tpu.sem_alloc : memref<!tpu.dma_semaphore, #tpu.memory_space<semaphore_mem>>
      %dma_start3A_49 = tpu.memref_slice %arg5[%add3A_48] : memref<200704xf32, #tpu.memory_space<hbm>> -> memref<6272xf32, #tpu.memory_space<hbm>>
      %dma_start3A_50 = tpu.memref_slice %arg5[%add3A_48] : memref<200704xf32, #tpu.memory_space<hbm>> -> memref<6272xf32, #tpu.memory_space<hbm>>
      tpu.enqueue_dma source(%arg16 : memref<6272xf32, #tpu.memory_space<vmem>>) target(%dma_start3A_50 : memref<6272xf32, #tpu.memory_space<hbm>>) target_semaphore(%run_scoped3A : memref<!tpu.dma_semaphore, #tpu.memory_space<semaphore_mem>>)
      %dma_wait3A_51 = tpu.memref_slice %arg5[%add3A_48] : memref<200704xf32, #tpu.memory_space<hbm>> -> memref<6272xf32, #tpu.memory_space<hbm>>
      %dma_wait3A_52 = tpu.memref_slice %arg5[%add3A_48] : memref<200704xf32, #tpu.memory_space<hbm>> -> memref<6272xf32, #tpu.memory_space<hbm>>
      tpu.wait_dma2 semaphore(%run_scoped3A : memref<!tpu.dma_semaphore, #tpu.memory_space<semaphore_mem>>) src(%arg16 : memref<6272xf32, #tpu.memory_space<vmem>>) dst(%dma_wait3A_52 : memref<6272xf32, #tpu.memory_space<hbm>>)
      tpu.yield
    }) : () -> ()
    return
  }
}

#map = affine_map<(d0, d1) -> (0)>
module attributes {stable_mosaic.version = 14 : i64} {
  func.func @_pa_body(%arg0: i32, %arg1: i32, %arg2: memref<12800000xi32, #tpu.memory_space<hbm>>, %arg3: memref<6400000xf32, #tpu.memory_space<hbm>>, %arg4: memref<200704xf32, #tpu.memory_space<hbm>>, %arg5: memref<25000xi32, #tpu.memory_space<vmem>>, %arg6: memref<25000xi32, #tpu.memory_space<vmem>>, %arg7: memref<25000xf32, #tpu.memory_space<vmem>>, %arg8: memref<25000xf32, #tpu.memory_space<vmem>>, %arg9: memref<6272xf32, #tpu.memory_space<vmem>>, %arg10: memref<100352xf32, #tpu.memory_space<vmem_shared>>, %arg11: memref<!tpu.dma_semaphore, #tpu.memory_space<semaphore_mem>>, %arg12: memref<!tpu.dma_semaphore, #tpu.memory_space<semaphore_mem>>, %arg13: memref<!tpu.dma_semaphore, #tpu.memory_space<semaphore_mem>>, %arg14: memref<!tpu.dma_semaphore, #tpu.memory_space<semaphore_mem>>) attributes {dimension_semantics = [#tpu.dimension_semantics<core_parallel>, #tpu.dimension_semantics<subcore_parallel>], iteration_bounds = array<i64: 2, 16>, scalar_prefetch = 0 : i64, scratch_operands = 10 : i64, tpu.core_type = #tpu.core_type<sc_vector_subcore>, window_params = [{transform_indices = #map}, {transform_indices = #map}, {transform_indices = #map}]} {
    %mul3A = arith.constant 16 : i32
    %mul3A_0 = arith.muli %arg0, %mul3A : i32
    %add3A = arith.addi %mul3A_0, %arg1 : i32
    %mul3A_1 = arith.constant 200000 : i32
    %mul3A_2 = arith.muli %add3A, %mul3A_1 : i32
    %mul3A_3 = arith.constant 6272 : i32
    %mul3A_4 = arith.muli %arg1, %mul3A_3 : i32
    %parallel_loop3A = arith.constant 0 : i32
    %parallel_loop3A_5 = arith.constant 6272 : i32
    %parallel_loop3A_6 = arith.constant 16 : i32
    scf.for %parallel_loop3A_36 = %parallel_loop3A to %parallel_loop3A_5 step %parallel_loop3A_6  : i32 {
      %parallel_loop3A_37 = arith.constant 0.000000e+00 : f32
      %parallel_loop3A_38 = vector.broadcast %parallel_loop3A_37 : f32 to vector<16xf32>
      %parallel_loop3A_39 = arith.index_cast %parallel_loop3A_36 : i32 to index
      %parallel_loop3A_40 = tpu.vector_load %arg9[%parallel_loop3A_39] {strides = array<i32>} : memref<6272xf32, #tpu.memory_space<vmem>>, vector<16xf32>,
      tpu.vector_store %arg9[%parallel_loop3A_39], %parallel_loop3A_38 {strides = array<i32>} : memref<6272xf32, #tpu.memory_space<vmem>>, vector<16xf32>,
    } {sc.loop_unroll_factor = 8 : i64, sc.parallel_access}
    "tpu.region"() ({
      %run_scoped3A = tpu.sem_alloc : memref<!tpu.dma_semaphore, #tpu.memory_space<semaphore_mem>>
      %dma_start3A_36 = tpu.memref_slice %arg10[%mul3A_4] : memref<100352xf32, #tpu.memory_space<vmem_shared>> -> memref<6272xf32, #tpu.memory_space<vmem_shared>>
      %dma_start3A_37 = tpu.memref_slice %arg10[%mul3A_4] : memref<100352xf32, #tpu.memory_space<vmem_shared>> -> memref<6272xf32, #tpu.memory_space<vmem_shared>>
      tpu.enqueue_dma source(%arg9 : memref<6272xf32, #tpu.memory_space<vmem>>) target(%dma_start3A_37 : memref<6272xf32, #tpu.memory_space<vmem_shared>>) target_semaphore(%run_scoped3A : memref<!tpu.dma_semaphore, #tpu.memory_space<semaphore_mem>>)
      %dma_wait3A = tpu.memref_slice %arg10[%mul3A_4] : memref<100352xf32, #tpu.memory_space<vmem_shared>> -> memref<6272xf32, #tpu.memory_space<vmem_shared>>
      %dma_wait3A_38 = tpu.memref_slice %arg10[%mul3A_4] : memref<100352xf32, #tpu.memory_space<vmem_shared>> -> memref<6272xf32, #tpu.memory_space<vmem_shared>>
      tpu.wait_dma2 semaphore(%run_scoped3A : memref<!tpu.dma_semaphore, #tpu.memory_space<semaphore_mem>>) src(%arg9 : memref<6272xf32, #tpu.memory_space<vmem>>) dst(%dma_wait3A_38 : memref<6272xf32, #tpu.memory_space<vmem_shared>>)
      tpu.yield
    }) : () -> ()
    %barrier3A = arith.constant 0 : index
    tpu.barrier barrier_id(%barrier3A)
    %add3A_7 = arith.constant 0 : i32
    %add3A_8 = arith.addi %mul3A_2, %add3A_7 : i32
    %add3A_9 = arith.constant 6400000 : i32
    %add3A_10 = arith.addi %add3A_9, %add3A_8 : i32
    %dma_start3A = tpu.memref_slice %arg2[%add3A_10] : memref<12800000xi32, #tpu.memory_space<hbm>> -> memref<25000xi32, #tpu.memory_space<hbm>>
    %dma_start3A_11 = tpu.memref_slice %arg2[%add3A_10] : memref<12800000xi32, #tpu.memory_space<hbm>> -> memref<25000xi32, #tpu.memory_space<hbm>>
    tpu.enqueue_dma source(%dma_start3A_11 : memref<25000xi32, #tpu.memory_space<hbm>>) target(%arg5 : memref<25000xi32, #tpu.memory_space<vmem>>) target_semaphore(%arg11 : memref<!tpu.dma_semaphore, #tpu.memory_space<semaphore_mem>>)
    %dma_start3A_12 = tpu.memref_slice %arg3[%add3A_8] : memref<6400000xf32, #tpu.memory_space<hbm>> -> memref<25000xf32, #tpu.memory_space<hbm>>
    %dma_start3A_13 = tpu.memref_slice %arg3[%add3A_8] : memref<6400000xf32, #tpu.memory_space<hbm>> -> memref<25000xf32, #tpu.memory_space<hbm>>
    tpu.enqueue_dma source(%dma_start3A_13 : memref<25000xf32, #tpu.memory_space<hbm>>) target(%arg7 : memref<25000xf32, #tpu.memory_space<vmem>>) target_semaphore(%arg13 : memref<!tpu.dma_semaphore, #tpu.memory_space<semaphore_mem>>)
    %add3A_14 = arith.constant 25000 : i32
    %add3A_15 = arith.addi %mul3A_2, %add3A_14 : i32
    %add3A_16 = arith.constant 6400000 : i32
    %add3A_17 = arith.addi %add3A_16, %add3A_15 : i32
    %dma_start3A_18 = tpu.memref_slice %arg2[%add3A_17] : memref<12800000xi32, #tpu.memory_space<hbm>> -> memref<25000xi32, #tpu.memory_space<hbm>>
    %dma_start3A_19 = tpu.memref_slice %arg2[%add3A_17] : memref<12800000xi32, #tpu.memory_space<hbm>> -> memref<25000xi32, #tpu.memory_space<hbm>>
    tpu.enqueue_dma source(%dma_start3A_19 : memref<25000xi32, #tpu.memory_space<hbm>>) target(%arg6 : memref<25000xi32, #tpu.memory_space<vmem>>) target_semaphore(%arg12 : memref<!tpu.dma_semaphore, #tpu.memory_space<semaphore_mem>>)
    %dma_start3A_20 = tpu.memref_slice %arg3[%add3A_15] : memref<6400000xf32, #tpu.memory_space<hbm>> -> memref<25000xf32, #tpu.memory_space<hbm>>
    %dma_start3A_21 = tpu.memref_slice %arg3[%add3A_15] : memref<6400000xf32, #tpu.memory_space<hbm>> -> memref<25000xf32, #tpu.memory_space<hbm>>
    tpu.enqueue_dma source(%dma_start3A_21 : memref<25000xf32, #tpu.memory_space<hbm>>) target(%arg8 : memref<25000xf32, #tpu.memory_space<vmem>>) target_semaphore(%arg14 : memref<!tpu.dma_semaphore, #tpu.memory_space<semaphore_mem>>)
    %scan3A = arith.constant 0 : i32
    %scan3A_22 = arith.constant 0 : i32
    %scan3A_23 = arith.constant 4 : i32
    %scan3A_24 = arith.addi %scan3A_22, %scan3A_23 : i32
    %scan3A_25 = arith.constant 1 : i32
    %scan3A_26 = scf.for %scan3A_36 = %scan3A_22 to %scan3A_24 step %scan3A_25 iter_args(%scan3A_37 = %scan3A) -> (i32)  : i32 {
      %mul3A_38 = arith.constant 2 : i32
      %mul3A_39 = arith.muli %mul3A_38, %scan3A_36 : i32
      %add3A_40 = arith.constant 0 : i32
      %add3A_41 = arith.addi %mul3A_39, %add3A_40 : i32
      %dma_wait3A = arith.constant 0 : i32
      %dma_wait3A_42 = tpu.memref_slice %arg2[%dma_wait3A] : memref<12800000xi32, #tpu.memory_space<hbm>> -> memref<25000xi32, #tpu.memory_space<hbm>>
      %dma_wait3A_43 = arith.constant 0 : i32
      %dma_wait3A_44 = tpu.memref_slice %arg2[%dma_wait3A_43] : memref<12800000xi32, #tpu.memory_space<hbm>> -> memref<25000xi32, #tpu.memory_space<hbm>>
      tpu.wait_dma2 semaphore(%arg11 : memref<!tpu.dma_semaphore, #tpu.memory_space<semaphore_mem>>) src(%dma_wait3A_44 : memref<25000xi32, #tpu.memory_space<hbm>>) dst(%arg5 : memref<25000xi32, #tpu.memory_space<vmem>>)
      %dma_wait3A_45 = arith.constant 0 : i32
      %dma_wait3A_46 = tpu.memref_slice %arg3[%dma_wait3A_45] : memref<6400000xf32, #tpu.memory_space<hbm>> -> memref<25000xf32, #tpu.memory_space<hbm>>
      %dma_wait3A_47 = arith.constant 0 : i32
      %dma_wait3A_48 = tpu.memref_slice %arg3[%dma_wait3A_47] : memref<6400000xf32, #tpu.memory_space<hbm>> -> memref<25000xf32, #tpu.memory_space<hbm>>
      tpu.wait_dma2 semaphore(%arg13 : memref<!tpu.dma_semaphore, #tpu.memory_space<semaphore_mem>>) src(%dma_wait3A_48 : memref<25000xf32, #tpu.memory_space<hbm>>) dst(%arg7 : memref<25000xf32, #tpu.memory_space<vmem>>)
      "tpu.region"() ({
        %run_scoped3A = tpu.sem_alloc : memref<!tpu.dma_semaphore, #tpu.memory_space<semaphore_mem>>
        %dma_start3A_73 = arith.constant 0 : i32
        %dma_start3A_74 = tpu.memref_slice %arg10[%dma_start3A_73] : memref<100352xf32, #tpu.memory_space<vmem_shared>> -> memref<100352xf32, #tpu.memory_space<vmem_shared>>
        tpu.enqueue_indirect_dma source(%arg7 : memref<25000xf32, #tpu.memory_space<vmem>>) target(%dma_start3A_74 : memref<100352xf32, #tpu.memory_space<vmem_shared>>) offsets(%arg5 : memref<25000xi32, #tpu.memory_space<vmem>>) semaphore(%run_scoped3A : memref<!tpu.dma_semaphore, #tpu.memory_space<semaphore_mem>>) {add = true}
        %dma_wait3A_75 = arith.constant 0 : i32
        %dma_wait3A_76 = tpu.memref_slice %arg10[%dma_wait3A_75] : memref<100352xf32, #tpu.memory_space<vmem_shared>> -> memref<100352xf32, #tpu.memory_space<vmem_shared>>
        tpu.wait_indirect_dma semaphore(%run_scoped3A : memref<!tpu.dma_semaphore, #tpu.memory_space<semaphore_mem>>) src(%arg7 : memref<25000xf32, #tpu.memory_space<vmem>>) dst(%dma_wait3A_76 : memref<100352xf32, #tpu.memory_space<vmem_shared>>)
        tpu.yield
      }) : () -> ()
      %add3A_49 = arith.constant 2 : i32
      %add3A_50 = arith.addi %add3A_41, %add3A_49 : i32
      %lt3A = arith.constant 8 : i32
      %lt3A_51 = arith.cmpi slt, %add3A_50, %lt3A : i32
      %convert_element_type3A = arith.extui %lt3A_51 : i1 to i32
      %cond3A = arith.constant 0 : i32
      %cond3A_52 = arith.cmpi ne, %convert_element_type3A, %cond3A : i32
      scf.if %cond3A_52 {
        %add3A_73 = arith.constant 2 : i32
        %add3A_74 = arith.addi %add3A_41, %add3A_73 : i32
        %mul3A_75 = arith.constant 25000 : i32
        %mul3A_76 = arith.muli %add3A_74, %mul3A_75 : i32
        %add3A_77 = arith.addi %mul3A_2, %mul3A_76 : i32
        %add3A_78 = arith.constant 6400000 : i32
        %add3A_79 = arith.addi %add3A_78, %add3A_77 : i32
        %dma_start3A_80 = tpu.memref_slice %arg2[%add3A_79] : memref<12800000xi32, #tpu.memory_space<hbm>> -> memref<25000xi32, #tpu.memory_space<hbm>>
        %dma_start3A_81 = tpu.memref_slice %arg2[%add3A_79] : memref<12800000xi32, #tpu.memory_space<hbm>> -> memref<25000xi32, #tpu.memory_space<hbm>>
        tpu.enqueue_dma source(%dma_start3A_81 : memref<25000xi32, #tpu.memory_space<hbm>>) target(%arg5 : memref<25000xi32, #tpu.memory_space<vmem>>) target_semaphore(%arg11 : memref<!tpu.dma_semaphore, #tpu.memory_space<semaphore_mem>>)
        %dma_start3A_82 = tpu.memref_slice %arg3[%add3A_77] : memref<6400000xf32, #tpu.memory_space<hbm>> -> memref<25000xf32, #tpu.memory_space<hbm>>
        %dma_start3A_83 = tpu.memref_slice %arg3[%add3A_77] : memref<6400000xf32, #tpu.memory_space<hbm>> -> memref<25000xf32, #tpu.memory_space<hbm>>
        tpu.enqueue_dma source(%dma_start3A_83 : memref<25000xf32, #tpu.memory_space<hbm>>) target(%arg7 : memref<25000xf32, #tpu.memory_space<vmem>>) target_semaphore(%arg13 : memref<!tpu.dma_semaphore, #tpu.memory_space<semaphore_mem>>)
      } else {
      }
      %mul3A_53 = arith.constant 2 : i32
      %mul3A_54 = arith.muli %mul3A_53, %scan3A_36 : i32
      %add3A_55 = arith.constant 1 : i32
      %add3A_56 = arith.addi %mul3A_54, %add3A_55 : i32
      %dma_wait3A_57 = arith.constant 0 : i32
      %dma_wait3A_58 = tpu.memref_slice %arg2[%dma_wait3A_57] : memref<12800000xi32, #tpu.memory_space<hbm>> -> memref<25000xi32, #tpu.memory_space<hbm>>
      %dma_wait3A_59 = arith.constant 0 : i32
      %dma_wait3A_60 = tpu.memref_slice %arg2[%dma_wait3A_59] : memref<12800000xi32, #tpu.memory_space<hbm>> -> memref<25000xi32, #tpu.memory_space<hbm>>
      tpu.wait_dma2 semaphore(%arg12 : memref<!tpu.dma_semaphore, #tpu.memory_space<semaphore_mem>>) src(%dma_wait3A_60 : memref<25000xi32, #tpu.memory_space<hbm>>) dst(%arg6 : memref<25000xi32, #tpu.memory_space<vmem>>)
      %dma_wait3A_61 = arith.constant 0 : i32
      %dma_wait3A_62 = tpu.memref_slice %arg3[%dma_wait3A_61] : memref<6400000xf32, #tpu.memory_space<hbm>> -> memref<25000xf32, #tpu.memory_space<hbm>>
      %dma_wait3A_63 = arith.constant 0 : i32
      %dma_wait3A_64 = tpu.memref_slice %arg3[%dma_wait3A_63] : memref<6400000xf32, #tpu.memory_space<hbm>> -> memref<25000xf32, #tpu.memory_space<hbm>>
      tpu.wait_dma2 semaphore(%arg14 : memref<!tpu.dma_semaphore, #tpu.memory_space<semaphore_mem>>) src(%dma_wait3A_64 : memref<25000xf32, #tpu.memory_space<hbm>>) dst(%arg8 : memref<25000xf32, #tpu.memory_space<vmem>>)
      "tpu.region"() ({
        %run_scoped3A = tpu.sem_alloc : memref<!tpu.dma_semaphore, #tpu.memory_space<semaphore_mem>>
        %dma_start3A_73 = arith.constant 0 : i32
        %dma_start3A_74 = tpu.memref_slice %arg10[%dma_start3A_73] : memref<100352xf32, #tpu.memory_space<vmem_shared>> -> memref<100352xf32, #tpu.memory_space<vmem_shared>>
        tpu.enqueue_indirect_dma source(%arg8 : memref<25000xf32, #tpu.memory_space<vmem>>) target(%dma_start3A_74 : memref<100352xf32, #tpu.memory_space<vmem_shared>>) offsets(%arg6 : memref<25000xi32, #tpu.memory_space<vmem>>) semaphore(%run_scoped3A : memref<!tpu.dma_semaphore, #tpu.memory_space<semaphore_mem>>) {add = true}
        %dma_wait3A_75 = arith.constant 0 : i32
        %dma_wait3A_76 = tpu.memref_slice %arg10[%dma_wait3A_75] : memref<100352xf32, #tpu.memory_space<vmem_shared>> -> memref<100352xf32, #tpu.memory_space<vmem_shared>>
        tpu.wait_indirect_dma semaphore(%run_scoped3A : memref<!tpu.dma_semaphore, #tpu.memory_space<semaphore_mem>>) src(%arg8 : memref<25000xf32, #tpu.memory_space<vmem>>) dst(%dma_wait3A_76 : memref<100352xf32, #tpu.memory_space<vmem_shared>>)
        tpu.yield
      }) : () -> ()
      %add3A_65 = arith.constant 2 : i32
      %add3A_66 = arith.addi %add3A_56, %add3A_65 : i32
      %lt3A_67 = arith.constant 8 : i32
      %lt3A_68 = arith.cmpi slt, %add3A_66, %lt3A_67 : i32
      %convert_element_type3A_69 = arith.extui %lt3A_68 : i1 to i32
      %cond3A_70 = arith.constant 0 : i32
      %cond3A_71 = arith.cmpi ne, %convert_element_type3A_69, %cond3A_70 : i32
      scf.if %cond3A_71 {
        %add3A_73 = arith.constant 2 : i32
        %add3A_74 = arith.addi %add3A_56, %add3A_73 : i32
        %mul3A_75 = arith.constant 25000 : i32
        %mul3A_76 = arith.muli %add3A_74, %mul3A_75 : i32
        %add3A_77 = arith.addi %mul3A_2, %mul3A_76 : i32
        %add3A_78 = arith.constant 6400000 : i32
        %add3A_79 = arith.addi %add3A_78, %add3A_77 : i32
        %dma_start3A_80 = tpu.memref_slice %arg2[%add3A_79] : memref<12800000xi32, #tpu.memory_space<hbm>> -> memref<25000xi32, #tpu.memory_space<hbm>>
        %dma_start3A_81 = tpu.memref_slice %arg2[%add3A_79] : memref<12800000xi32, #tpu.memory_space<hbm>> -> memref<25000xi32, #tpu.memory_space<hbm>>
        tpu.enqueue_dma source(%dma_start3A_81 : memref<25000xi32, #tpu.memory_space<hbm>>) target(%arg6 : memref<25000xi32, #tpu.memory_space<vmem>>) target_semaphore(%arg12 : memref<!tpu.dma_semaphore, #tpu.memory_space<semaphore_mem>>)
        %dma_start3A_82 = tpu.memref_slice %arg3[%add3A_77] : memref<6400000xf32, #tpu.memory_space<hbm>> -> memref<25000xf32, #tpu.memory_space<hbm>>
        %dma_start3A_83 = tpu.memref_slice %arg3[%add3A_77] : memref<6400000xf32, #tpu.memory_space<hbm>> -> memref<25000xf32, #tpu.memory_space<hbm>>
        tpu.enqueue_dma source(%dma_start3A_83 : memref<25000xf32, #tpu.memory_space<hbm>>) target(%arg8 : memref<25000xf32, #tpu.memory_space<vmem>>) target_semaphore(%arg14 : memref<!tpu.dma_semaphore, #tpu.memory_space<semaphore_mem>>)
      } else {
      }
      %scan3A_72 = arith.constant 0 : i32
      scf.yield %scan3A_72 : i32
    }
    %scan3A_27 = arith.constant 4 : i32
    %barrier3A_28 = arith.constant 0 : index
    tpu.barrier barrier_id(%barrier3A_28)
    %mul3A_29 = arith.constant 6272 : i32
    %mul3A_30 = arith.muli %arg1, %mul3A_29 : i32
    %mul3A_31 = arith.constant 100352 : i32
    %mul3A_32 = arith.muli %arg0, %mul3A_31 : i32
    %mul3A_33 = arith.constant 6272 : i32
    %mul3A_34 = arith.muli %arg1, %mul3A_33 : i32
    %add3A_35 = arith.addi %mul3A_32, %mul3A_34 : i32
    "tpu.region"() ({
      %run_scoped3A = tpu.sem_alloc : memref<!tpu.dma_semaphore, #tpu.memory_space<semaphore_mem>>
      %dma_start3A_36 = tpu.memref_slice %arg10[%mul3A_30] : memref<100352xf32, #tpu.memory_space<vmem_shared>> -> memref<6272xf32, #tpu.memory_space<vmem_shared>>
      %dma_start3A_37 = tpu.memref_slice %arg10[%mul3A_30] : memref<100352xf32, #tpu.memory_space<vmem_shared>> -> memref<6272xf32, #tpu.memory_space<vmem_shared>>
      tpu.enqueue_dma source(%dma_start3A_37 : memref<6272xf32, #tpu.memory_space<vmem_shared>>) target(%arg9 : memref<6272xf32, #tpu.memory_space<vmem>>) target_semaphore(%run_scoped3A : memref<!tpu.dma_semaphore, #tpu.memory_space<semaphore_mem>>)
      %dma_wait3A = tpu.memref_slice %arg10[%mul3A_30] : memref<100352xf32, #tpu.memory_space<vmem_shared>> -> memref<6272xf32, #tpu.memory_space<vmem_shared>>
      %dma_wait3A_38 = tpu.memref_slice %arg10[%mul3A_30] : memref<100352xf32, #tpu.memory_space<vmem_shared>> -> memref<6272xf32, #tpu.memory_space<vmem_shared>>
      tpu.wait_dma2 semaphore(%run_scoped3A : memref<!tpu.dma_semaphore, #tpu.memory_space<semaphore_mem>>) src(%dma_wait3A_38 : memref<6272xf32, #tpu.memory_space<vmem_shared>>) dst(%arg9 : memref<6272xf32, #tpu.memory_space<vmem>>)
      tpu.yield
    }) : () -> ()
    "tpu.region"() ({
      %run_scoped3A = tpu.sem_alloc : memref<!tpu.dma_semaphore, #tpu.memory_space<semaphore_mem>>
      %dma_start3A_36 = tpu.memref_slice %arg4[%add3A_35] : memref<200704xf32, #tpu.memory_space<hbm>> -> memref<6272xf32, #tpu.memory_space<hbm>>
      %dma_start3A_37 = tpu.memref_slice %arg4[%add3A_35] : memref<200704xf32, #tpu.memory_space<hbm>> -> memref<6272xf32, #tpu.memory_space<hbm>>
      tpu.enqueue_dma source(%arg9 : memref<6272xf32, #tpu.memory_space<vmem>>) target(%dma_start3A_37 : memref<6272xf32, #tpu.memory_space<hbm>>) target_semaphore(%run_scoped3A : memref<!tpu.dma_semaphore, #tpu.memory_space<semaphore_mem>>)
      %dma_wait3A = tpu.memref_slice %arg4[%add3A_35] : memref<200704xf32, #tpu.memory_space<hbm>> -> memref<6272xf32, #tpu.memory_space<hbm>>
      %dma_wait3A_38 = tpu.memref_slice %arg4[%add3A_35] : memref<200704xf32, #tpu.memory_space<hbm>> -> memref<6272xf32, #tpu.memory_space<hbm>>
      tpu.wait_dma2 semaphore(%run_scoped3A : memref<!tpu.dma_semaphore, #tpu.memory_space<semaphore_mem>>) src(%arg9 : memref<6272xf32, #tpu.memory_space<vmem>>) dst(%dma_wait3A_38 : memref<6272xf32, #tpu.memory_space<hbm>>)
      tpu.yield
    }) : () -> ()
    return
  }
}

module attributes {stable_mosaic.version = 14 : i64} {
  func.func @_glue1_body(%arg0: memref<784x128xf32, #tpu.memory_space<vmem>>, %arg1: memref<784x128xf32, #tpu.memory_space<vmem>>, %arg2: memref<784x128xf32, #tpu.memory_space<vmem>>, %arg3: memref<784x128xf32, #tpu.memory_space<vmem>>, %arg4: memref<784x128xf32, #tpu.memory_space<vmem>>, %arg5: memref<784x128xf32, #tpu.memory_space<vmem>>) attributes {dimension_semantics = [], scalar_prefetch = 0 : i64, scratch_operands = 0 : i64, tpu.core_type = #tpu.core_type<tc>} {
    %get3A = arith.constant 0 : index
    %get3A_0 = arith.constant 0 : index
    %get3A_1 = vector.load %arg0[%get3A, %get3A_0] : memref<784x128xf32, #tpu.memory_space<vmem>>, vector<784x128xf32>
    %get3A_2 = arith.constant 0 : index
    %get3A_3 = arith.constant 0 : index
    %get3A_4 = vector.load %arg1[%get3A_2, %get3A_3] : memref<784x128xf32, #tpu.memory_space<vmem>>, vector<784x128xf32>
    %add3A = arith.addf %get3A_1, %get3A_4 : vector<784x128xf32>
    %add3A_5 = arith.constant 1.000000e+00 : f32
    %add3A_6 = vector.broadcast %add3A_5 : f32 to vector<784x128xf32>
    %add3A_7 = arith.addf %add3A, %add3A_6 : vector<784x128xf32>
    %rsqrt3A = math.rsqrt %add3A_7 : vector<784x128xf32>
    %get3A_8 = arith.constant 0 : index
    %get3A_9 = arith.constant 0 : index
    %get3A_10 = vector.load %arg2[%get3A_8, %get3A_9] : memref<784x128xf32, #tpu.memory_space<vmem>>, vector<784x128xf32>
    %mul3A = arith.mulf %get3A_10, %rsqrt3A : vector<784x128xf32>
    %swap3A = arith.constant 0 : index
    %swap3A_11 = arith.constant 0 : index
    %swap3A_12 = vector.load %arg3[%swap3A, %swap3A_11] : memref<784x128xf32, #tpu.memory_space<vmem>>, vector<784x128xf32>
    tpu.vector_store %arg3[%swap3A, %swap3A_11], %mul3A {strides = array<i32>} : memref<784x128xf32, #tpu.memory_space<vmem>>, vector<784x128xf32>,
    %swap3A_13 = arith.constant 0 : index
    %swap3A_14 = arith.constant 0 : index
    %swap3A_15 = vector.load %arg4[%swap3A_13, %swap3A_14] : memref<784x128xf32, #tpu.memory_space<vmem>>, vector<784x128xf32>
    tpu.vector_store %arg4[%swap3A_13, %swap3A_14], %rsqrt3A {strides = array<i32>} : memref<784x128xf32, #tpu.memory_space<vmem>>, vector<784x128xf32>,
    %get3A_16 = arith.constant 0 : index
    %get3A_17 = arith.constant 0 : index
    %get3A_18 = vector.load %arg2[%get3A_16, %get3A_17] : memref<784x128xf32, #tpu.memory_space<vmem>>, vector<784x128xf32>
    %mul3A_19 = arith.mulf %get3A_18, %rsqrt3A : vector<784x128xf32>
    %mul3A_20 = arith.mulf %mul3A_19, %rsqrt3A : vector<784x128xf32>
    %swap3A_21 = arith.constant 0 : index
    %swap3A_22 = arith.constant 0 : index
    %swap3A_23 = vector.load %arg5[%swap3A_21, %swap3A_22] : memref<784x128xf32, #tpu.memory_space<vmem>>, vector<784x128xf32>
    tpu.vector_store %arg5[%swap3A_21, %swap3A_22], %mul3A_20 {strides = array<i32>} : memref<784x128xf32, #tpu.memory_space<vmem>>, vector<784x128xf32>,
    return
  }
}

module attributes {stable_mosaic.version = 14 : i64} {
  func.func @_glue2_body(%arg0: memref<784x128xf32, #tpu.memory_space<vmem>>, %arg1: memref<784x128xf32, #tpu.memory_space<vmem>>, %arg2: memref<784x128xf32, #tpu.memory_space<vmem>>, %arg3: memref<784x128xf32, #tpu.memory_space<vmem>>, %arg4: memref<784x128xf32, #tpu.memory_space<vmem>>) attributes {dimension_semantics = [], scalar_prefetch = 0 : i64, scratch_operands = 0 : i64, tpu.core_type = #tpu.core_type<tc>} {
    %get3A = arith.constant 0 : index
    %get3A_0 = arith.constant 0 : index
    %get3A_1 = vector.load %arg2[%get3A, %get3A_0] : memref<784x128xf32, #tpu.memory_space<vmem>>, vector<784x128xf32>
    %get3A_2 = arith.constant 0 : index
    %get3A_3 = arith.constant 0 : index
    %get3A_4 = vector.load %arg0[%get3A_2, %get3A_3] : memref<784x128xf32, #tpu.memory_space<vmem>>, vector<784x128xf32>
    %get3A_5 = arith.constant 0 : index
    %get3A_6 = arith.constant 0 : index
    %get3A_7 = vector.load %arg1[%get3A_5, %get3A_6] : memref<784x128xf32, #tpu.memory_space<vmem>>, vector<784x128xf32>
    %add3A = arith.addf %get3A_4, %get3A_7 : vector<784x128xf32>
    %mul3A = arith.mulf %get3A_1, %add3A : vector<784x128xf32>
    %get3A_8 = arith.constant 0 : index
    %get3A_9 = arith.constant 0 : index
    %get3A_10 = vector.load %arg3[%get3A_8, %get3A_9] : memref<784x128xf32, #tpu.memory_space<vmem>>, vector<784x128xf32>
    %add3A_11 = arith.addf %mul3A, %get3A_10 : vector<784x128xf32>
    %get3A_12 = arith.constant 0 : index
    %get3A_13 = arith.constant 0 : index
    %get3A_14 = vector.load %arg2[%get3A_12, %get3A_13] : memref<784x128xf32, #tpu.memory_space<vmem>>, vector<784x128xf32>
    %mul3A_15 = arith.mulf %add3A_11, %get3A_14 : vector<784x128xf32>
    %swap3A = arith.constant 0 : index
    %swap3A_16 = arith.constant 0 : index
    %swap3A_17 = vector.load %arg4[%swap3A, %swap3A_16] : memref<784x128xf32, #tpu.memory_space<vmem>>, vector<784x128xf32>
    tpu.vector_store %arg4[%swap3A, %swap3A_16], %mul3A_15 {strides = array<i32>} : memref<784x128xf32, #tpu.memory_space<vmem>>, vector<784x128xf32>,
    return
  }
}

module attributes {stable_mosaic.version = 14 : i64} {
  func.func @_glue3_body(%arg0: memref<784x128xf32, #tpu.memory_space<vmem>>, %arg1: memref<784x128xf32, #tpu.memory_space<vmem>>, %arg2: memref<784x128xf32, #tpu.memory_space<vmem>>, %arg3: memref<784x128xf32, #tpu.memory_space<vmem>>, %arg4: memref<784x128xf32, #tpu.memory_space<vmem>>, %arg5: memref<784x128xf32, #tpu.memory_space<vmem>>, %arg6: memref<784x128xf32, #tpu.memory_space<vmem>>, %arg7: memref<784x128xf32, #tpu.memory_space<vmem>>) attributes {dimension_semantics = [], scalar_prefetch = 0 : i64, scratch_operands = 0 : i64, tpu.core_type = #tpu.core_type<tc>} {
    %get3A = arith.constant 0 : index
    %get3A_0 = arith.constant 0 : index
    %get3A_1 = vector.load %arg5[%get3A, %get3A_0] : memref<784x128xf32, #tpu.memory_space<vmem>>, vector<784x128xf32>
    %get3A_2 = arith.constant 0 : index
    %get3A_3 = arith.constant 0 : index
    %get3A_4 = vector.load %arg0[%get3A_2, %get3A_3] : memref<784x128xf32, #tpu.memory_space<vmem>>, vector<784x128xf32>
    %get3A_5 = arith.constant 0 : index
    %get3A_6 = arith.constant 0 : index
    %get3A_7 = vector.load %arg1[%get3A_5, %get3A_6] : memref<784x128xf32, #tpu.memory_space<vmem>>, vector<784x128xf32>
    %add3A = arith.addf %get3A_4, %get3A_7 : vector<784x128xf32>
    %get3A_8 = arith.constant 0 : index
    %get3A_9 = arith.constant 0 : index
    %get3A_10 = vector.load %arg4[%get3A_8, %get3A_9] : memref<784x128xf32, #tpu.memory_space<vmem>>, vector<784x128xf32>
    %max3A = arith.constant 0.000000e+00 : f32
    %max3A_11 = vector.broadcast %max3A : f32 to vector<784x128xf32>
    %max3A_12 = arith.maximumf %get3A_10, %max3A_11 : vector<784x128xf32>
    %add3A_13 = arith.addf %add3A, %max3A_12 : vector<784x128xf32>
    %mul3A = arith.mulf %get3A_1, %add3A_13 : vector<784x128xf32>
    %swap3A = arith.constant 0 : index
    %swap3A_14 = arith.constant 0 : index
    %swap3A_15 = vector.load %arg6[%swap3A, %swap3A_14] : memref<784x128xf32, #tpu.memory_space<vmem>>, vector<784x128xf32>
    tpu.vector_store %arg6[%swap3A, %swap3A_14], %mul3A {strides = array<i32>} : memref<784x128xf32, #tpu.memory_space<vmem>>, vector<784x128xf32>,
    %get3A_16 = arith.constant 0 : index
    %get3A_17 = arith.constant 0 : index
    %get3A_18 = vector.load %arg5[%get3A_16, %get3A_17] : memref<784x128xf32, #tpu.memory_space<vmem>>, vector<784x128xf32>
    %get3A_19 = arith.constant 0 : index
    %get3A_20 = arith.constant 0 : index
    %get3A_21 = vector.load %arg2[%get3A_19, %get3A_20] : memref<784x128xf32, #tpu.memory_space<vmem>>, vector<784x128xf32>
    %get3A_22 = arith.constant 0 : index
    %get3A_23 = arith.constant 0 : index
    %get3A_24 = vector.load %arg3[%get3A_22, %get3A_23] : memref<784x128xf32, #tpu.memory_space<vmem>>, vector<784x128xf32>
    %add3A_25 = arith.addf %get3A_21, %get3A_24 : vector<784x128xf32>
    %get3A_26 = arith.constant 0 : index
    %get3A_27 = arith.constant 0 : index
    %get3A_28 = vector.load %arg4[%get3A_26, %get3A_27] : memref<784x128xf32, #tpu.memory_space<vmem>>, vector<784x128xf32>
    %neg3A = arith.constant 0.000000e+00 : f32
    %neg3A_29 = vector.broadcast %neg3A : f32 to vector<784x128xf32>
    %neg3A_30 = arith.subf %neg3A_29, %get3A_28 : vector<784x128xf32>
    %max3A_31 = arith.constant 0.000000e+00 : f32
    %max3A_32 = vector.broadcast %max3A_31 : f32 to vector<784x128xf32>
    %max3A_33 = arith.maximumf %neg3A_30, %max3A_32 : vector<784x128xf32>
    %add3A_34 = arith.addf %add3A_25, %max3A_33 : vector<784x128xf32>
    %mul3A_35 = arith.mulf %get3A_18, %add3A_34 : vector<784x128xf32>
    %swap3A_36 = arith.constant 0 : index
    %swap3A_37 = arith.constant 0 : index
    %swap3A_38 = vector.load %arg7[%swap3A_36, %swap3A_37] : memref<784x128xf32, #tpu.memory_space<vmem>>, vector<784x128xf32>
    tpu.vector_store %arg7[%swap3A_36, %swap3A_37], %mul3A_35 {strides = array<i32>} : memref<784x128xf32, #tpu.memory_space<vmem>>, vector<784x128xf32>,
    return
  }
}

module attributes {stable_mosaic.version = 14 : i64} {
  func.func @_fc_body(%arg0: i32, %arg1: memref<2000x10xf32, #tpu.memory_space<vmem>>, %arg2: memref<2000x10xf32, #tpu.memory_space<vmem>>, %arg3: memref<10x80xf32, #tpu.memory_space<vmem>>, %arg4: memref<10x80xf32, #tpu.memory_space<vmem>>, %arg5: memref<1x80xf32, #tpu.memory_space<vmem>>, %arg6: memref<80x16xf32, #tpu.memory_space<vmem>>, %arg7: memref<1x16xf32, #tpu.memory_space<vmem>>, %arg8: memref<16x3xf32, #tpu.memory_space<vmem>>, %arg9: memref<1x3xf32, #tpu.memory_space<vmem>>, %arg10: memref<2000x3xf32, #tpu.memory_space<vmem>>) attributes {dimension_semantics = [#tpu.dimension_semantics<arbitrary>], iteration_bounds = array<i64: 5>, scalar_prefetch = 0 : i64, scratch_operands = 0 : i64, tpu.core_type = #tpu.core_type<tc>, window_params = [{transform_indices = @transform_0, window_bounds = array<i64: 2000, 10>}, {transform_indices = @transform_1, window_bounds = array<i64: 2000, 10>}, {pipeline_mode = #tpu.pipeline_mode<synchronous>, transform_indices = @transform_2, window_bounds = array<i64: 10, 80>}, {pipeline_mode = #tpu.pipeline_mode<synchronous>, transform_indices = @transform_3, window_bounds = array<i64: 10, 80>}, {pipeline_mode = #tpu.pipeline_mode<synchronous>, transform_indices = @transform_4, window_bounds = array<i64: 1, 80>}, {pipeline_mode = #tpu.pipeline_mode<synchronous>, transform_indices = @transform_5, window_bounds = array<i64: 80, 16>}, {pipeline_mode = #tpu.pipeline_mode<synchronous>, transform_indices = @transform_6, window_bounds = array<i64: 1, 16>}, {pipeline_mode = #tpu.pipeline_mode<synchronous>, transform_indices = @transform_7, window_bounds = array<i64: 16, 3>}, {pipeline_mode = #tpu.pipeline_mode<synchronous>, transform_indices = @transform_8, window_bounds = array<i64: 1, 3>}, {transform_indices = @transform_9, window_bounds = array<i64: 2000, 3>}]} {
    %get3A = arith.constant 0 : index
    %get3A_0 = arith.constant 0 : index
    %get3A_1 = vector.load %arg1[%get3A, %get3A_0] : memref<2000x10xf32, #tpu.memory_space<vmem>>, vector<2000x10xf32>
    %get3A_2 = arith.constant 0 : index
    %get3A_3 = arith.constant 0 : index
    %get3A_4 = vector.load %arg3[%get3A_2, %get3A_3] : memref<10x80xf32, #tpu.memory_space<vmem>>, vector<10x80xf32>
    %dot_general3A = arith.constant dense<0.000000e+00> : vector<2000x80xf32>
    %dot_general3A_5 = tpu.matmul %get3A_1, %get3A_4, %dot_general3A {dimension_numbers = #tpu.dot_dimension_numbers<[1], [0], [0], [1], [0, 0, 1, 1], [], []>, transpose_lhs_hint = false} : vector<2000x10xf32>, vector<10x80xf32>, vector<2000x80xf32> -> vector<2000x80xf32>
    %get3A_6 = arith.constant 0 : index
    %get3A_7 = arith.constant 0 : index
    %get3A_8 = vector.load %arg2[%get3A_6, %get3A_7] : memref<2000x10xf32, #tpu.memory_space<vmem>>, vector<2000x10xf32>
    %get3A_9 = arith.constant 0 : index
    %get3A_10 = arith.constant 0 : index
    %get3A_11 = vector.load %arg4[%get3A_9, %get3A_10] : memref<10x80xf32, #tpu.memory_space<vmem>>, vector<10x80xf32>
    %dot_general3A_12 = arith.constant dense<0.000000e+00> : vector<2000x80xf32>
    %dot_general3A_13 = tpu.matmul %get3A_8, %get3A_11, %dot_general3A_12 {dimension_numbers = #tpu.dot_dimension_numbers<[1], [0], [0], [1], [0, 0, 1, 1], [], []>, transpose_lhs_hint = false} : vector<2000x10xf32>, vector<10x80xf32>, vector<2000x80xf32> -> vector<2000x80xf32>
    %add3A = arith.addf %dot_general3A_5, %dot_general3A_13 : vector<2000x80xf32>
    %get3A_14 = arith.constant 0 : index
    %get3A_15 = arith.constant 0 : index
    %get3A_16 = vector.load %arg5[%get3A_14, %get3A_15] : memref<1x80xf32, #tpu.memory_space<vmem>>, vector<1x80xf32>
    %add3A_17 = vector.broadcast %get3A_16 : vector<1x80xf32> to vector<2000x80xf32>
    %add3A_18 = arith.addf %add3A, %add3A_17 : vector<2000x80xf32>
    %max3A = arith.constant 0.000000e+00 : f32
    %max3A_19 = vector.broadcast %max3A : f32 to vector<2000x80xf32>
    %max3A_20 = arith.maximumf %add3A_18, %max3A_19 : vector<2000x80xf32>
    %get3A_21 = arith.constant 0 : index
    %get3A_22 = arith.constant 0 : index
    %get3A_23 = vector.load %arg6[%get3A_21, %get3A_22] : memref<80x16xf32, #tpu.memory_space<vmem>>, vector<80x16xf32>
    %dot_general3A_24 = arith.constant dense<0.000000e+00> : vector<2000x16xf32>
    %dot_general3A_25 = tpu.matmul %max3A_20, %get3A_23, %dot_general3A_24 {dimension_numbers = #tpu.dot_dimension_numbers<[1], [0], [0], [1], [0, 0, 1, 1], [], []>, transpose_lhs_hint = false} : vector<2000x80xf32>, vector<80x16xf32>, vector<2000x16xf32> -> vector<2000x16xf32>
    %get3A_26 = arith.constant 0 : index
    %get3A_27 = arith.constant 0 : index
    %get3A_28 = vector.load %arg7[%get3A_26, %get3A_27] : memref<1x16xf32, #tpu.memory_space<vmem>>, vector<1x16xf32>
    %add3A_29 = vector.broadcast %get3A_28 : vector<1x16xf32> to vector<2000x16xf32>
    %add3A_30 = arith.addf %dot_general3A_25, %add3A_29 : vector<2000x16xf32>
    %max3A_31 = arith.constant 0.000000e+00 : f32
    %max3A_32 = vector.broadcast %max3A_31 : f32 to vector<2000x16xf32>
    %max3A_33 = arith.maximumf %add3A_30, %max3A_32 : vector<2000x16xf32>
    %get3A_34 = arith.constant 0 : index
    %get3A_35 = arith.constant 0 : index
    %get3A_36 = vector.load %arg8[%get3A_34, %get3A_35] : memref<16x3xf32, #tpu.memory_space<vmem>>, vector<16x3xf32>
    %dot_general3A_37 = arith.constant dense<0.000000e+00> : vector<2000x3xf32>
    %dot_general3A_38 = tpu.matmul %max3A_33, %get3A_36, %dot_general3A_37 {dimension_numbers = #tpu.dot_dimension_numbers<[1], [0], [0], [1], [0, 0, 1, 1], [], []>, transpose_lhs_hint = false} : vector<2000x16xf32>, vector<16x3xf32>, vector<2000x3xf32> -> vector<2000x3xf32>
    %get3A_39 = arith.constant 0 : index
    %get3A_40 = arith.constant 0 : index
    %get3A_41 = vector.load %arg9[%get3A_39, %get3A_40] : memref<1x3xf32, #tpu.memory_space<vmem>>, vector<1x3xf32>
    %add3A_42 = vector.broadcast %get3A_41 : vector<1x3xf32> to vector<2000x3xf32>
    %add3A_43 = arith.addf %dot_general3A_38, %add3A_42 : vector<2000x3xf32>
    %swap3A = arith.constant 0 : index
    %swap3A_44 = arith.constant 0 : index
    %swap3A_45 = vector.load %arg10[%swap3A, %swap3A_44] : memref<2000x3xf32, #tpu.memory_space<vmem>>, vector<2000x3xf32>
    tpu.vector_store %arg10[%swap3A, %swap3A_44], %add3A_43 {strides = array<i32>} : memref<2000x3xf32, #tpu.memory_space<vmem>>, vector<2000x3xf32>,
    return
  }
  func.func @transform_0(%arg0: i32) -> (i32, i32) {
    %c0_i32 = arith.constant 0 : i32
    %c0_i32_0 = arith.constant 0 : i32
    return %arg0, %c0_i32 : i32, i32
  }
  func.func @transform_1(%arg0: i32) -> (i32, i32) {
    %c0_i32 = arith.constant 0 : i32
    %c0_i32_0 = arith.constant 0 : i32
    return %arg0, %c0_i32 : i32, i32
  }
  func.func @transform_2(%arg0: i32) -> (i32, i32) {
    %c0_i32 = arith.constant 0 : i32
    %c0_i32_0 = arith.constant 0 : i32
    %c0_i32_1 = arith.constant 0 : i32
    return %c0_i32, %c0_i32_0 : i32, i32
  }
  func.func @transform_3(%arg0: i32) -> (i32, i32) {
    %c0_i32 = arith.constant 0 : i32
    %c0_i32_0 = arith.constant 0 : i32
    %c0_i32_1 = arith.constant 0 : i32
    return %c0_i32, %c0_i32_0 : i32, i32
  }
  func.func @transform_4(%arg0: i32) -> (i32, i32) {
    %c0_i32 = arith.constant 0 : i32
    %c0_i32_0 = arith.constant 0 : i32
    %c0_i32_1 = arith.constant 0 : i32
    return %c0_i32, %c0_i32_0 : i32, i32
  }
  func.func @transform_5(%arg0: i32) -> (i32, i32) {
    %c0_i32 = arith.constant 0 : i32
    %c0_i32_0 = arith.constant 0 : i32
    %c0_i32_1 = arith.constant 0 : i32
    return %c0_i32, %c0_i32_0 : i32, i32
  }
  func.func @transform_6(%arg0: i32) -> (i32, i32) {
    %c0_i32 = arith.constant 0 : i32
    %c0_i32_0 = arith.constant 0 : i32
    %c0_i32_1 = arith.constant 0 : i32
    return %c0_i32, %c0_i32_0 : i32, i32
  }
  func.func @transform_7(%arg0: i32) -> (i32, i32) {
    %c0_i32 = arith.constant 0 : i32
    %c0_i32_0 = arith.constant 0 : i32
    %c0_i32_1 = arith.constant 0 : i32
    return %c0_i32, %c0_i32_0 : i32, i32
  }
  func.func @transform_8(%arg0: i32) -> (i32, i32) {
    %c0_i32 = arith.constant 0 : i32
    %c0_i32_0 = arith.constant 0 : i32
    %c0_i32_1 = arith.constant 0 : i32
    return %c0_i32, %c0_i32_0 : i32, i32
  }
  func.func @transform_9(%arg0: i32) -> (i32, i32) {
    %c0_i32 = arith.constant 0 : i32
    %c0_i32_0 = arith.constant 0 : i32
    return %arg0, %c0_i32 : i32, i32
  }
}

</mosaic_0001>

<sc_bundles>
// kernel: kernel.12.cloned.1.call-start
scs
__scs_entry_jumppad:
0x0: {  	(pc) =	sbr.rel $0x88, $3  }
0x1: {  	(tag) =	ssettag $0x0;
	lr =	simm.s32 $0x1  }
0x2: {  	[smem:$0x3F97] =	sst lr;
	_ =	strace $0xD0000000  }
0x3: {  	_ = 	snop  }
0x4: {  	_ = 	snop  }
0x5: {  	_ = 	snop  }
0x6: {  	_ = 	snop  }
0x7: {  	_ = 	snop  }
__scs_overlays_trampoline_lowered:
0x8: {  	[smem:$0x3FA6] =	sst s0  }
0x9: {  	[smem:$0x3FA7] =	sst s1  }
0xa: {  	[smem:$0x3FA8] =	sst s2  }
0xb: {  	[smem:$0x3FA9] =	sst s3  }
0xc: {  	[smem:$0x3FAA] =	sst s4  }
0xd: {  	[smem:$0x3FAB] =	sst s5  }
0xe: {  	[smem:$0x3FAC] =	sst s6  }
0xf: {  	[smem:$0x3FAD] =	sst s7  }
0x10: {  	[smem:$0x3FAE] =	sst s8  }
0x11: {  	[smem:$0x3FAF] =	sst s9;
	s0 =	simm.s32 @!p0 $0x0  }
0x12: {  	s1 =	sld [smem:$0x3F95];
	s0 =	simm.s32 @p0 $0x1  }
0x13: {  	[smem:$0x3FB0] =	sst s0;
	s0 =	simm.s32 @!p1 $0x0  }
0x14: {  	s2 =	sld [smem:$0x3F94];
	s0 =	simm.s32 @p1 $0x1  }
0x15: {  	[smem:$0x3FB1] =	sst s0;
	s0 =	simm.s32 @!p2 $0x0  }
0x16: {  	s3 =	sld [smem:$0x3FDB];
	s0 =	simm.s32 @p2 $0x1  }
0x17: {  	s4 =	simm.s32 $0x1BF5;
	[smem:$0x3FB3] =	sst s0  }
0x18: {  	s0 =	sld [smem:$0x3F96];
	_ =	swait.ge [sflag:s4], $0x0  }
0x19: {  	s7 =	sld [smem:$0x3F97]  }
0x1a: {  	s8 =	sadd.s32 $0xFFFFE003, lr  }
0x1b: {  	s9 =	sadd.s32 $0xFFFFFEF7, lr;
	s5 =	simm.s32 $0xFFFFFFFF;
	p2 =	slt.u32 s8, $0xFFFFF086  }
0x1c: {  	p1 =	slt.u32 s9, $0xF7A;
	s5 =	simm.s32 @!p2 $0x0  }
0x1d: {  	s5 =	simm.s32 @p1 $0x1;
	p0 =	seq.s32 s7, s2  }
0x1e: {  	s7 =	smul.u32 @!p0 $0xF7A, s2;
	p2 =	seq.s32 @!p0 s5, $0x0  }
0x1f: {  	s9 =	smul.u32 $0xF7A, s1;
	s8 =	simm.s32 @!p0 $0x1BF5;
	p2 =	por !p2, p0  }
0x20: {  	[sflag:s8] =	ssyncset.s32 @!p0 $0xFFFFF086;
	s6 =	sadd.s32 @!p0 s3, s7;
	s7 =	simm.s32 @!p0 $0x108  }
0x21: {  	s3 =	sadd.s32 s3, s9;
	s6 =	sadd.s32 @!p0 $0x88, s6;
	s7 =	simm.s32 @p2 $0x1082  }
0x22: {  	[simem:s7], [sflag:s8] =	dma.local @!p0 [hbm:s6], $0xF7A  }
0x23: {  	s9 =	sor.u32 $0xD0000000, s2;
	s6 =	simm.s32 $0x108;
	_ =	swait.ge @!p0 [sflag:s8], $0x0  }
0x24: {  	s3 =	sadd.s32 $0x88, s3;
	s6 =	simm.s32 @!p1 $0x1082;
	[sflag:s4] =	ssyncset.s32 $0xFFFFF086  }
0x25: {  	[simem:s6], [sflag:s4] =	dma.local [hbm:s3], $0xF7A  }
0x26: {  	[smem:$0x3F97] =	sst s1;
	(tag) =	ssettag s2;
	_ =	strace s9  }
0x27: {  	s1 =	sld [smem:$0x3FA7]  }
0x28: {  	s2 =	sld [smem:$0x3FA8]  }
0x29: {  	s4 =	sld [smem:$0x3FAA]  }
0x2a: {  	p0 =	seq.s32 s5, $0x0;
	s5 =	sld [smem:$0x3FAB]  }
0x2b: {  	s6 =	sld [smem:$0x3FAC]  }
0x2c: {  	s7 =	sld [smem:$0x3FAD]  }
0x2d: {  	s3 =	simm.s32 $0x108;
	s8 =	sld [smem:$0x3FAE]  }
0x2e: {  	s3 =	simm.s32 @!p0 $0x1082;
	s9 =	sld [smem:$0x3FAF]  }
0x2f: {  	lr =	sadd.s32 s0, s3;
	s0 =	sld [smem:$0x3FA6]  }
0x30: {  	s3 =	sld [smem:$0x3FA9]  }
0x31: {  	[smem:$0x3FB2] =	sst s10  }
0x32: {  	s10 =	sld [smem:$0x3FB0];
	_ =	sdelay $0x3  }
0x33: {  	p0 =	seq.s32 s10, $0x1;
	s10 =	sld [smem:$0x3FB2];
	_ =	sdelay $0x3  }
0x34: {  	[smem:$0x3FB2] =	sst s10  }
0x35: {  	s10 =	sld [smem:$0x3FB1];
	_ =	sdelay $0x3  }
0x36: {  	p1 =	seq.s32 s10, $0x1;
	s10 =	sld [smem:$0x3FB2];
	_ =	sdelay $0x3  }
0x37: {  	[smem:$0x3FB2] =	sst s10  }
0x38: {  	s10 =	sld [smem:$0x3FB3]  }
0x39: {  	_ = 	snop;
	(pc) =	sbr.ind lr, $3  }
0x3a: {  	_ = 	snop  }
0x3b: {  	_ = 	snop  }
0x3c: {  	p2 =	seq.s32 s10, $0x1;
	s10 =	sld [smem:$0x3FB2]  }
0x3d: {  	_ =	shalt  }
0x3e: {  	_ =	shalt  }
0x3f: {  	_ =	shalt  }
0x40: {  	_ =	shalt  }
0x41: {  	_ =	shalt  }
0x42: {  	_ =	shalt  }
0x43: {  	_ =	shalt  }
0x44: {  	_ =	shalt  }
0x45: {  	_ =	shalt  }
0x46: {  	_ =	shalt  }
0x47: {  	_ =	shalt  }
0x48: {  	_ =	shalt  }
0x49: {  	_ =	shalt  }
0x4a: {  	_ =	shalt  }
0x4b: {  	_ =	shalt  }
0x4c: {  	_ =	shalt  }
0x4d: {  	_ =	shalt  }
0x4e: {  	_ =	shalt  }
0x4f: {  	_ =	shalt  }
0x50: {  	_ =	shalt  }
0x51: {  	_ =	shalt  }
0x52: {  	_ =	shalt  }
0x53: {  	_ =	shalt  }
0x54: {  	_ =	shalt  }
0x55: {  	_ =	shalt  }
0x56: {  	_ =	shalt  }
0x57: {  	_ =	shalt  }
0x58: {  	_ =	shalt  }
0x59: {  	_ =	shalt  }
0x5a: {  	_ =	shalt  }
0x5b: {  	_ =	shalt  }
0x5c: {  	_ =	shalt  }
0x5d: {  	_ =	shalt  }
0x5e: {  	_ =	shalt  }
0x5f: {  	_ =	shalt  }
0x60: {  	_ =	shalt  }
0x61: {  	_ =	shalt  }
0x62: {  	_ =	shalt  }
0x63: {  	_ =	shalt  }
0x64: {  	_ =	shalt  }
0x65: {  	_ =	shalt  }
0x66: {  	_ =	shalt  }
0x67: {  	_ =	shalt  }
0x68: {  	_ =	shalt  }
0x69: {  	_ =	shalt  }
0x6a: {  	_ =	shalt  }
0x6b: {  	_ =	shalt  }
0x6c: {  	_ =	shalt  }
0x6d: {  	_ =	shalt  }
0x6e: {  	_ =	shalt  }
0x6f: {  	_ =	shalt  }
0x70: {  	_ =	shalt  }
0x71: {  	_ =	shalt  }
0x72: {  	_ =	shalt  }
0x73: {  	_ =	shalt  }
0x74: {  	_ =	shalt  }
0x75: {  	_ =	shalt  }
0x76: {  	_ =	shalt  }
0x77: {  	_ =	shalt  }
0x78: {  	_ =	shalt  }
0x79: {  	_ =	shalt  }
0x7a: {  	_ =	shalt  }
0x7b: {  	_ =	shalt  }
0x7c: {  	_ =	shalt  }
0x7d: {  	_ =	shalt  }
0x7e: {  	_ =	shalt  }
0x7f: {  	_ =	shalt  }
0x80: {  	_ =	shalt  }
0x81: {  	_ =	shalt  }
0x82: {  	_ =	shalt  }
0x83: {  	_ =	shalt  }
0x84: {  	_ =	shalt  }
0x85: {  	_ =	shalt  }
0x86: {  	_ =	shalt  }
0x87: {  	_ =	shalt  }
.Lfunc_end0:
.L_simem_size_0:
called_computation.2_lowered:
.L_overlay_start_0:
0x88: {  	s2 =	sld [smem:$0x3FD9]  }
0x89: {  	s3 =	sld [smem:$0x3FFE];
	_ =	sdelay $0x1  }
0x8a: {  	s1 =	srdreg.scid  }
0x8b: {  	s0 =	sand.u32 $0x1, s1  }
0x8c: {  	s17 =	sshll.u32 s0, $0xA;
	s2 =	sadd.s32 s3, s2  }
0x8d: {  	s2 =	sadd.s32 s2, s17  }
0x8e: {  	[smem:$0x3FBE] =	sst s2  }
0x8f: {  	_ = 	snop  }
0x90: {  	s2 =	sld [smem:$0x3FC7];
	(tm) =	ssettm $0x1  }
0x91: {  	s18 =	sld [smem:$0x3FFB];
	_ =	sdelay $0x3  }
0x92: {  	_ =	strace s18  }
0x93: {  	s3 =	sld [smem:$0x3FFC];
	_ =	sdelay $0x3  }
0x94: {  	_ =	strace s3  }
0x95: {  	s3 =	sld [smem:$0x3FFD];
	_ =	sdelay $0x3  }
0x96: {  	_ =	strace s3  }
0x97: {  	_ =	strace $0x8FFFFFFF  }
0x98: {  	s19 =	sld [smem:$0x3FDB];
	_ =	sdelay $0x1  }
0x99: {  	s4 =	simm.s32 $_scs_section_size  }
0x9a: {  	s5 =	simm.s32 $_size__tile_overlayer_lowered;
	s6 =	simm.s32 $_tile_overlayer_lowered  }
0x9b: {  	s22 =	simm.s32 $0x1BFF;
	s21 =	sshll.u32 s6, $0x1;
	s3 =	sadd.s32 s4, s19  }
0x9c: {  	s7 =	simm.s32 $0x0;
	s20 =	sshll.u32 s5, $0x1;
	s5 =	sadd.s32 s21, s3  }
0x9d: {  	[timem:s7], [sflag:s22] =	dma.local [hbm:s5], s20  }
0x9e: {  	_ =	swait.ge [sflag:s22], s20  }
0x9f: {  	s4 =	ssub.s32 $0x0, s20;
	[sflag:s22] =	ssyncset.done $0x0  }
0xa0: {  	[sflag:s22] =	ssyncadd.s32 s4;
	_ =	sdelay $0x1  }
0xa1: {  	s23 =	simm.s32 $0x1B8B  }
0xa2: {  	_ =	swait.ge [sflag:s23], $0x1  }
0xa3: {  	[sflag:s23] =	ssyncset.done $0x0  }
0xa4: {  	s25 =	simm.s32 $0x1B8E;
	s24 =	sld [smem:$0x3FFE];
	[sflag:s23] =	ssyncadd.s32 $0xFFFFFFFF  }
0xa5: {  	s26 =	simm.s32 $execute0_lowered;
	[smem:$0x3FD2] =	sst s25  }
0xa6: {  	s5 =	sshll.u32 s26, $0x1;
	_ =	strace $0x8000004C;
	[dreg:$0x1] =	wrdreg $0xFFFFFFFF  }
0xa7: {  	s28 =	simm.s32 $_size_execute0_lowered;
	s3 =	sadd.s32 s3, s5;
	[dreg:$0x0] =	wrdreg $0x0  }
0xa8: {  	s5 =	sshll.u32 s28, $0x1;
	[dreg:$0x2] =	wrdreg s3  }
0xa9: {  	[dreg:$0x3] =	wrdreg s5  }
0xaa: {  	[dreg:$0x4] =	wrdreg $0xC0  }
0xab: {  	_ =	task [dreg:s7], $0x5FFFF  }
0xac: {  	[dreg:$0x1] =	wrdreg $0xFFFFFFFF  }
0xad: {  	[dreg:$0x0] =	wrdreg $0x60  }
0xae: {  	[dreg:$0x2] =	wrdreg s24  }
0xaf: {  	[dreg:$0x3] =	wrdreg s2  }
0xb0: {  	[dreg:$0x4] =	wrdreg $0x1BC000  }
0xb1: {  	[dreg:$0x5] =	wrdreg $0x1A3800  }
0xb2: {  	[dreg:$0x6] =	wrdreg $0x9  }
0xb3: {  	_ =	task.clear_ibuf [dreg:s7], $0x7FFFF;
	_ =	strace $0x9000004C  }
0xb4: {  	s29 =	simm.s32 $0x9;
	_ =	strace $0x8000004E  }
0xb5: {  	_ =	swait.ge [sflag:s29], $0x1  }
0xb6: {  	[sflag:s29] =	ssyncadd.s32 $0xFFFFFFFF  }
0xb7: {  	_ =	strace $0x9000004E  }
0xb8: {  	_ =	sfence  }
0xb9: {  	s30 =	sld [smem:$0x0];
	_ =	sdelay $0x2  }
0xba: {  	s31 =	sshll.u32 s1, $0xD;
	s1 =	sshrl.u32 s1, $0x2  }
0xbb: {  	s3 =	sand.u32 $0x4000, s31;
	s1 =	sadd.s32 s1, s30  }
0xbc: {  	s0 =	sor.u32 s3, s0;
	s1 =	sshll.u32 s1, $0x11  }
0xbd: {  	s0 =	sor.u32 s1, s0  }
0xbe: {  	s0 =	sadd.s32 $0x8F2B, s0  }
0xbf: {  	[sflag:s0] =	ssyncadd.remote.s32 $0x1  }
0xc0: {  	_ =	sfence.sel $0xFFFF  }
0xc1: {  	[dreg:$0x0] =	wrdreg $0xFFFFFFFF;
	(pc) =	sbr.abs _section_cstart, $3  }
0xc2: {  	[dreg:$0x1] =	wrdreg $0xFFFFFFFF  }
0xc3: {  	_ =	task.clear_ibuf [dreg:s7], $0x2FFFF;
	_ =	strace $0x9FFFFFFF  }
0xc4: {  	(tm) =	ssettm $0x7FFFFFFF  }
0xc5: {  	_ =	shalt  }
tec
execute0_lowered:
.L_overlay_start_1:
0x0: {  	(tag) =	ssettag $0x1  }
0x1: {  	s0 =	rddreg [dreg:$0x0]  }
0x2: {  	s1 =	rddreg [dreg:$0x1]  }
0x3: {  	s3 =	rddreg [dreg:$0x2]  }
0x4: {  	s4 =	rddreg [dreg:$0x3];
	s5 =	simm.s32 $0x0  }
0x5: {  	s11 =	stileid.u32;
	s2 =	srdreg.scid;
	s13 =	simm.s32 $0x18B00  }
0x6: {  	s28 =	simm.s32 $0x1;
	s29 =	simm.s32 $0x2;
	s30 =	simm.s32 $0x3  }
0x7: {  	s31 =	simm.s32 $0x2710;
	[smem:$0x7FF] =	sst s5;
	s7 =	smul.u32 $0x1880, s11  }
0x8: {  	s2 =	sand.u32 $0x1, s2;
	s6 =	sadd.s32 $0x2C00, s0;
	_ =	strace $0x8000004D  }
0x9: {  	s8 =	smul.u32 $0x18800, s2;
	s10 =	sshll.u32 s2, $0x4;
	s2 =	ssub.s32 $0x2, s2  }
0xa: {  	s9 =	sshrl.u32 s7, $0x3;
	s10 =	sor.u32 s11, s10;
	s18 =	sshrl.u32 s2, $0x1  }
0xb: {  	s12 =	sadd.s32 s7, s3;
	s11 =	simm.s32 $0x16380;
	s8 =	sadd.s32 s7, s8  }
0xc: {  	s10 =	smul.u32 $0x30D40, s10;
	s9 =	sadd.s32 s9, s0;
	s2 =	ssub.s32 s2, s18  }
0xd: {  	s7 =	sadd.s32 s7, s4;
	[dreg:$0x5] =	wrdreg s12;
	s8 =	sshrl.u32 s8, $0x3  }
0xe: {  	s19 =	sadd.s32 $0x189600, s9;
	[dreg:$0x7] =	wrdreg s7;
	s26 =	smax.u32 s2, $0x1  }
0xf: {  	s2 =	simm.s32 $0x13C00;
	s9 =	simm.s32 $0x11480;
	s0 =	sadd.s32 s8, s0  }
0x10: {  	[dreg:$0x6] =	wrdreg s19;
	s20 =	sshrl.u32 s10, $0x3;
	s16 =	sadd.s32 $0x4E20, s10  }
0x11: {  	s17 =	sadd.s32 $0x7530, s10;
	[dreg:$0xf] =	wrdreg s26;
	s8 =	sadd.s32 s1, s20  }
0x12: {  	s26 =	simm.s32 $0xC580;
	s21 =	sadd.s32 s6, s20;
	[dreg:$0xa] =	wrdreg s8  }
0x13: {  	s10 =	simm.s32 $0x0;
	s0 =	sadd.s32 $0x18C800, s0;
	[dreg:$0x8] =	wrdreg s21  }
0x14: {  	s22 =	sadd.s32 $0x4E2, s20;
	s23 =	sadd.s32 $0xC3500, s21;
	[dreg:$0xe] =	wrdreg s0  }
.Ltmp0:
0x15: {  	s24 =	sadd.s32 s6, s22;
	[dreg:$0x9] =	wrdreg s23;
	(pc) =	sbr.rel .LBB2_1-.Ltmp0, $4  }
0x16: {  	s25 =	sadd.s32 $0xC39E2, s21;
	s7 =	sadd.s32 s1, s22;
	[dreg:$0xb] =	wrdreg s24  }
0x17: {  	s21 =	simm.s32 $0x9;
	s0 =	simm.s32 $0xED00;
	[dreg:$0xc] =	wrdreg s25  }
0x18: {  	s22 =	simm.s32 $0x4;
	s8 =	simm.s32 $0x6;
	[dreg:$0xd] =	wrdreg s7  }
0x19: {  	v0 =	vimm.f32 $0.0e+00;
	s24 =	simm.s32 $0x2780;
	s25 =	simm.s32 $0x7680;
	s23 =	simm.s32 $0x5  }
.LBB2_10:
0x1a: {  	s7 =	simm.s32 $0x7  }
0x1b: {  	_ =	swait.ge [sflag:s7], $0x2710  }
0x1c: {  	[sflag:s7] =	ssyncset.done $0x0  }
0x1d: {  	s18 =	simm.s32 $0x8;
	[sflag:s7] =	ssyncadd.s32 $0xFFFFD8F0  }
0x1e: {  	_ =	swait.ge [sflag:s18], $0x2710  }
0x1f: {  	[sflag:s18] =	ssyncset.done $0x0  }
0x20: {  	[sflag:s18] =	ssyncadd.s32 $0xFFFFD8F0  }
0x21: {  	[bflag:$0x0] =	sbarrier.arrive $0xFFFF  }
0x22: {  	s13 =	simm.s32 $0x18B00;
	s12 =	rddreg [dreg:$0x5]  }
0x23: {  	[tilespmem:s13], [sflag:$0x9] =	stream.linear.gather [spmem:s12], $0x1880, $0x38;
	[tilespmem:$0x1D480] =	vst v63  }
0x24: {  	_ =	swait.ge [sflag:s21], $0x1880  }
0x25: {  	[sflag:s21] =	ssyncset.done $0x0  }
0x26: {  	s19 =	rddreg [dreg:$0xe];
	[sflag:s21] =	ssyncadd.s32 $0xFFFFE780  }
0x27: {  	[hbm4b:s19+s5] =	stream.linear.scatter [tilespmem:s13], [sflag:$0x9], $0x1880, $0x38;
	[tilespmem:$0x1D480] =	vst v63  }
0x28: {  	_ =	swait.ge [sflag:s21], $0x1880  }
0x29: {  	s10 =	rddreg [dreg:$0x10]  }
0x2a: {  	s20 =	rddreg [dreg:$0xf];
	s10 =	sadd.s32 $0x1, s10  }
0x2b: {  	p0 =	sne.s32 s10, s20  }
.Ltmp1:
0x2c: {  	_ = 	snop;
	(pc) =	sbr.rel @!p0 .LBB2_11-.Ltmp1, $3  }
0x2d: {  	_ =	sdelay $0x1  }
0x2e: {  	[sflag:s21] =	ssyncset.done $0x0  }
0x2f: {  	[sflag:s21] =	ssyncadd.s32 $0xFFFFE780  }
.LBB2_1:
0x30: {  	[dreg:$0x10] =	wrdreg s10;
	s7 =	simm.s32 $0x18B40  }
0x31: {  	[tilespmem:s7+$0xFFFFFFC0] =	vst v0  }
0x32: {  	[tilespmem:s7+$0x30] =	vst v0  }
0x33: {  	[tilespmem:s7+$0x20] =	vst v0  }
0x34: {  	[tilespmem:s7+$0x10] =	vst v0  }
0x35: {  	[tilespmem:s7+$0x0] =	vst v0  }
0x36: {  	[tilespmem:s7+$0xFFFFFFF0] =	vst v0  }
0x37: {  	s10 =	simm.s32 $0x0;
	[tilespmem:s7+$0xFFFFFFE0] =	vst v0  }
.LBB2_2:
0x38: {  	s10 =	sadd.s32 $0x80, s10;
	[tilespmem:s7+$0xFFFFFFD0] =	vst v0;
	s7 =	sadd.s32 $0x80, s7  }
0x39: {  	[tilespmem:s7+$0xFFFFFFC0] =	vst v0;
	p0 =	slt.u32 s10, $0x1800  }
0x3a: {  	[tilespmem:s7+$0x30] =	vst v0  }
.Ltmp2:
0x3b: {  	[tilespmem:s7+$0x20] =	vst v0;
	(pc) =	sbr.rel @p0 .LBB2_2-.Ltmp2, $4  }
0x3c: {  	[tilespmem:s7+$0x10] =	vst v0  }
0x3d: {  	[tilespmem:s7+$0x0] =	vst v0  }
0x3e: {  	[tilespmem:s7+$0xFFFFFFF0] =	vst v0  }
0x3f: {  	[tilespmem:s7+$0xFFFFFFE0] =	vst v0  }
0x40: {  	[tilespmem:s7+$0xFFFFFFD0] =	vst v0  }
0x41: {  	[spmem:s12] =	stream.linear.scatter [tilespmem:s13], [sflag:$0x9], $0x1880, $0x38;
	[tilespmem:$0x1D480] =	vst v63  }
0x42: {  	_ =	swait.ge [sflag:s21], $0x1880  }
0x43: {  	[sflag:s21] =	ssyncset.done $0x0  }
0x44: {  	s15 =	simm.s32 $0x0;
	s19 =	rddreg [dreg:$0x6];
	[sflag:s21] =	ssyncadd.s32 $0xFFFFE780  }
0x45: {  	[tilespmem:s13], [sflag:$0x9] =	stream.linear.gather [hbm4b:s19+s15], $0x1880, $0x38;
	[tilespmem:$0x1D480] =	vst v63  }
0x46: {  	_ =	swait.ge [sflag:s21], $0x1880  }
0x47: {  	[sflag:s21] =	ssyncset.done $0x0  }
0x48: {  	s20 =	rddreg [dreg:$0x7];
	[sflag:s21] =	ssyncadd.s32 $0xFFFFE780  }
0x49: {  	[spmem:s20] =	stream.linear.scatter [tilespmem:s13], [sflag:$0x9], $0x1880, $0x38;
	[tilespmem:$0x1D480] =	vst v63  }
0x4a: {  	_ =	swait.ge [sflag:s21], $0x1880  }
0x4b: {  	[sflag:s21] =	ssyncset.done $0x0  }
0x4c: {  	[sflag:s21] =	ssyncadd.s32 $0xFFFFE780  }
0x4d: {  	[bflag:$0x0] =	sbarrier.arrive $0xFFFF  }
0x4e: {  	s10 =	rddreg [dreg:$0x8]  }
0x4f: {  	[tilespmem:s15], [sflag:$0x1] =	stream.linear.gather [hbm4b:s10+s15], $0x2710, $0x38;
	[tilespmem:$0x1D480] =	vst v63  }
0x50: {  	s12 =	rddreg [dreg:$0x9];
	s10 =	simm.s32 $0x4F00  }
0x51: {  	[tilespmem:s10], [sflag:$0x2] =	stream.linear.gather [hbm4b:s12+s15], $0x2710, $0x38;
	[tilespmem:$0x1D480] =	vst v63  }
0x52: {  	s14 =	simm.s32 $0x9E00;
	s13 =	rddreg [dreg:$0xa]  }
0x53: {  	[tilespmem:s14], [sflag:$0x3] =	stream.linear.gather [hbm4b:s13+s15], $0x2710, $0x38;
	[tilespmem:$0x1D480] =	vst v63  }
0x54: {  	s18 =	rddreg [dreg:$0xb]  }
0x55: {  	[tilespmem:s24], [sflag:$0x4] =	stream.linear.gather [hbm4b:s18+s15], $0x2710, $0x38;
	[tilespmem:$0x1D480] =	vst v63  }
0x56: {  	s19 =	rddreg [dreg:$0xc]  }
0x57: {  	[tilespmem:s25], [sflag:$0x5] =	stream.linear.gather [hbm4b:s19+s15], $0x2710, $0x38;
	[tilespmem:$0x1D480] =	vst v63  }
0x58: {  	s20 =	rddreg [dreg:$0xd]  }
0x59: {  	[tilespmem:s26], [sflag:$0x6] =	stream.linear.gather [hbm4b:s20+s15], $0x2710, $0x38;
	[tilespmem:$0x1D480] =	vst v63  }
.LBB2_4:
0x5a: {  	_ =	swait.ge [sflag:s28], $0x2710  }
0x5b: {  	[sflag:s28] =	ssyncset.done $0x0  }
0x5c: {  	[sflag:s28] =	ssyncadd.s32 $0xFFFFD8F0  }
0x5d: {  	_ =	swait.ge [sflag:s29], $0x2710  }
0x5e: {  	[sflag:s29] =	ssyncset.done $0x0  }
0x5f: {  	[sflag:s29] =	ssyncadd.s32 $0xFFFFD8F0  }
0x60: {  	_ =	swait.ge [sflag:s30], $0x2710  }
0x61: {  	p0 =	seq.s32 s15, $0x0;
	[sflag:s30] =	ssyncset.done $0x0  }
0x62: {  	s7 =	simm.s32 @!p0 $0x7;
	[sflag:s30] =	ssyncadd.s32 $0xFFFFD8F0  }
0x63: {  	_ =	swait.ge @!p0 [sflag:s7], $0x2710  }
0x64: {  	[sflag:s7] =	ssyncset.done @!p0 $0x0  }
0x65: {  	[sflag:s7] =	ssyncadd.s32 @!p0 $0xFFFFD8F0  }
0x66: {  	[tilespmem:s0], [sflag:$0x9] =	stream.indirect.gather [spmem:s4], $0x1, s5, s31, $0xb8;
	[tilespmem:$0x1D480] =	vst v63  }
0x67: {  	_ =	swait.ge [sflag:s21], $0x2710  }
0x68: {  	[sflag:s21] =	ssyncset.done $0x0  }
0x69: {  	s20 =	simm.s32 $0xED20;
	[sflag:s21] =	ssyncadd.s32 $0xFFFFD8F0  }
0x6a: {  	s10 =	simm.s32 $0x9E20;
	v1 =	vld [tilespmem:s20+$0x20]  }
0x6b: {  	v2 =	vld [tilespmem:s10+$0x20]  }
0x6c: {  	v3 =	vld [tilespmem:s20+$0xFFFFFFF0]  }
0x6d: {  	v4 =	vld [tilespmem:s10+$0xFFFFFFF0]  }
0x6e: {  	v5 =	vld [tilespmem:s20+$0x0]  }
0x6f: {  	v6 =	vld [tilespmem:s10+$0x0]  }
0x70: {  	v7 =	vld [tilespmem:s10+$0xFFFFFFE0]  }
0x71: {  	s18 =	simm.s32 $0xED70;
	v8 =	vld [tilespmem:s10+$0x10]  }
0x72: {  	s10 =	simm.s32 $0x9E70;
	v11 =	vld [tilespmem:s18+$0xFFFFFFF0]  }
0x73: {  	v10 =	vld [tilespmem:s10+$0x20]  }
0x74: {  	v12 =	vld [tilespmem:s10+$0xFFFFFFF0];
	v1 =	vmul.f32 v2, v1  }
0x75: {  	v62 =	vld [tilespmem:s10+$0x10]  }
0x76: {  	s13 =	simm.s32 $0x4F20;
	v2 =	vld [tilespmem:s20+$0x10];
	[tilespmem:s20+$0x20] =	vst v1;
	v1 =	vmul.f32 v4, v3;
	v4 =	vmul.f32 v6, v5  }
0x77: {  	v3 =	vld [tilespmem:s13+$0x20]  }
0x78: {  	[tilespmem:s20+$0x0] =	vst v4;
	v4 =	vld [tilespmem:s18+$0x20]  }
0x79: {  	v5 =	vld [tilespmem:s20+$0xFFFFFFE0]  }
0x7a: {  	[tilespmem:s20+$0xFFFFFFF0] =	vst v1;
	v1 =	vld [tilespmem:s10+$0xFFFFFFE0]  }
0x7b: {  	v6 =	vld [tilespmem:s13+$0xFFFFFFF0]  }
0x7c: {  	s19 =	simm.s32 $0x13C20;
	v2 =	vmul.f32 v8, v2;
	v8 =	vld [tilespmem:s18+$0x0]  }
0x7d: {  	[tilespmem:s19+$0x20] =	vst v3;
	v3 =	vmul.f32 v10, v4;
	v4 =	vld [tilespmem:s10+$0x0]  }
0x7e: {  	v9 =	vld [tilespmem:s13+$0x0];
	v5 =	vmul.f32 v7, v5;
	[tilespmem:s20+$0x10] =	vst v2  }
0x7f: {  	s12 =	simm.s32 $0x4F70;
	v7 =	vld [tilespmem:s18+$0x10];
	v2 =	vmul.f32 v12, v11;
	[tilespmem:s18+$0x20] =	vst v3  }
0x80: {  	[tilespmem:s20+$0xFFFFFFE0] =	vst v5;
	v63 =	vld [tilespmem:s12+$0x20]  }
0x81: {  	v5 =	vld [tilespmem:s18+$0xFFFFFFE0];
	[tilespmem:s18+$0xFFFFFFF0] =	vst v2  }
0x82: {  	[tilespmem:s19+$0xFFFFFFF0] =	vst v6;
	v2 =	vmul.f32 v4, v8;
	v4 =	vld [tilespmem:s13+$0xFFFFFFE0]  }
0x83: {  	[tilespmem:s19+$0x0] =	vst v9;
	v3 =	vld [tilespmem:s12+$0xFFFFFFF0]  }
0x84: {  	v7 =	vmul.f32 v62, v7;
	[tilespmem:s18+$0x0] =	vst v2;
	v2 =	vld [tilespmem:s13+$0x10];
	s13 =	simm.s32 $0x13C70  }
0x85: {  	s14 =	simm.s32 $0xEDC0;
	s7 =	simm.s32 $0x50;
	s20 =	simm.s32 $0x4F70;
	v6 =	vld [tilespmem:s12+$0x0];
	[tilespmem:s13+$0x20] =	vst v63  }
.LBB2_5:
0x86: {  	v8 =	vld [tilespmem:s14+$0x20];
	v5 =	vmul.f32 v1, v5;
	[tilespmem:s18+$0x10] =	vst v7;
	s10 =	sadd.s32 $0x50, s10  }
0x87: {  	s7 =	sadd.s32 $0x50, s7;
	v7 =	vld [tilespmem:s10+$0x20];
	[tilespmem:s19+$0xFFFFFFE0] =	vst v4  }
0x88: {  	p1 =	slt.u32 s7, $0x26C0;
	v1 =	vld [tilespmem:s10+$0xFFFFFFE0];
	[tilespmem:s18+$0xFFFFFFE0] =	vst v5;
	s18 =	smov.u32 s14  }
0x89: {  	v4 =	vld [tilespmem:s14+$0xFFFFFFF0];
	[tilespmem:s13+$0xFFFFFFF0] =	vst v3  }
0x8a: {  	v3 =	vld [tilespmem:s10+$0xFFFFFFF0];
	[tilespmem:s13+$0x0] =	vst v6  }
0x8b: {  	v6 =	vld [tilespmem:s14+$0x0];
	[tilespmem:s19+$0x10] =	vst v2;
	s19 =	smov.u32 s13  }
0x8c: {  	v2 =	vld [tilespmem:s10+$0x0];
	v5 =	vmul.f32 v7, v8  }
0x8d: {  	v7 =	vld [tilespmem:s14+$0x10]  }
0x8e: {  	s12 =	sadd.s32 $0x50, s12;
	v8 =	vld [tilespmem:s10+$0x10];
	[tilespmem:s14+$0x20] =	vst v5  }
0x8f: {  	v3 =	vmul.f32 v3, v4;
	v9 =	vld [tilespmem:s12+$0x20]  }
.Ltmp3:
0x90: {  	v5 =	vld [tilespmem:s14+$0xFFFFFFE0];
	(pc) =	sbr.rel @p1 .LBB2_5-.Ltmp3, $4  }
0x91: {  	[tilespmem:s14+$0xFFFFFFF0] =	vst v3;
	v2 =	vmul.f32 v2, v6;
	v4 =	vld [tilespmem:s20+$0xFFFFFFE0]  }
0x92: {  	v3 =	vld [tilespmem:s12+$0xFFFFFFF0]  }
0x93: {  	s13 =	sadd.s32 $0x50, s13;
	[tilespmem:s14+$0x0] =	vst v2;
	v7 =	vmul.f32 v8, v7;
	v2 =	vld [tilespmem:s20+$0x10];
	s20 =	smov.u32 s12  }
0x94: {  	s14 =	sadd.s32 $0x50, s14;
	v6 =	vld [tilespmem:s12+$0x0];
	[tilespmem:s13+$0x20] =	vst v9  }
0x95: {  	v1 =	vmul.f32 v1, v5;
	[tilespmem:s18+$0x10] =	vst v7  }
0x96: {  	[tilespmem:s19+$0xFFFFFFE0] =	vst v4  }
0x97: {  	v4 =	vld [tilespmem:s20+$0x10];
	[tilespmem:s18+$0xFFFFFFE0] =	vst v1  }
0x98: {  	v1 =	vld [tilespmem:s20+$0xFFFFFFE0]  }
0x99: {  	p1 =	seq.s32 s15, $0x9;
	[tilespmem:s13+$0xFFFFFFF0] =	vst v3  }
0x9a: {  	s7 =	smul.u32 @!p1 $0x4E20, s15;
	[tilespmem:s19+$0x10] =	vst v2  }
0x9b: {  	[tilespmem:s13+$0x0] =	vst v6  }
0x9c: {  	s7 =	sadd.s32 @!p1 s7, s16;
	[tilespmem:s13+$0x10] =	vst v4  }
0x9d: {  	s7 =	sshrl.u32 @!p1 s7, $0x3;
	[tilespmem:s13+$0xFFFFFFE0] =	vst v1  }
0x9e: {  	[spmem:s3] =	stream.indirect.scatter.add.f32 [tilespmem:s0], [sflag:$0x7], $0x1, s2, s31, $0xb8;
	[tilespmem:$0x1D480] =	vst v63  }
0x9f: {  	s12 =	simm.s32 @!p1 $0x0;
	s10 =	sadd.s32 @!p1 s6, s7  }
0xa0: {  	[tilespmem:s12], [sflag:$0x1] =	stream.linear.gather @!p1 [hbm4b:s10+s12], $0x2710, $0x38;
	[tilespmem:$0x1D480] =	vst v63  }
0xa1: {  	s13 =	simm.s32 @!p1 $0x4F00;
	s10 =	sadd.s32 @!p1 $0xC3500, s10  }
0xa2: {  	[tilespmem:s13], [sflag:$0x2] =	stream.linear.gather @!p1 [hbm4b:s10+s12], $0x2710, $0x38;
	[tilespmem:$0x1D480] =	vst v63  }
0xa3: {  	s7 =	sadd.s32 @!p1 s1, s7;
	s10 =	simm.s32 @!p1 $0x9E00  }
0xa4: {  	[tilespmem:s10], [sflag:$0x3] =	stream.linear.gather @!p1 [hbm4b:s7+s12], $0x2710, $0x38;
	[tilespmem:$0x1D480] =	vst v63  }
0xa5: {  	_ =	swait.ge [sflag:s22], $0x2710  }
0xa6: {  	[sflag:s22] =	ssyncset.done $0x0  }
0xa7: {  	[sflag:s22] =	ssyncadd.s32 $0xFFFFD8F0  }
0xa8: {  	_ =	swait.ge [sflag:s23], $0x2710  }
0xa9: {  	[sflag:s23] =	ssyncset.done $0x0  }
0xaa: {  	[sflag:s23] =	ssyncadd.s32 $0xFFFFD8F0  }
0xab: {  	_ =	swait.ge [sflag:s8], $0x2710  }
0xac: {  	[sflag:s8] =	ssyncset.done $0x0  }
0xad: {  	s7 =	simm.s32 @!p0 $0x8;
	[sflag:s8] =	ssyncadd.s32 $0xFFFFD8F0  }
0xae: {  	_ =	swait.ge @!p0 [sflag:s7], $0x2710  }
0xaf: {  	[sflag:s7] =	ssyncset.done @!p0 $0x0  }
0xb0: {  	[sflag:s7] =	ssyncadd.s32 @!p0 $0xFFFFD8F0  }
0xb1: {  	[tilespmem:s9], [sflag:$0x9] =	stream.indirect.gather [spmem:s4], $0x1, s24, s31, $0xb8;
	[tilespmem:$0x1D480] =	vst v63  }
0xb2: {  	_ =	swait.ge [sflag:s21], $0x2710  }
0xb3: {  	[sflag:s21] =	ssyncset.done $0x0  }
0xb4: {  	s14 =	simm.s32 $0x114A0;
	[sflag:s21] =	ssyncadd.s32 $0xFFFFD8F0  }
0xb5: {  	s19 =	simm.s32 $0xC5A0;
	v1 =	vld [tilespmem:s14+$0x20]  }
0xb6: {  	v2 =	vld [tilespmem:s19+$0x20]  }
0xb7: {  	v3 =	vld [tilespmem:s14+$0xFFFFFFF0]  }
0xb8: {  	v4 =	vld [tilespmem:s19+$0xFFFFFFF0]  }
0xb9: {  	v5 =	vld [tilespmem:s14+$0x0]  }
0xba: {  	v6 =	vld [tilespmem:s19+$0x0]  }
0xbb: {  	v7 =	vld [tilespmem:s19+$0xFFFFFFE0]  }
0xbc: {  	s10 =	simm.s32 $0xC5F0;
	v8 =	vld [tilespmem:s19+$0x10]  }
0xbd: {  	s18 =	simm.s32 $0x114F0;
	v10 =	vld [tilespmem:s10+$0x20]  }
0xbe: {  	v11 =	vld [tilespmem:s18+$0xFFFFFFF0]  }
0xbf: {  	v12 =	vld [tilespmem:s10+$0xFFFFFFF0];
	v1 =	vmul.f32 v2, v1  }
0xc0: {  	v62 =	vld [tilespmem:s10+$0x10]  }
0xc1: {  	s20 =	simm.s32 $0x76A0;
	v2 =	vld [tilespmem:s14+$0x10];
	[tilespmem:s14+$0x20] =	vst v1;
	v1 =	vmul.f32 v4, v3;
	v4 =	vmul.f32 v6, v5  }
0xc2: {  	v3 =	vld [tilespmem:s20+$0x20]  }
0xc3: {  	[tilespmem:s14+$0x0] =	vst v4;
	v4 =	vld [tilespmem:s18+$0x20]  }
0xc4: {  	v5 =	vld [tilespmem:s14+$0xFFFFFFE0]  }
0xc5: {  	[tilespmem:s14+$0xFFFFFFF0] =	vst v1;
	v1 =	vld [tilespmem:s10+$0xFFFFFFE0]  }
0xc6: {  	v6 =	vld [tilespmem:s20+$0xFFFFFFF0]  }
0xc7: {  	s19 =	simm.s32 $0x163A0;
	v2 =	vmul.f32 v8, v2;
	v8 =	vld [tilespmem:s18+$0x0]  }
0xc8: {  	[tilespmem:s19+$0x20] =	vst v3;
	v3 =	vmul.f32 v10, v4;
	v4 =	vld [tilespmem:s10+$0x0]  }
0xc9: {  	v9 =	vld [tilespmem:s20+$0x0];
	v5 =	vmul.f32 v7, v5;
	[tilespmem:s14+$0x10] =	vst v2  }
0xca: {  	s12 =	simm.s32 $0x76F0;
	v7 =	vld [tilespmem:s18+$0x10];
	v2 =	vmul.f32 v12, v11;
	[tilespmem:s18+$0x20] =	vst v3  }
0xcb: {  	[tilespmem:s14+$0xFFFFFFE0] =	vst v5;
	v63 =	vld [tilespmem:s12+$0x20]  }
0xcc: {  	v5 =	vld [tilespmem:s18+$0xFFFFFFE0];
	[tilespmem:s18+$0xFFFFFFF0] =	vst v2  }
0xcd: {  	[tilespmem:s19+$0xFFFFFFF0] =	vst v6;
	v2 =	vmul.f32 v4, v8;
	v4 =	vld [tilespmem:s20+$0xFFFFFFE0]  }
0xce: {  	[tilespmem:s19+$0x0] =	vst v9;
	v3 =	vld [tilespmem:s12+$0xFFFFFFF0]  }
0xcf: {  	s13 =	simm.s32 $0x163F0;
	v7 =	vmul.f32 v62, v7;
	[tilespmem:s18+$0x0] =	vst v2;
	v2 =	vld [tilespmem:s20+$0x10]  }
0xd0: {  	s7 =	simm.s32 $0x50;
	s14 =	simm.s32 $0x11540;
	s20 =	simm.s32 $0x76F0;
	v6 =	vld [tilespmem:s12+$0x0];
	[tilespmem:s13+$0x20] =	vst v63  }
.LBB2_7:
0xd1: {  	v8 =	vld [tilespmem:s14+$0x20];
	v5 =	vmul.f32 v1, v5;
	[tilespmem:s18+$0x10] =	vst v7;
	s10 =	sadd.s32 $0x50, s10  }
0xd2: {  	s7 =	sadd.s32 $0x50, s7;
	v7 =	vld [tilespmem:s10+$0x20];
	[tilespmem:s19+$0xFFFFFFE0] =	vst v4  }
0xd3: {  	p0 =	slt.u32 s7, $0x26C0;
	v1 =	vld [tilespmem:s10+$0xFFFFFFE0];
	[tilespmem:s18+$0xFFFFFFE0] =	vst v5;
	s18 =	smov.u32 s14  }
0xd4: {  	v4 =	vld [tilespmem:s14+$0xFFFFFFF0];
	[tilespmem:s13+$0xFFFFFFF0] =	vst v3  }
0xd5: {  	v3 =	vld [tilespmem:s10+$0xFFFFFFF0];
	[tilespmem:s13+$0x0] =	vst v6  }
0xd6: {  	v6 =	vld [tilespmem:s14+$0x0];
	[tilespmem:s19+$0x10] =	vst v2;
	s19 =	smov.u32 s13  }
0xd7: {  	v2 =	vld [tilespmem:s10+$0x0];
	v5 =	vmul.f32 v7, v8  }
0xd8: {  	v7 =	vld [tilespmem:s14+$0x10]  }
0xd9: {  	s12 =	sadd.s32 $0x50, s12;
	v8 =	vld [tilespmem:s10+$0x10];
	[tilespmem:s14+$0x20] =	vst v5  }
0xda: {  	v3 =	vmul.f32 v3, v4;
	v9 =	vld [tilespmem:s12+$0x20]  }
.Ltmp4:
0xdb: {  	v5 =	vld [tilespmem:s14+$0xFFFFFFE0];
	(pc) =	sbr.rel @p0 .LBB2_7-.Ltmp4, $4  }
0xdc: {  	[tilespmem:s14+$0xFFFFFFF0] =	vst v3;
	v2 =	vmul.f32 v2, v6;
	v4 =	vld [tilespmem:s20+$0xFFFFFFE0]  }
0xdd: {  	v3 =	vld [tilespmem:s12+$0xFFFFFFF0]  }
0xde: {  	s13 =	sadd.s32 $0x50, s13;
	[tilespmem:s14+$0x0] =	vst v2;
	v7 =	vmul.f32 v8, v7;
	v2 =	vld [tilespmem:s20+$0x10];
	s20 =	smov.u32 s12  }
0xdf: {  	s14 =	sadd.s32 $0x50, s14;
	v6 =	vld [tilespmem:s12+$0x0];
	[tilespmem:s13+$0x20] =	vst v9  }
0xe0: {  	v1 =	vmul.f32 v1, v5  }
0xe1: {  	[tilespmem:s18+$0x10] =	vst v7  }
0xe2: {  	v63 =	vld [tilespmem:s20+$0x10];
	[tilespmem:s18+$0xFFFFFFE0] =	vst v1  }
0xe3: {  	[tilespmem:s19+$0xFFFFFFE0] =	vst v4;
	v1 =	vld [tilespmem:s20+$0xFFFFFFE0]  }
0xe4: {  	[tilespmem:s13+$0xFFFFFFF0] =	vst v3  }
.Ltmp5:
0xe5: {  	[tilespmem:s19+$0x10] =	vst v2;
	(pc) =	sbr.rel @p1 .LBB2_10-.Ltmp5, $4  }
0xe6: {  	[tilespmem:s13+$0x0] =	vst v6  }
0xe7: {  	[tilespmem:s13+$0x10] =	vst v63  }
0xe8: {  	[tilespmem:s13+$0xFFFFFFE0] =	vst v1  }
0xe9: {  	[spmem:s3] =	stream.indirect.scatter.add.f32 [tilespmem:s9], [sflag:$0x8], $0x1, s11, s31, $0xb8;
	[tilespmem:$0x1D480] =	vst v63  }
0xea: {  	s7 =	smul.u32 $0x4E20, s15;
	_ =	sdelay $0x1  }
0xeb: {  	s7 =	sadd.s32 s7, s17  }
0xec: {  	s7 =	sshrl.u32 s7, $0x3  }
0xed: {  	s10 =	sadd.s32 s6, s7  }
0xee: {  	[tilespmem:s24], [sflag:$0x4] =	stream.linear.gather [hbm4b:s10+s5], $0x2710, $0x38;
	[tilespmem:$0x1D480] =	vst v63  }
.Ltmp6:
0xef: {  	_ = 	snop;
	(pc) =	sbr.rel .LBB2_4-.Ltmp6, $4  }
0xf0: {  	s10 =	sadd.s32 $0xC3500, s10  }
0xf1: {  	[tilespmem:s25], [sflag:$0x5] =	stream.linear.gather [hbm4b:s10+s5], $0x2710, $0x38;
	[tilespmem:$0x1D480] =	vst v63  }
0xf2: {  	s15 =	sadd.s32 $0x1, s15;
	s7 =	sadd.s32 s1, s7  }
0xf3: {  	[tilespmem:s26], [sflag:$0x6] =	stream.linear.gather [hbm4b:s7+s5], $0x2710, $0x38;
	[tilespmem:$0x1D480] =	vst v63  }
.LBB2_11:
0xf4: {  	_ =	sfence.sel $0x180000  }
0xf5: {  	[bflag:$0x0] =	sbarrier.arrive $0xFFFF  }
0xf6: {  	_ =	strace $0x9000004D  }
0xf7: {  	s0 =	stileid.u32;
	[bflag:$0x2] =	sbarrier.arrive $0xFFFF  }
0xf8: {  	p0 =	sne.s32 s0, $0x0;
	s0 =	rddreg [dreg:$0x4]  }
0xf9: {  	s0 =	sadd.s32 @!p0 $0x100000, s0  }
0xfa: {  	[sflag:s0] =	ssyncadd.tile.s32 @!p0 $0x1;
	_ =	shalt  }
.Lfunc_end2:
_tile_overlayer_lowered:
.L_overlay_start_2:
0xfb: {  	(tag) =	ssettag $0x2  }
0xfc: {  	s0 =	rddreg [dreg:$0x0];
	s2 =	stileid.u32  }
0xfd: {  	s1 =	rddreg [dreg:$0x1];
	p0 =	sne.s32 s2, $0x0  }
0xfe: {  	s3 =	rddreg [dreg:$0x2];
	[bflag:$0x3] =	sbarrier.arrive $0xFFFF;
	s2 =	simm.s32 @!p0 $0x1C09  }
0xff: {  	[timem:s3], [sflag:s2] =	dma.local @!p0 [hbm:s0], s1  }
0x100: {  	s0 =	simm.s32 @!p0 $0x9  }
0x101: {  	_ =	swait.ge @!p0 [sflag:s0], s1  }
0x102: {  	s1 =	ssub.s32 @!p0 $0x0, s1;
	[sflag:s0] =	ssyncset.done @!p0 $0x0  }
0x103: {  	[sflag:s0] =	ssyncadd.s32 @!p0 s1  }
0x104: {  	[bflag:$0x3] =	sbarrier.arrive $0xFFFF  }
0x105: {  	_ =	shalt  }

// kernel: kernel.15.cloned.1.call-start
scs
__scs_entry_jumppad:
0x0: {  	(pc) =	sbr.rel $0x88, $3  }
0x1: {  	(tag) =	ssettag $0x0;
	lr =	simm.s32 $0x1  }
0x2: {  	[smem:$0x3F97] =	sst lr;
	_ =	strace $0xD0000000  }
0x3: {  	_ = 	snop  }
0x4: {  	_ = 	snop  }
0x5: {  	_ = 	snop  }
0x6: {  	_ = 	snop  }
0x7: {  	_ = 	snop  }
__scs_overlays_trampoline_lowered:
0x8: {  	[smem:$0x3FA6] =	sst s0  }
0x9: {  	[smem:$0x3FA7] =	sst s1  }
0xa: {  	[smem:$0x3FA8] =	sst s2  }
0xb: {  	[smem:$0x3FA9] =	sst s3  }
0xc: {  	[smem:$0x3FAA] =	sst s4  }
0xd: {  	[smem:$0x3FAB] =	sst s5  }
0xe: {  	[smem:$0x3FAC] =	sst s6  }
0xf: {  	[smem:$0x3FAD] =	sst s7  }
0x10: {  	[smem:$0x3FAE] =	sst s8  }
0x11: {  	[smem:$0x3FAF] =	sst s9;
	s0 =	simm.s32 @!p0 $0x0  }
0x12: {  	s1 =	sld [smem:$0x3F95];
	s0 =	simm.s32 @p0 $0x1  }
0x13: {  	[smem:$0x3FB0] =	sst s0;
	s0 =	simm.s32 @!p1 $0x0  }
0x14: {  	s2 =	sld [smem:$0x3F94];
	s0 =	simm.s32 @p1 $0x1  }
0x15: {  	[smem:$0x3FB1] =	sst s0;
	s0 =	simm.s32 @!p2 $0x0  }
0x16: {  	s3 =	sld [smem:$0x3FDB];
	s0 =	simm.s32 @p2 $0x1  }
0x17: {  	s4 =	simm.s32 $0x1BF5;
	[smem:$0x3FB3] =	sst s0  }
0x18: {  	s0 =	sld [smem:$0x3F96];
	_ =	swait.ge [sflag:s4], $0x0  }
0x19: {  	s7 =	sld [smem:$0x3F97]  }
0x1a: {  	s8 =	sadd.s32 $0xFFFFE003, lr  }
0x1b: {  	s9 =	sadd.s32 $0xFFFFFEF7, lr;
	s5 =	simm.s32 $0xFFFFFFFF;
	p2 =	slt.u32 s8, $0xFFFFF086  }
0x1c: {  	p1 =	slt.u32 s9, $0xF7A;
	s5 =	simm.s32 @!p2 $0x0  }
0x1d: {  	s5 =	simm.s32 @p1 $0x1;
	p0 =	seq.s32 s7, s2  }
0x1e: {  	s7 =	smul.u32 @!p0 $0xF7A, s2;
	p2 =	seq.s32 @!p0 s5, $0x0  }
0x1f: {  	s9 =	smul.u32 $0xF7A, s1;
	s8 =	simm.s32 @!p0 $0x1BF5;
	p2 =	por !p2, p0  }
0x20: {  	[sflag:s8] =	ssyncset.s32 @!p0 $0xFFFFF086;
	s6 =	sadd.s32 @!p0 s3, s7;
	s7 =	simm.s32 @!p0 $0x108  }
0x21: {  	s3 =	sadd.s32 s3, s9;
	s6 =	sadd.s32 @!p0 $0x88, s6;
	s7 =	simm.s32 @p2 $0x1082  }
0x22: {  	[simem:s7], [sflag:s8] =	dma.local @!p0 [hbm:s6], $0xF7A  }
0x23: {  	s9 =	sor.u32 $0xD0000000, s2;
	s6 =	simm.s32 $0x108;
	_ =	swait.ge @!p0 [sflag:s8], $0x0  }
0x24: {  	s3 =	sadd.s32 $0x88, s3;
	s6 =	simm.s32 @!p1 $0x1082;
	[sflag:s4] =	ssyncset.s32 $0xFFFFF086  }
0x25: {  	[simem:s6], [sflag:s4] =	dma.local [hbm:s3], $0xF7A  }
0x26: {  	[smem:$0x3F97] =	sst s1;
	(tag) =	ssettag s2;
	_ =	strace s9  }
0x27: {  	s1 =	sld [smem:$0x3FA7]  }
0x28: {  	s2 =	sld [smem:$0x3FA8]  }
0x29: {  	s4 =	sld [smem:$0x3FAA]  }
0x2a: {  	p0 =	seq.s32 s5, $0x0;
	s5 =	sld [smem:$0x3FAB]  }
0x2b: {  	s6 =	sld [smem:$0x3FAC]  }
0x2c: {  	s7 =	sld [smem:$0x3FAD]  }
0x2d: {  	s3 =	simm.s32 $0x108;
	s8 =	sld [smem:$0x3FAE]  }
0x2e: {  	s3 =	simm.s32 @!p0 $0x1082;
	s9 =	sld [smem:$0x3FAF]  }
0x2f: {  	lr =	sadd.s32 s0, s3;
	s0 =	sld [smem:$0x3FA6]  }
0x30: {  	s3 =	sld [smem:$0x3FA9]  }
0x31: {  	[smem:$0x3FB2] =	sst s10  }
0x32: {  	s10 =	sld [smem:$0x3FB0];
	_ =	sdelay $0x3  }
0x33: {  	p0 =	seq.s32 s10, $0x1;
	s10 =	sld [smem:$0x3FB2];
	_ =	sdelay $0x3  }
0x34: {  	[smem:$0x3FB2] =	sst s10  }
0x35: {  	s10 =	sld [smem:$0x3FB1];
	_ =	sdelay $0x3  }
0x36: {  	p1 =	seq.s32 s10, $0x1;
	s10 =	sld [smem:$0x3FB2];
	_ =	sdelay $0x3  }
0x37: {  	[smem:$0x3FB2] =	sst s10  }
0x38: {  	s10 =	sld [smem:$0x3FB3]  }
0x39: {  	_ = 	snop;
	(pc) =	sbr.ind lr, $3  }
0x3a: {  	_ = 	snop  }
0x3b: {  	_ = 	snop  }
0x3c: {  	p2 =	seq.s32 s10, $0x1;
	s10 =	sld [smem:$0x3FB2]  }
0x3d: {  	_ =	shalt  }
0x3e: {  	_ =	shalt  }
0x3f: {  	_ =	shalt  }
0x40: {  	_ =	shalt  }
0x41: {  	_ =	shalt  }
0x42: {  	_ =	shalt  }
0x43: {  	_ =	shalt  }
0x44: {  	_ =	shalt  }
0x45: {  	_ =	shalt  }
0x46: {  	_ =	shalt  }
0x47: {  	_ =	shalt  }
0x48: {  	_ =	shalt  }
0x49: {  	_ =	shalt  }
0x4a: {  	_ =	shalt  }
0x4b: {  	_ =	shalt  }
0x4c: {  	_ =	shalt  }
0x4d: {  	_ =	shalt  }
0x4e: {  	_ =	shalt  }
0x4f: {  	_ =	shalt  }
0x50: {  	_ =	shalt  }
0x51: {  	_ =	shalt  }
0x52: {  	_ =	shalt  }
0x53: {  	_ =	shalt  }
0x54: {  	_ =	shalt  }
0x55: {  	_ =	shalt  }
0x56: {  	_ =	shalt  }
0x57: {  	_ =	shalt  }
0x58: {  	_ =	shalt  }
0x59: {  	_ =	shalt  }
0x5a: {  	_ =	shalt  }
0x5b: {  	_ =	shalt  }
0x5c: {  	_ =	shalt  }
0x5d: {  	_ =	shalt  }
0x5e: {  	_ =	shalt  }
0x5f: {  	_ =	shalt  }
0x60: {  	_ =	shalt  }
0x61: {  	_ =	shalt  }
0x62: {  	_ =	shalt  }
0x63: {  	_ =	shalt  }
0x64: {  	_ =	shalt  }
0x65: {  	_ =	shalt  }
0x66: {  	_ =	shalt  }
0x67: {  	_ =	shalt  }
0x68: {  	_ =	shalt  }
0x69: {  	_ =	shalt  }
0x6a: {  	_ =	shalt  }
0x6b: {  	_ =	shalt  }
0x6c: {  	_ =	shalt  }
0x6d: {  	_ =	shalt  }
0x6e: {  	_ =	shalt  }
0x6f: {  	_ =	shalt  }
0x70: {  	_ =	shalt  }
0x71: {  	_ =	shalt  }
0x72: {  	_ =	shalt  }
0x73: {  	_ =	shalt  }
0x74: {  	_ =	shalt  }
0x75: {  	_ =	shalt  }
0x76: {  	_ =	shalt  }
0x77: {  	_ =	shalt  }
0x78: {  	_ =	shalt  }
0x79: {  	_ =	shalt  }
0x7a: {  	_ =	shalt  }
0x7b: {  	_ =	shalt  }
0x7c: {  	_ =	shalt  }
0x7d: {  	_ =	shalt  }
0x7e: {  	_ =	shalt  }
0x7f: {  	_ =	shalt  }
0x80: {  	_ =	shalt  }
0x81: {  	_ =	shalt  }
0x82: {  	_ =	shalt  }
0x83: {  	_ =	shalt  }
0x84: {  	_ =	shalt  }
0x85: {  	_ =	shalt  }
0x86: {  	_ =	shalt  }
0x87: {  	_ =	shalt  }
.Lfunc_end0:
.L_simem_size_0:
called_computation.3_lowered:
.L_overlay_start_0:
0x88: {  	s2 =	sld [smem:$0x3FD9]  }
0x89: {  	s3 =	sld [smem:$0x3FFE];
	_ =	sdelay $0x1  }
0x8a: {  	s1 =	srdreg.scid  }
0x8b: {  	s0 =	sand.u32 $0x1, s1  }
0x8c: {  	s17 =	sshll.u32 s0, $0xA;
	s2 =	sadd.s32 s3, s2  }
0x8d: {  	s2 =	sadd.s32 s2, s17  }
0x8e: {  	[smem:$0x3FBE] =	sst s2  }
0x8f: {  	_ = 	snop  }
0x90: {  	s2 =	sld [smem:$0x3FC7];
	(tm) =	ssettm $0x1  }
0x91: {  	s18 =	sld [smem:$0x3FFB];
	_ =	sdelay $0x3  }
0x92: {  	_ =	strace s18  }
0x93: {  	s3 =	sld [smem:$0x3FFC];
	_ =	sdelay $0x3  }
0x94: {  	_ =	strace s3  }
0x95: {  	s3 =	sld [smem:$0x3FFD];
	_ =	sdelay $0x3  }
0x96: {  	_ =	strace s3  }
0x97: {  	_ =	strace $0x8FFFFFFF  }
0x98: {  	s19 =	sld [smem:$0x3FDB];
	_ =	sdelay $0x1  }
0x99: {  	s4 =	simm.s32 $_scs_section_size  }
0x9a: {  	s5 =	simm.s32 $_size__tile_overlayer_lowered;
	s6 =	simm.s32 $_tile_overlayer_lowered  }
0x9b: {  	s22 =	simm.s32 $0x1BFF;
	s21 =	sshll.u32 s6, $0x1;
	s3 =	sadd.s32 s4, s19  }
0x9c: {  	s7 =	simm.s32 $0x0;
	s20 =	sshll.u32 s5, $0x1;
	s5 =	sadd.s32 s21, s3  }
0x9d: {  	[timem:s7], [sflag:s22] =	dma.local [hbm:s5], s20  }
0x9e: {  	_ =	swait.ge [sflag:s22], s20  }
0x9f: {  	s4 =	ssub.s32 $0x0, s20;
	[sflag:s22] =	ssyncset.done $0x0  }
0xa0: {  	[sflag:s22] =	ssyncadd.s32 s4;
	_ =	sdelay $0x1  }
0xa1: {  	s23 =	simm.s32 $0x1B8B  }
0xa2: {  	_ =	swait.ge [sflag:s23], $0x1  }
0xa3: {  	[sflag:s23] =	ssyncset.done $0x0  }
0xa4: {  	s25 =	simm.s32 $0x1B8E;
	s24 =	sld [smem:$0x3FFE];
	[sflag:s23] =	ssyncadd.s32 $0xFFFFFFFF  }
0xa5: {  	s26 =	simm.s32 $execute0_lowered;
	[smem:$0x3FD2] =	sst s25  }
0xa6: {  	s5 =	sshll.u32 s26, $0x1;
	_ =	strace $0x8000004F;
	[dreg:$0x1] =	wrdreg $0xFFFFFFFF  }
0xa7: {  	s28 =	simm.s32 $_size_execute0_lowered;
	s3 =	sadd.s32 s3, s5;
	[dreg:$0x0] =	wrdreg $0x0  }
0xa8: {  	s5 =	sshll.u32 s28, $0x1;
	[dreg:$0x2] =	wrdreg s3  }
0xa9: {  	[dreg:$0x3] =	wrdreg s5  }
0xaa: {  	[dreg:$0x4] =	wrdreg $0xC0  }
0xab: {  	_ =	task [dreg:s7], $0x5FFFF  }
0xac: {  	[dreg:$0x1] =	wrdreg $0xFFFFFFFF  }
0xad: {  	[dreg:$0x0] =	wrdreg $0x60  }
0xae: {  	[dreg:$0x2] =	wrdreg s24  }
0xaf: {  	[dreg:$0x3] =	wrdreg s2  }
0xb0: {  	[dreg:$0x4] =	wrdreg $0x1BC000  }
0xb1: {  	[dreg:$0x5] =	wrdreg $0x1A3800  }
0xb2: {  	[dreg:$0x6] =	wrdreg $0x9  }
0xb3: {  	_ =	task.clear_ibuf [dreg:s7], $0x7FFFF;
	_ =	strace $0x9000004F  }
0xb4: {  	s29 =	simm.s32 $0x9;
	_ =	strace $0x80000051  }
0xb5: {  	_ =	swait.ge [sflag:s29], $0x1  }
0xb6: {  	[sflag:s29] =	ssyncadd.s32 $0xFFFFFFFF  }
0xb7: {  	_ =	strace $0x90000051  }
0xb8: {  	_ =	sfence  }
0xb9: {  	s30 =	sld [smem:$0x0];
	_ =	sdelay $0x2  }
0xba: {  	s31 =	sshll.u32 s1, $0xD;
	s1 =	sshrl.u32 s1, $0x2  }
0xbb: {  	s3 =	sand.u32 $0x4000, s31;
	s1 =	sadd.s32 s1, s30  }
0xbc: {  	s0 =	sor.u32 s3, s0;
	s1 =	sshll.u32 s1, $0x11  }
0xbd: {  	s0 =	sor.u32 s1, s0  }
0xbe: {  	s0 =	sadd.s32 $0x8F2B, s0  }
0xbf: {  	[sflag:s0] =	ssyncadd.remote.s32 $0x1  }
0xc0: {  	_ =	sfence.sel $0xFFFF  }
0xc1: {  	[dreg:$0x0] =	wrdreg $0xFFFFFFFF;
	(pc) =	sbr.abs _section_cstart, $3  }
0xc2: {  	[dreg:$0x1] =	wrdreg $0xFFFFFFFF  }
0xc3: {  	_ =	task.clear_ibuf [dreg:s7], $0x2FFFF;
	_ =	strace $0x9FFFFFFF  }
0xc4: {  	(tm) =	ssettm $0x7FFFFFFF  }
0xc5: {  	_ =	shalt  }
tec
execute0_lowered:
.L_overlay_start_1:
0x0: {  	(tag) =	ssettag $0x1  }
0x1: {  	s0 =	rddreg [dreg:$0x0]  }
0x2: {  	s2 =	rddreg [dreg:$0x1]  }
0x3: {  	s3 =	rddreg [dreg:$0x2]  }
0x4: {  	s4 =	rddreg [dreg:$0x3]  }
0x5: {  	s11 =	stileid.u32;
	s1 =	srdreg.scid  }
0x6: {  	s5 =	simm.s32 $0x0;
	s28 =	simm.s32 $0x7680;
	s29 =	simm.s32 $0xC580  }
0x7: {  	s30 =	simm.s32 $0x1;
	s31 =	simm.s32 $0x2;
	s12 =	simm.s32 $0x6  }
0x8: {  	s13 =	simm.s32 $0x11480;
	s14 =	simm.s32 $0x16380;
	s7 =	smul.u32 $0x1880, s11  }
0x9: {  	s1 =	sand.u32 $0x1, s1;
	[smem:$0x7FF] =	sst s5;
	s6 =	sadd.s32 $0x2C00, s0  }
0xa: {  	s8 =	smul.u32 $0x31000, s1;
	_ =	strace $0x80000050;
	s9 =	sshll.u32 s1, $0x4  }
0xb: {  	s1 =	ssub.s32 $0x2, s1;
	s10 =	sshrl.u32 s7, $0x3;
	s9 =	sor.u32 s11, s9  }
0xc: {  	s18 =	sshrl.u32 s1, $0x1;
	s15 =	sadd.s32 s7, s3;
	s11 =	simm.s32 $0x5  }
0xd: {  	s8 =	sadd.s32 s7, s8;
	s9 =	smul.u32 $0x30D40, s9;
	s10 =	sadd.s32 s10, s0  }
0xe: {  	s1 =	ssub.s32 s1, s18;
	s16 =	sadd.s32 $0x18800, s15;
	s7 =	sadd.s32 s7, s4  }
0xf: {  	[dreg:$0x5] =	wrdreg s15;
	s8 =	sshrl.u32 s8, $0x3;
	s10 =	sadd.s32 $0x189600, s10  }
0x10: {  	[dreg:$0x9] =	wrdreg s7;
	s26 =	smax.u32 s1, $0x1;
	s1 =	simm.s32 $0x2710  }
0x11: {  	[dreg:$0x6] =	wrdreg s16;
	s0 =	sadd.s32 s8, s0;
	s19 =	sshrl.u32 s9, $0x3  }
0x12: {  	[dreg:$0x7] =	wrdreg s10;
	s17 =	sadd.s32 $0x4E20, s9;
	s18 =	sadd.s32 $0x7530, s9  }
0x13: {  	[dreg:$0x11] =	wrdreg s26;
	s10 =	simm.s32 $0x18B00;
	s8 =	sadd.s32 s2, s19  }
0x14: {  	s26 =	simm.s32 $0x2780;
	s20 =	sadd.s32 s6, s19;
	[dreg:$0xb] =	wrdreg s8  }
0x15: {  	s9 =	simm.s32 $0x4;
	s25 =	sadd.s32 $0x18C800, s0;
	[dreg:$0x8] =	wrdreg s20  }
0x16: {  	s22 =	sadd.s32 $0x4E2, s19;
	s0 =	sadd.s32 $0x18F900, s0;
	[dreg:$0xf] =	wrdreg s25  }
.Ltmp0:
0x17: {  	s21 =	sadd.s32 $0xC3500, s20;
	[dreg:$0x10] =	wrdreg s0;
	(pc) =	sbr.rel .LBB2_1-.Ltmp0, $4  }
0x18: {  	s23 =	sadd.s32 s6, s22;
	s24 =	sadd.s32 $0xC39E2, s20;
	[dreg:$0xa] =	wrdreg s21  }
0x19: {  	s7 =	sadd.s32 s2, s22;
	s0 =	simm.s32 $0x3;
	[dreg:$0xc] =	wrdreg s23  }
0x1a: {  	s25 =	simm.s32 $0x13C00;
	s8 =	simm.s32 $0x0;
	[dreg:$0xd] =	wrdreg s24  }
0x1b: {  	v0 =	vimm.f32 $0.0e+00;
	v1 =	vimm.s32 $0x0;
	[dreg:$0xe] =	wrdreg s7;
	s23 =	simm.s32 $0x9;
	s24 =	simm.s32 $0xED00  }
.LBB2_12:
0x1c: {  	s7 =	simm.s32 $0x7  }
0x1d: {  	_ =	swait.ge [sflag:s7], $0x2710  }
0x1e: {  	[sflag:s7] =	ssyncset.done $0x0  }
0x1f: {  	s19 =	simm.s32 $0x8;
	[sflag:s7] =	ssyncadd.s32 $0xFFFFD8F0  }
0x20: {  	_ =	swait.ge [sflag:s19], $0x2710  }
0x21: {  	[sflag:s19] =	ssyncset.done $0x0  }
0x22: {  	[sflag:s19] =	ssyncadd.s32 $0xFFFFD8F0  }
0x23: {  	[bflag:$0x0] =	sbarrier.arrive $0xFFFF  }
0x24: {  	s10 =	simm.s32 $0x18B00;
	s15 =	rddreg [dreg:$0x5]  }
0x25: {  	[tilespmem:s10], [sflag:$0x9] =	stream.linear.gather [spmem:s15], $0x1880, $0x38;
	[tilespmem:$0x1ED00] =	vst v63  }
0x26: {  	_ =	swait.ge [sflag:s23], $0x1880  }
0x27: {  	[sflag:s23] =	ssyncset.done $0x0  }
0x28: {  	s20 =	rddreg [dreg:$0xf];
	[sflag:s23] =	ssyncadd.s32 $0xFFFFE780  }
0x29: {  	[hbm4b:s20+s5] =	stream.linear.scatter [tilespmem:s10], [sflag:$0x9], $0x1880, $0x38;
	[tilespmem:$0x1ED00] =	vst v63  }
0x2a: {  	_ =	swait.ge [sflag:s23], $0x1880  }
0x2b: {  	[sflag:s23] =	ssyncset.done $0x0  }
0x2c: {  	s16 =	rddreg [dreg:$0x6];
	[sflag:s23] =	ssyncadd.s32 $0xFFFFE780  }
0x2d: {  	[tilespmem:s10], [sflag:$0x9] =	stream.linear.gather [spmem:s16], $0x1880, $0x38;
	[tilespmem:$0x1ED00] =	vst v63  }
0x2e: {  	_ =	swait.ge [sflag:s23], $0x1880  }
0x2f: {  	[sflag:s23] =	ssyncset.done $0x0  }
0x30: {  	s21 =	rddreg [dreg:$0x10];
	[sflag:s23] =	ssyncadd.s32 $0xFFFFE780  }
0x31: {  	[hbm4b:s21+s5] =	stream.linear.scatter [tilespmem:s10], [sflag:$0x9], $0x1880, $0x38;
	[tilespmem:$0x1ED00] =	vst v63  }
0x32: {  	_ =	swait.ge [sflag:s23], $0x1880  }
0x33: {  	s8 =	rddreg [dreg:$0x12]  }
0x34: {  	s22 =	rddreg [dreg:$0x11];
	s8 =	sadd.s32 $0x1, s8  }
0x35: {  	p0 =	sne.s32 s8, s22  }
.Ltmp1:
0x36: {  	_ = 	snop;
	(pc) =	sbr.rel @!p0 .LBB2_13-.Ltmp1, $3  }
0x37: {  	_ =	sdelay $0x1  }
0x38: {  	[sflag:s23] =	ssyncset.done $0x0  }
0x39: {  	[sflag:s23] =	ssyncadd.s32 $0xFFFFE780  }
.LBB2_1:
0x3a: {  	[dreg:$0x12] =	wrdreg s8;
	s7 =	simm.s32 $0x18B40  }
0x3b: {  	[tilespmem:s7+$0xFFFFFFC0] =	vst v0  }
0x3c: {  	[tilespmem:s7+$0x30] =	vst v0  }
0x3d: {  	[tilespmem:s7+$0x20] =	vst v0  }
0x3e: {  	[tilespmem:s7+$0x10] =	vst v0  }
0x3f: {  	[tilespmem:s7+$0x0] =	vst v0  }
0x40: {  	[tilespmem:s7+$0xFFFFFFF0] =	vst v0  }
0x41: {  	s8 =	simm.s32 $0x0;
	[tilespmem:s7+$0xFFFFFFE0] =	vst v0  }
.LBB2_2:
0x42: {  	s8 =	sadd.s32 $0x80, s8;
	[tilespmem:s7+$0xFFFFFFD0] =	vst v0;
	s7 =	sadd.s32 $0x80, s7  }
0x43: {  	[tilespmem:s7+$0xFFFFFFC0] =	vst v0;
	p0 =	slt.u32 s8, $0x1800  }
0x44: {  	[tilespmem:s7+$0x30] =	vst v0  }
.Ltmp2:
0x45: {  	[tilespmem:s7+$0x20] =	vst v0;
	(pc) =	sbr.rel @p0 .LBB2_2-.Ltmp2, $4  }
0x46: {  	[tilespmem:s7+$0x10] =	vst v0  }
0x47: {  	[tilespmem:s7+$0x0] =	vst v0  }
0x48: {  	[tilespmem:s7+$0xFFFFFFF0] =	vst v0  }
0x49: {  	[tilespmem:s7+$0xFFFFFFE0] =	vst v0  }
0x4a: {  	[tilespmem:s7+$0xFFFFFFD0] =	vst v0  }
0x4b: {  	[spmem:s15] =	stream.linear.scatter [tilespmem:s10], [sflag:$0x9], $0x1880, $0x38;
	[tilespmem:$0x1ED00] =	vst v63  }
0x4c: {  	_ =	swait.ge [sflag:s23], $0x1880  }
0x4d: {  	[sflag:s23] =	ssyncset.done $0x0  }
0x4e: {  	s7 =	simm.s32 $0x18B40;
	[sflag:s23] =	ssyncadd.s32 $0xFFFFE780  }
0x4f: {  	[tilespmem:s7+$0xFFFFFFC0] =	vst v0  }
0x50: {  	[tilespmem:s7+$0x30] =	vst v0  }
0x51: {  	[tilespmem:s7+$0x20] =	vst v0  }
0x52: {  	[tilespmem:s7+$0x10] =	vst v0  }
0x53: {  	[tilespmem:s7+$0x0] =	vst v0  }
0x54: {  	[tilespmem:s7+$0xFFFFFFF0] =	vst v0  }
0x55: {  	s8 =	simm.s32 $0x0;
	[tilespmem:s7+$0xFFFFFFE0] =	vst v0  }
.LBB2_4:
0x56: {  	s8 =	sadd.s32 $0x80, s8;
	[tilespmem:s7+$0xFFFFFFD0] =	vst v0;
	s7 =	sadd.s32 $0x80, s7  }
0x57: {  	[tilespmem:s7+$0xFFFFFFC0] =	vst v0;
	p0 =	slt.u32 s8, $0x1800  }
0x58: {  	[tilespmem:s7+$0x30] =	vst v0  }
.Ltmp3:
0x59: {  	[tilespmem:s7+$0x20] =	vst v0;
	(pc) =	sbr.rel @p0 .LBB2_4-.Ltmp3, $4  }
0x5a: {  	[tilespmem:s7+$0x10] =	vst v0  }
0x5b: {  	[tilespmem:s7+$0x0] =	vst v0  }
0x5c: {  	[tilespmem:s7+$0xFFFFFFF0] =	vst v0  }
0x5d: {  	[tilespmem:s7+$0xFFFFFFE0] =	vst v0  }
0x5e: {  	[tilespmem:s7+$0xFFFFFFD0] =	vst v0  }
0x5f: {  	[spmem:s16] =	stream.linear.scatter [tilespmem:s10], [sflag:$0x9], $0x1880, $0x38;
	[tilespmem:$0x1ED00] =	vst v63  }
0x60: {  	_ =	swait.ge [sflag:s23], $0x1880  }
0x61: {  	[sflag:s23] =	ssyncset.done $0x0  }
0x62: {  	s20 =	simm.s32 $0x0;
	s21 =	rddreg [dreg:$0x7];
	[sflag:s23] =	ssyncadd.s32 $0xFFFFE780  }
0x63: {  	[tilespmem:s10], [sflag:$0x9] =	stream.linear.gather [hbm4b:s21+s20], $0x1880, $0x38;
	[tilespmem:$0x1ED00] =	vst v63  }
0x64: {  	_ =	swait.ge [sflag:s23], $0x1880  }
0x65: {  	[sflag:s23] =	ssyncset.done $0x0  }
0x66: {  	s22 =	rddreg [dreg:$0x9];
	[sflag:s23] =	ssyncadd.s32 $0xFFFFE780  }
0x67: {  	[spmem:s22] =	stream.linear.scatter [tilespmem:s10], [sflag:$0x9], $0x1880, $0x38;
	[tilespmem:$0x1ED00] =	vst v63  }
0x68: {  	_ =	swait.ge [sflag:s23], $0x1880  }
0x69: {  	[sflag:s23] =	ssyncset.done $0x0  }
0x6a: {  	[sflag:s23] =	ssyncadd.s32 $0xFFFFE780  }
0x6b: {  	[bflag:$0x0] =	sbarrier.arrive $0xFFFF  }
0x6c: {  	s8 =	rddreg [dreg:$0x8]  }
0x6d: {  	[tilespmem:s20], [sflag:$0x1] =	stream.linear.gather [hbm4b:s8+s20], $0x2710, $0x38;
	[tilespmem:$0x1ED00] =	vst v63  }
0x6e: {  	s10 =	rddreg [dreg:$0xa];
	s8 =	simm.s32 $0x4F00  }
0x6f: {  	[tilespmem:s8], [sflag:$0x2] =	stream.linear.gather [hbm4b:s10+s20], $0x2710, $0x38;
	[tilespmem:$0x1ED00] =	vst v63  }
0x70: {  	s16 =	simm.s32 $0x9E00;
	s15 =	rddreg [dreg:$0xb]  }
0x71: {  	[tilespmem:s16], [sflag:$0x3] =	stream.linear.gather [hbm4b:s15+s20], $0x2710, $0x38;
	[tilespmem:$0x1ED00] =	vst v63  }
0x72: {  	s19 =	rddreg [dreg:$0xc]  }
0x73: {  	[tilespmem:s26], [sflag:$0x4] =	stream.linear.gather [hbm4b:s19+s20], $0x2710, $0x38;
	[tilespmem:$0x1ED00] =	vst v63  }
0x74: {  	s21 =	rddreg [dreg:$0xd]  }
0x75: {  	[tilespmem:s28], [sflag:$0x5] =	stream.linear.gather [hbm4b:s21+s20], $0x2710, $0x38;
	[tilespmem:$0x1ED00] =	vst v63  }
0x76: {  	s22 =	rddreg [dreg:$0xe]  }
0x77: {  	[tilespmem:s29], [sflag:$0x6] =	stream.linear.gather [hbm4b:s22+s20], $0x2710, $0x38;
	[tilespmem:$0x1ED00] =	vst v63  }
.LBB2_6:
0x78: {  	_ =	swait.ge [sflag:s30], $0x2710  }
0x79: {  	[sflag:s30] =	ssyncset.done $0x0  }
0x7a: {  	[sflag:s30] =	ssyncadd.s32 $0xFFFFD8F0  }
0x7b: {  	_ =	swait.ge [sflag:s31], $0x2710  }
0x7c: {  	[sflag:s31] =	ssyncset.done $0x0  }
0x7d: {  	[sflag:s31] =	ssyncadd.s32 $0xFFFFD8F0  }
0x7e: {  	_ =	swait.ge [sflag:s0], $0x2710  }
0x7f: {  	p0 =	seq.s32 s20, $0x0;
	[sflag:s0] =	ssyncset.done $0x0  }
0x80: {  	s7 =	simm.s32 @!p0 $0x7;
	[sflag:s0] =	ssyncadd.s32 $0xFFFFD8F0  }
0x81: {  	_ =	swait.ge @!p0 [sflag:s7], $0x2710  }
0x82: {  	[sflag:s7] =	ssyncset.done @!p0 $0x0  }
0x83: {  	[sflag:s7] =	ssyncadd.s32 @!p0 $0xFFFFD8F0  }
0x84: {  	[tilespmem:s24], [sflag:$0x9] =	stream.indirect.gather [spmem:s4], $0x1, s5, s1, $0xb8;
	[tilespmem:$0x1ED00] =	vst v63  }
0x85: {  	_ =	swait.ge [sflag:s23], $0x2710  }
0x86: {  	[sflag:s23] =	ssyncset.done $0x0  }
0x87: {  	s22 =	simm.s32 $0xED20;
	[sflag:s23] =	ssyncadd.s32 $0xFFFFD8F0  }
0x88: {  	s10 =	simm.s32 $0x9E20;
	v5 =	vld [tilespmem:s22+$0x20]  }
0x89: {  	v2 =	vld [tilespmem:s10+$0x20]  }
0x8a: {  	v4 =	vld [tilespmem:s22+$0xFFFFFFE0]  }
0x8b: {  	v3 =	vld [tilespmem:s10+$0xFFFFFFE0]  }
0x8c: {  	v6 =	vld [tilespmem:s22+$0xFFFFFFF0]  }
0x8d: {  	v7 =	vld [tilespmem:s22+$0x0]  }
0x8e: {  	v9 =	vld [tilespmem:s22+$0x10]  }
0x8f: {  	v11 =	vld [tilespmem:s10+$0x0]  }
0x90: {  	s21 =	simm.s32 $0xED70;
	v12 =	vld [tilespmem:s10+$0x10]  }
0x91: {  	v14 =	vld [tilespmem:s21+$0x20]  }
0x92: {  	v18 =	vld [tilespmem:s21+$0x10];
	v8 =	vand.u32 $0x7FFFFFFF, v5  }
0x93: {  	v16 =	vand.u32 $0x7FFFFFFF, v6;
	vm0 =	vlt.f32 v6, $0.0e+00;
	v6 =	vld [tilespmem:s21+$0xFFFFFFF0];
	v2 =	vmul.f32 v2, v8  }
0x94: {  	v10 =	vand.u32 $0x7FFFFFFF, v4;
	v8 =	vld [tilespmem:s10+$0xFFFFFFF0];
	s10 =	simm.s32 $0x9E70  }
0x95: {  	v15 =	vld [tilespmem:s10+$0x20];
	[tilespmem:s22+$0x20] =	vst v2;
	v2 =	vmul.f32 v3, v10  }
0x96: {  	s8 =	simm.s32 $0x4F20;
	v17 =	vand.u32 $0x7FFFFFFF, v7;
	vm8 =	vlt.f32 v7, $0.0e+00;
	v7 =	vld [tilespmem:s21+$0x0]  }
0x97: {  	vm9 =	vlt.f32 v9, $0.0e+00;
	v10 =	vld [tilespmem:s8+$0x20];
	[tilespmem:s22+$0xFFFFFFE0] =	vst v2  }
0x98: {  	vm1 =	vlt.f32 v4, $0.0e+00;
	vm10 =	vlt.f32 v5, $0.0e+00;
	v9 =	vand.u32 $0x7FFFFFFF, v9;
	v13 =	vld [tilespmem:s8+$0xFFFFFFE0]  }
0x99: {  	v11 =	vmul.f32 v11, v17;
	v17 =	vand.u32 $0x7FFFFFFF, v14;
	v8 =	vmul.f32 v8, v16;
	v16 =	vld [tilespmem:s21+$0xFFFFFFE0]  }
0x9a: {  	vm13 =	vlt.f32 v18, $0.0e+00;
	vm14 =	vlt.f32 v14, $0.0e+00;
	v5 =	vmul.f32 v15, v17;
	v15 =	vld [tilespmem:s10+$0xFFFFFFE0]  }
0x9b: {  	v4 =	vsel vm9, $0x18800, v1;
	v19 =	vsel vm10, $0x18800, v1;
	v9 =	vmul.f32 v12, v9;
	[tilespmem:s22+$0xFFFFFFF0] =	vst v8;
	v8 =	vld [tilespmem:s10+$0xFFFFFFF0]  }
0x9c: {  	s16 =	simm.s32 $0x4F70;
	v3 =	vsel vm8, $0x18800, v1;
	v17 =	vsel vm1, $0x18800, v1;
	v10 =	vadd.s32 v19, v10;
	v19 =	vld [tilespmem:s10+$0x0];
	[tilespmem:s21+$0x20] =	vst v5  }
0x9d: {  	[tilespmem:s22+$0x10] =	vst v9;
	v9 =	vand.u32 $0x7FFFFFFF, v18;
	v2 =	vsel vm0, $0x18800, v1;
	v12 =	vadd.s32 v17, v13;
	v17 =	vld [tilespmem:s16+$0x20]  }
0x9e: {  	s15 =	simm.s32 $0x13C20;
	[tilespmem:s22+$0x0] =	vst v11;
	v11 =	vld [tilespmem:s10+$0x10];
	v20 =	vand.u32 $0x7FFFFFFF, v7;
	vm12 =	vlt.f32 v7, $0.0e+00;
	v7 =	vand.u32 $0x7FFFFFFF, v16  }
0x9f: {  	vm11 =	vlt.f32 v6, $0.0e+00;
	[tilespmem:s15+$0x20] =	vst v10;
	v10 =	vld [tilespmem:s8+$0xFFFFFFF0];
	v13 =	vand.u32 $0x7FFFFFFF, v6;
	v15 =	vmul.f32 v15, v7  }
0xa0: {  	v5 =	vsel vm11, $0x18800, v1;
	v6 =	vsel vm12, $0x18800, v1;
	[tilespmem:s15+$0xFFFFFFE0] =	vst v12;
	v12 =	vld [tilespmem:s8+$0x0];
	v18 =	vmul.f32 v8, v13  }
0xa1: {  	s19 =	simm.s32 $0xEDC0;
	vm15 =	vlt.f32 v16, $0.0e+00;
	v16 =	vsel vm14, $0x18800, v1;
	v7 =	vsel vm13, $0x18800, v1;
	v13 =	vld [tilespmem:s8+$0x10];
	[tilespmem:s21+$0xFFFFFFE0] =	vst v15  }
0xa2: {  	s7 =	simm.s32 $0x50;
	s22 =	simm.s32 $0x4F70;
	v8 =	vsel vm15, $0x18800, v1;
	s8 =	simm.s32 $0x13C70;
	v15 =	vmul.f32 v19, v20;
	v14 =	vld [tilespmem:s16+$0xFFFFFFE0];
	[tilespmem:s21+$0xFFFFFFF0] =	vst v18;
	v16 =	vadd.s32 v16, v17  }
.LBB2_7:
0xa3: {  	v17 =	vld [tilespmem:s19+$0x20];
	s7 =	sadd.s32 $0x50, s7;
	v9 =	vmul.f32 v11, v9;
	[tilespmem:s8+$0x20] =	vst v16;
	s10 =	sadd.s32 $0x50, s10  }
0xa4: {  	v11 =	vld [tilespmem:s10+$0x20];
	p1 =	slt.u32 s7, $0x26C0;
	[tilespmem:s21+$0x0] =	vst v15;
	v10 =	vadd.s32 v2, v10;
	v2 =	vmov v5  }
0xa5: {  	v5 =	vld [tilespmem:s19+$0xFFFFFFF0];
	[tilespmem:s21+$0x10] =	vst v9;
	v9 =	vadd.s32 v3, v12;
	v3 =	vmov v6;
	s21 =	smov.u32 s19  }
0xa6: {  	v6 =	vld [tilespmem:s19+$0x0];
	[tilespmem:s15+$0xFFFFFFF0] =	vst v10;
	v10 =	vadd.s32 v4, v13;
	v4 =	vmov v7  }
0xa7: {  	v7 =	vld [tilespmem:s19+$0x10];
	v8 =	vadd.s32 v8, v14;
	[tilespmem:s15+$0x0] =	vst v9  }
0xa8: {  	v12 =	vld [tilespmem:s19+$0xFFFFFFE0];
	v9 =	vand.u32 $0x7FFFFFFF, v17;
	[tilespmem:s8+$0xFFFFFFE0] =	vst v8  }
0xa9: {  	v8 =	vld [tilespmem:s10+$0xFFFFFFE0];
	v9 =	vmul.f32 v11, v9;
	[tilespmem:s15+$0x10] =	vst v10;
	s15 =	smov.u32 s8  }
0xaa: {  	v13 =	vand.u32 $0x7FFFFFFF, v5;
	v14 =	vld [tilespmem:s10+$0xFFFFFFF0];
	vm0 =	vlt.f32 v5, $0.0e+00  }
0xab: {  	s16 =	sadd.s32 $0x50, s16;
	v5 =	vsel vm0, $0x18800, v1;
	v15 =	vand.u32 $0x7FFFFFFF, v6;
	v16 =	vld [tilespmem:s10+$0x0];
	vm0 =	vlt.f32 v6, $0.0e+00;
	[tilespmem:s19+$0x20] =	vst v9  }
0xac: {  	v6 =	vsel vm0, $0x18800, v1;
	v9 =	vand.u32 $0x7FFFFFFF, v7;
	vm0 =	vlt.f32 v7, $0.0e+00;
	v18 =	vld [tilespmem:s16+$0x20]  }
.Ltmp4:
0xad: {  	v10 =	vand.u32 $0x7FFFFFFF, v12;
	vm1 =	vlt.f32 v12, $0.0e+00;
	v11 =	vld [tilespmem:s10+$0x10];
	v7 =	vsel vm0, $0x18800, v1;
	(pc) =	sbr.rel @p1 .LBB2_7-.Ltmp4, $4  }
0xae: {  	v19 =	vmul.f32 v8, v10;
	v8 =	vsel vm1, $0x18800, v1;
	v10 =	vld [tilespmem:s22+$0xFFFFFFF0]  }
0xaf: {  	vm0 =	vlt.f32 v17, $0.0e+00;
	v20 =	vmul.f32 v14, v13;
	v12 =	vld [tilespmem:s22+$0x0]  }
0xb0: {  	[tilespmem:s19+$0xFFFFFFE0] =	vst v19;
	v15 =	vmul.f32 v16, v15;
	v16 =	vsel vm0, $0x18800, v1;
	v13 =	vld [tilespmem:s22+$0x10];
	s22 =	smov.u32 s16  }
0xb1: {  	s8 =	sadd.s32 $0x50, s8;
	s19 =	sadd.s32 $0x50, s19;
	v14 =	vld [tilespmem:s16+$0xFFFFFFE0];
	[tilespmem:s21+$0xFFFFFFF0] =	vst v20;
	v16 =	vadd.s32 v16, v18  }
0xb2: {  	v9 =	vmul.f32 v11, v9;
	[tilespmem:s8+$0x20] =	vst v16  }
0xb3: {  	[tilespmem:s21+$0x0] =	vst v15;
	v11 =	vld [tilespmem:s22+$0xFFFFFFF0]  }
0xb4: {  	v2 =	vadd.s32 v2, v10;
	[tilespmem:s21+$0x10] =	vst v9;
	v9 =	vld [tilespmem:s22+$0x0]  }
0xb5: {  	v3 =	vadd.s32 v3, v12;
	[tilespmem:s15+$0xFFFFFFF0] =	vst v2;
	v2 =	vld [tilespmem:s22+$0x10]  }
0xb6: {  	[tilespmem:s15+$0x0] =	vst v3;
	v3 =	vadd.s32 v4, v13  }
0xb7: {  	p1 =	seq.s32 s20, $0x9;
	v8 =	vadd.s32 v8, v14;
	[tilespmem:s15+$0x10] =	vst v3  }
0xb8: {  	s7 =	smul.u32 @!p1 $0x4E20, s20;
	[tilespmem:s8+$0xFFFFFFE0] =	vst v8;
	v3 =	vadd.s32 v5, v11  }
0xb9: {  	[tilespmem:s8+$0xFFFFFFF0] =	vst v3;
	v4 =	vadd.s32 v6, v9  }
0xba: {  	s7 =	sadd.s32 @!p1 s7, s17;
	v2 =	vadd.s32 v7, v2;
	[tilespmem:s8+$0x0] =	vst v4  }
0xbb: {  	s7 =	sshrl.u32 @!p1 s7, $0x3;
	[tilespmem:s8+$0x10] =	vst v2  }
0xbc: {  	[spmem:s3] =	stream.indirect.scatter.add.f32 [tilespmem:s24], [sflag:$0x7], $0x1, s25, s1, $0xb8;
	[tilespmem:$0x1ED00] =	vst v63  }
0xbd: {  	s10 =	simm.s32 @!p1 $0x0;
	s8 =	sadd.s32 @!p1 s6, s7  }
0xbe: {  	[tilespmem:s10], [sflag:$0x1] =	stream.linear.gather @!p1 [hbm4b:s8+s10], $0x2710, $0x38;
	[tilespmem:$0x1ED00] =	vst v63  }
0xbf: {  	s15 =	simm.s32 @!p1 $0x4F00;
	s8 =	sadd.s32 @!p1 $0xC3500, s8  }
0xc0: {  	[tilespmem:s15], [sflag:$0x2] =	stream.linear.gather @!p1 [hbm4b:s8+s10], $0x2710, $0x38;
	[tilespmem:$0x1ED00] =	vst v63  }
0xc1: {  	s7 =	sadd.s32 @!p1 s2, s7;
	s8 =	simm.s32 @!p1 $0x9E00  }
0xc2: {  	[tilespmem:s8], [sflag:$0x3] =	stream.linear.gather @!p1 [hbm4b:s7+s10], $0x2710, $0x38;
	[tilespmem:$0x1ED00] =	vst v63  }
0xc3: {  	_ =	swait.ge [sflag:s9], $0x2710  }
0xc4: {  	[sflag:s9] =	ssyncset.done $0x0  }
0xc5: {  	[sflag:s9] =	ssyncadd.s32 $0xFFFFD8F0  }
0xc6: {  	_ =	swait.ge [sflag:s11], $0x2710  }
0xc7: {  	[sflag:s11] =	ssyncset.done $0x0  }
0xc8: {  	[sflag:s11] =	ssyncadd.s32 $0xFFFFD8F0  }
0xc9: {  	_ =	swait.ge [sflag:s12], $0x2710  }
0xca: {  	[sflag:s12] =	ssyncset.done $0x0  }
0xcb: {  	s7 =	simm.s32 @!p0 $0x8;
	[sflag:s12] =	ssyncadd.s32 $0xFFFFD8F0  }
0xcc: {  	_ =	swait.ge @!p0 [sflag:s7], $0x2710  }
0xcd: {  	[sflag:s7] =	ssyncset.done @!p0 $0x0  }
0xce: {  	[sflag:s7] =	ssyncadd.s32 @!p0 $0xFFFFD8F0  }
0xcf: {  	[tilespmem:s13], [sflag:$0x9] =	stream.indirect.gather [spmem:s4], $0x1, s26, s1, $0xb8;
	[tilespmem:$0x1ED00] =	vst v63  }
0xd0: {  	_ =	swait.ge [sflag:s23], $0x2710  }
0xd1: {  	[sflag:s23] =	ssyncset.done $0x0  }
0xd2: {  	s19 =	simm.s32 $0x114A0;
	[sflag:s23] =	ssyncadd.s32 $0xFFFFD8F0  }
0xd3: {  	s21 =	simm.s32 $0xC5A0;
	v5 =	vld [tilespmem:s19+$0x20]  }
0xd4: {  	v2 =	vld [tilespmem:s21+$0x20]  }
0xd5: {  	v4 =	vld [tilespmem:s19+$0xFFFFFFE0]  }
0xd6: {  	v3 =	vld [tilespmem:s21+$0xFFFFFFE0]  }
0xd7: {  	v6 =	vld [tilespmem:s19+$0xFFFFFFF0]  }
0xd8: {  	v7 =	vld [tilespmem:s19+$0x0]  }
0xd9: {  	v9 =	vld [tilespmem:s19+$0x10]  }
0xda: {  	v11 =	vld [tilespmem:s21+$0x0]  }
0xdb: {  	s10 =	simm.s32 $0xC5F0;
	v12 =	vld [tilespmem:s21+$0x10]  }
0xdc: {  	v15 =	vld [tilespmem:s10+$0x20];
	v8 =	vand.u32 $0x7FFFFFFF, v5  }
0xdd: {  	v2 =	vmul.f32 v2, v8;
	v8 =	vld [tilespmem:s21+$0xFFFFFFF0];
	s21 =	simm.s32 $0x114F0  }
0xde: {  	v14 =	vld [tilespmem:s21+$0x20]  }
0xdf: {  	v10 =	vand.u32 $0x7FFFFFFF, v4;
	v16 =	vand.u32 $0x7FFFFFFF, v6;
	vm0 =	vlt.f32 v6, $0.0e+00;
	v6 =	vld [tilespmem:s21+$0xFFFFFFF0]  }
0xe0: {  	v17 =	vand.u32 $0x7FFFFFFF, v7;
	vm8 =	vlt.f32 v7, $0.0e+00;
	v7 =	vld [tilespmem:s21+$0x0];
	[tilespmem:s19+$0x20] =	vst v2;
	v2 =	vmul.f32 v3, v10  }
0xe1: {  	s22 =	simm.s32 $0x76A0;
	v18 =	vld [tilespmem:s21+$0x10]  }
0xe2: {  	vm9 =	vlt.f32 v9, $0.0e+00;
	v10 =	vld [tilespmem:s22+$0x20];
	[tilespmem:s19+$0xFFFFFFE0] =	vst v2  }
0xe3: {  	vm1 =	vlt.f32 v4, $0.0e+00;
	vm10 =	vlt.f32 v5, $0.0e+00;
	v9 =	vand.u32 $0x7FFFFFFF, v9;
	v13 =	vld [tilespmem:s22+$0xFFFFFFE0]  }
0xe4: {  	v11 =	vmul.f32 v11, v17;
	v8 =	vmul.f32 v8, v16;
	v16 =	vld [tilespmem:s21+$0xFFFFFFE0];
	v17 =	vand.u32 $0x7FFFFFFF, v14  }
0xe5: {  	v4 =	vsel vm9, $0x18800, v1;
	v19 =	vsel vm10, $0x18800, v1;
	v5 =	vmul.f32 v15, v17;
	v15 =	vld [tilespmem:s10+$0xFFFFFFE0]  }
0xe6: {  	v9 =	vmul.f32 v12, v9;
	v3 =	vsel vm8, $0x18800, v1;
	v2 =	vsel vm0, $0x18800, v1;
	[tilespmem:s19+$0xFFFFFFF0] =	vst v8;
	v8 =	vld [tilespmem:s10+$0xFFFFFFF0]  }
0xe7: {  	s16 =	simm.s32 $0x76F0;
	vm11 =	vlt.f32 v6, $0.0e+00;
	v17 =	vsel vm1, $0x18800, v1;
	v10 =	vadd.s32 v19, v10;
	v19 =	vld [tilespmem:s10+$0x0];
	[tilespmem:s21+$0x20] =	vst v5  }
0xe8: {  	[tilespmem:s19+$0x0] =	vst v11;
	v20 =	vand.u32 $0x7FFFFFFF, v7;
	vm12 =	vlt.f32 v7, $0.0e+00;
	v12 =	vadd.s32 v17, v13;
	v17 =	vld [tilespmem:s16+$0x20]  }
0xe9: {  	s15 =	simm.s32 $0x163A0;
	v11 =	vld [tilespmem:s10+$0x10];
	[tilespmem:s19+$0x10] =	vst v9;
	v9 =	vand.u32 $0x7FFFFFFF, v18;
	vm13 =	vlt.f32 v18, $0.0e+00;
	v7 =	vand.u32 $0x7FFFFFFF, v16  }
0xea: {  	vm14 =	vlt.f32 v14, $0.0e+00;
	[tilespmem:s15+$0x20] =	vst v10;
	v10 =	vld [tilespmem:s22+$0xFFFFFFF0];
	v13 =	vand.u32 $0x7FFFFFFF, v6;
	v15 =	vmul.f32 v15, v7  }
0xeb: {  	v5 =	vsel vm11, $0x18800, v1;
	v6 =	vsel vm12, $0x18800, v1;
	[tilespmem:s15+$0xFFFFFFE0] =	vst v12;
	v12 =	vld [tilespmem:s22+$0x0];
	v18 =	vmul.f32 v8, v13  }
0xec: {  	s8 =	simm.s32 $0x163F0;
	vm15 =	vlt.f32 v16, $0.0e+00;
	v16 =	vsel vm14, $0x18800, v1;
	v7 =	vsel vm13, $0x18800, v1;
	v13 =	vld [tilespmem:s22+$0x10];
	[tilespmem:s21+$0xFFFFFFE0] =	vst v15  }
0xed: {  	s7 =	simm.s32 $0x50;
	s19 =	simm.s32 $0x11540;
	v8 =	vsel vm15, $0x18800, v1;
	s22 =	simm.s32 $0x76F0;
	v15 =	vmul.f32 v19, v20;
	[tilespmem:s21+$0xFFFFFFF0] =	vst v18;
	v14 =	vld [tilespmem:s16+$0xFFFFFFE0];
	v16 =	vadd.s32 v16, v17  }
.LBB2_9:
0xee: {  	v17 =	vld [tilespmem:s19+$0x20];
	s7 =	sadd.s32 $0x50, s7;
	v9 =	vmul.f32 v11, v9;
	[tilespmem:s8+$0x20] =	vst v16;
	s10 =	sadd.s32 $0x50, s10  }
0xef: {  	v11 =	vld [tilespmem:s10+$0x20];
	p0 =	slt.u32 s7, $0x26C0;
	[tilespmem:s21+$0x0] =	vst v15;
	v10 =	vadd.s32 v2, v10;
	v2 =	vmov v5  }
0xf0: {  	v5 =	vld [tilespmem:s19+$0xFFFFFFF0];
	[tilespmem:s21+$0x10] =	vst v9;
	v9 =	vadd.s32 v3, v12;
	v3 =	vmov v6;
	s21 =	smov.u32 s19  }
0xf1: {  	v6 =	vld [tilespmem:s19+$0x0];
	[tilespmem:s15+$0xFFFFFFF0] =	vst v10;
	v10 =	vadd.s32 v4, v13;
	v4 =	vmov v7  }
0xf2: {  	v7 =	vld [tilespmem:s19+$0x10];
	v8 =	vadd.s32 v8, v14;
	[tilespmem:s15+$0x0] =	vst v9  }
0xf3: {  	v12 =	vld [tilespmem:s19+$0xFFFFFFE0];
	v9 =	vand.u32 $0x7FFFFFFF, v17;
	[tilespmem:s8+$0xFFFFFFE0] =	vst v8  }
0xf4: {  	v8 =	vld [tilespmem:s10+$0xFFFFFFE0];
	v9 =	vmul.f32 v11, v9;
	[tilespmem:s15+$0x10] =	vst v10;
	s15 =	smov.u32 s8  }
0xf5: {  	v13 =	vand.u32 $0x7FFFFFFF, v5;
	v14 =	vld [tilespmem:s10+$0xFFFFFFF0];
	vm0 =	vlt.f32 v5, $0.0e+00  }
0xf6: {  	s16 =	sadd.s32 $0x50, s16;
	v5 =	vsel vm0, $0x18800, v1;
	v15 =	vand.u32 $0x7FFFFFFF, v6;
	v16 =	vld [tilespmem:s10+$0x0];
	vm0 =	vlt.f32 v6, $0.0e+00;
	[tilespmem:s19+$0x20] =	vst v9  }
0xf7: {  	v6 =	vsel vm0, $0x18800, v1;
	v9 =	vand.u32 $0x7FFFFFFF, v7;
	vm0 =	vlt.f32 v7, $0.0e+00;
	v18 =	vld [tilespmem:s16+$0x20]  }
.Ltmp5:
0xf8: {  	v10 =	vand.u32 $0x7FFFFFFF, v12;
	vm1 =	vlt.f32 v12, $0.0e+00;
	v11 =	vld [tilespmem:s10+$0x10];
	v7 =	vsel vm0, $0x18800, v1;
	(pc) =	sbr.rel @p0 .LBB2_9-.Ltmp5, $4  }
0xf9: {  	v19 =	vmul.f32 v8, v10;
	v8 =	vsel vm1, $0x18800, v1;
	v10 =	vld [tilespmem:s22+$0xFFFFFFF0]  }
0xfa: {  	vm0 =	vlt.f32 v17, $0.0e+00;
	v20 =	vmul.f32 v14, v13;
	v12 =	vld [tilespmem:s22+$0x0]  }
0xfb: {  	[tilespmem:s19+$0xFFFFFFE0] =	vst v19;
	v15 =	vmul.f32 v16, v15;
	v16 =	vsel vm0, $0x18800, v1;
	v13 =	vld [tilespmem:s22+$0x10];
	s22 =	smov.u32 s16  }
0xfc: {  	s8 =	sadd.s32 $0x50, s8;
	s19 =	sadd.s32 $0x50, s19;
	v14 =	vld [tilespmem:s16+$0xFFFFFFE0];
	[tilespmem:s21+$0xFFFFFFF0] =	vst v20;
	v16 =	vadd.s32 v16, v18  }
0xfd: {  	v9 =	vmul.f32 v11, v9;
	[tilespmem:s8+$0x20] =	vst v16  }
0xfe: {  	[tilespmem:s21+$0x0] =	vst v15;
	v61 =	vld [tilespmem:s22+$0xFFFFFFF0]  }
0xff: {  	v2 =	vadd.s32 v2, v10;
	v62 =	vld [tilespmem:s22+$0x0];
	[tilespmem:s21+$0x10] =	vst v9  }
0x100: {  	v3 =	vadd.s32 v3, v12;
	[tilespmem:s15+$0xFFFFFFF0] =	vst v2;
	v2 =	vld [tilespmem:s22+$0x10]  }
0x101: {  	[tilespmem:s15+$0x0] =	vst v3;
	v3 =	vadd.s32 v4, v13  }
0x102: {  	v8 =	vadd.s32 v8, v14;
	[tilespmem:s15+$0x10] =	vst v3  }
.Ltmp6:
0x103: {  	[tilespmem:s8+$0xFFFFFFE0] =	vst v8;
	v3 =	vadd.s32 v5, v61;
	(pc) =	sbr.rel @p1 .LBB2_12-.Ltmp6, $4  }
0x104: {  	v63 =	vadd.s32 v6, v62;
	[tilespmem:s8+$0xFFFFFFF0] =	vst v3  }
0x105: {  	[tilespmem:s8+$0x0] =	vst v63;
	v2 =	vadd.s32 v7, v2  }
0x106: {  	[tilespmem:s8+$0x10] =	vst v2  }
0x107: {  	[spmem:s3] =	stream.indirect.scatter.add.f32 [tilespmem:s13], [sflag:$0x8], $0x1, s14, s1, $0xb8;
	[tilespmem:$0x1ED00] =	vst v63  }
0x108: {  	s7 =	smul.u32 $0x4E20, s20;
	_ =	sdelay $0x1  }
0x109: {  	s7 =	sadd.s32 s7, s18  }
0x10a: {  	s7 =	sshrl.u32 s7, $0x3  }
0x10b: {  	s8 =	sadd.s32 s6, s7  }
0x10c: {  	[tilespmem:s26], [sflag:$0x4] =	stream.linear.gather [hbm4b:s8+s5], $0x2710, $0x38;
	[tilespmem:$0x1ED00] =	vst v63  }
.Ltmp7:
0x10d: {  	_ = 	snop;
	(pc) =	sbr.rel .LBB2_6-.Ltmp7, $4  }
0x10e: {  	s8 =	sadd.s32 $0xC3500, s8  }
0x10f: {  	[tilespmem:s28], [sflag:$0x5] =	stream.linear.gather [hbm4b:s8+s5], $0x2710, $0x38;
	[tilespmem:$0x1ED00] =	vst v63  }
0x110: {  	s20 =	sadd.s32 $0x1, s20;
	s7 =	sadd.s32 s2, s7  }
0x111: {  	[tilespmem:s29], [sflag:$0x6] =	stream.linear.gather [hbm4b:s7+s5], $0x2710, $0x38;
	[tilespmem:$0x1ED00] =	vst v63  }
.LBB2_13:
0x112: {  	_ =	sfence.sel $0x180000  }
0x113: {  	[bflag:$0x0] =	sbarrier.arrive $0xFFFF  }
0x114: {  	_ =	strace $0x90000050  }
0x115: {  	s0 =	stileid.u32;
	[bflag:$0x2] =	sbarrier.arrive $0xFFFF  }
0x116: {  	p0 =	sne.s32 s0, $0x0;
	s0 =	rddreg [dreg:$0x4]  }
0x117: {  	s0 =	sadd.s32 @!p0 $0x100000, s0  }
0x118: {  	[sflag:s0] =	ssyncadd.tile.s32 @!p0 $0x1;
	_ =	shalt  }
.Lfunc_end2:
_tile_overlayer_lowered:
.L_overlay_start_2:
0x119: {  	(tag) =	ssettag $0x2  }
0x11a: {  	s0 =	rddreg [dreg:$0x0];
	s2 =	stileid.u32  }
0x11b: {  	s1 =	rddreg [dreg:$0x1];
	p0 =	sne.s32 s2, $0x0  }
0x11c: {  	s3 =	rddreg [dreg:$0x2];
	[bflag:$0x3] =	sbarrier.arrive $0xFFFF;
	s2 =	simm.s32 @!p0 $0x1C09  }
0x11d: {  	[timem:s3], [sflag:s2] =	dma.local @!p0 [hbm:s0], s1  }
0x11e: {  	s0 =	simm.s32 @!p0 $0x9  }
0x11f: {  	_ =	swait.ge @!p0 [sflag:s0], s1  }
0x120: {  	s1 =	ssub.s32 @!p0 $0x0, s1;
	[sflag:s0] =	ssyncset.done @!p0 $0x0  }
0x121: {  	[sflag:s0] =	ssyncadd.s32 @!p0 s1  }
0x122: {  	[bflag:$0x3] =	sbarrier.arrive $0xFFFF  }
0x123: {  	_ =	shalt  }

// kernel: kernel.9.cloned.1.call-start
scs
__scs_entry_jumppad:
0x0: {  	(pc) =	sbr.rel $0x88, $3  }
0x1: {  	(tag) =	ssettag $0x0;
	lr =	simm.s32 $0x1  }
0x2: {  	[smem:$0x3F97] =	sst lr;
	_ =	strace $0xD0000000  }
0x3: {  	_ = 	snop  }
0x4: {  	_ = 	snop  }
0x5: {  	_ = 	snop  }
0x6: {  	_ = 	snop  }
0x7: {  	_ = 	snop  }
__scs_overlays_trampoline_lowered:
0x8: {  	[smem:$0x3FA6] =	sst s0  }
0x9: {  	[smem:$0x3FA7] =	sst s1  }
0xa: {  	[smem:$0x3FA8] =	sst s2  }
0xb: {  	[smem:$0x3FA9] =	sst s3  }
0xc: {  	[smem:$0x3FAA] =	sst s4  }
0xd: {  	[smem:$0x3FAB] =	sst s5  }
0xe: {  	[smem:$0x3FAC] =	sst s6  }
0xf: {  	[smem:$0x3FAD] =	sst s7  }
0x10: {  	[smem:$0x3FAE] =	sst s8  }
0x11: {  	[smem:$0x3FAF] =	sst s9;
	s0 =	simm.s32 @!p0 $0x0  }
0x12: {  	s1 =	sld [smem:$0x3F95];
	s0 =	simm.s32 @p0 $0x1  }
0x13: {  	[smem:$0x3FB0] =	sst s0;
	s0 =	simm.s32 @!p1 $0x0  }
0x14: {  	s2 =	sld [smem:$0x3F94];
	s0 =	simm.s32 @p1 $0x1  }
0x15: {  	[smem:$0x3FB1] =	sst s0;
	s0 =	simm.s32 @!p2 $0x0  }
0x16: {  	s3 =	sld [smem:$0x3FDB];
	s0 =	simm.s32 @p2 $0x1  }
0x17: {  	s4 =	simm.s32 $0x1BF5;
	[smem:$0x3FB3] =	sst s0  }
0x18: {  	s0 =	sld [smem:$0x3F96];
	_ =	swait.ge [sflag:s4], $0x0  }
0x19: {  	s7 =	sld [smem:$0x3F97]  }
0x1a: {  	s8 =	sadd.s32 $0xFFFFE003, lr  }
0x1b: {  	s9 =	sadd.s32 $0xFFFFFEF7, lr;
	s5 =	simm.s32 $0xFFFFFFFF;
	p2 =	slt.u32 s8, $0xFFFFF086  }
0x1c: {  	p1 =	slt.u32 s9, $0xF7A;
	s5 =	simm.s32 @!p2 $0x0  }
0x1d: {  	s5 =	simm.s32 @p1 $0x1;
	p0 =	seq.s32 s7, s2  }
0x1e: {  	s7 =	smul.u32 @!p0 $0xF7A, s2;
	p2 =	seq.s32 @!p0 s5, $0x0  }
0x1f: {  	s9 =	smul.u32 $0xF7A, s1;
	s8 =	simm.s32 @!p0 $0x1BF5;
	p2 =	por !p2, p0  }
0x20: {  	[sflag:s8] =	ssyncset.s32 @!p0 $0xFFFFF086;
	s6 =	sadd.s32 @!p0 s3, s7;
	s7 =	simm.s32 @!p0 $0x108  }
0x21: {  	s3 =	sadd.s32 s3, s9;
	s6 =	sadd.s32 @!p0 $0x88, s6;
	s7 =	simm.s32 @p2 $0x1082  }
0x22: {  	[simem:s7], [sflag:s8] =	dma.local @!p0 [hbm:s6], $0xF7A  }
0x23: {  	s9 =	sor.u32 $0xD0000000, s2;
	s6 =	simm.s32 $0x108;
	_ =	swait.ge @!p0 [sflag:s8], $0x0  }
0x24: {  	s3 =	sadd.s32 $0x88, s3;
	s6 =	simm.s32 @!p1 $0x1082;
	[sflag:s4] =	ssyncset.s32 $0xFFFFF086  }
0x25: {  	[simem:s6], [sflag:s4] =	dma.local [hbm:s3], $0xF7A  }
0x26: {  	[smem:$0x3F97] =	sst s1;
	(tag) =	ssettag s2;
	_ =	strace s9  }
0x27: {  	s1 =	sld [smem:$0x3FA7]  }
0x28: {  	s2 =	sld [smem:$0x3FA8]  }
0x29: {  	s4 =	sld [smem:$0x3FAA]  }
0x2a: {  	p0 =	seq.s32 s5, $0x0;
	s5 =	sld [smem:$0x3FAB]  }
0x2b: {  	s6 =	sld [smem:$0x3FAC]  }
0x2c: {  	s7 =	sld [smem:$0x3FAD]  }
0x2d: {  	s3 =	simm.s32 $0x108;
	s8 =	sld [smem:$0x3FAE]  }
0x2e: {  	s3 =	simm.s32 @!p0 $0x1082;
	s9 =	sld [smem:$0x3FAF]  }
0x2f: {  	lr =	sadd.s32 s0, s3;
	s0 =	sld [smem:$0x3FA6]  }
0x30: {  	s3 =	sld [smem:$0x3FA9]  }
0x31: {  	[smem:$0x3FB2] =	sst s10  }
0x32: {  	s10 =	sld [smem:$0x3FB0];
	_ =	sdelay $0x3  }
0x33: {  	p0 =	seq.s32 s10, $0x1;
	s10 =	sld [smem:$0x3FB2];
	_ =	sdelay $0x3  }
0x34: {  	[smem:$0x3FB2] =	sst s10  }
0x35: {  	s10 =	sld [smem:$0x3FB1];
	_ =	sdelay $0x3  }
0x36: {  	p1 =	seq.s32 s10, $0x1;
	s10 =	sld [smem:$0x3FB2];
	_ =	sdelay $0x3  }
0x37: {  	[smem:$0x3FB2] =	sst s10  }
0x38: {  	s10 =	sld [smem:$0x3FB3]  }
0x39: {  	_ = 	snop;
	(pc) =	sbr.ind lr, $3  }
0x3a: {  	_ = 	snop  }
0x3b: {  	_ = 	snop  }
0x3c: {  	p2 =	seq.s32 s10, $0x1;
	s10 =	sld [smem:$0x3FB2]  }
0x3d: {  	_ =	shalt  }
0x3e: {  	_ =	shalt  }
0x3f: {  	_ =	shalt  }
0x40: {  	_ =	shalt  }
0x41: {  	_ =	shalt  }
0x42: {  	_ =	shalt  }
0x43: {  	_ =	shalt  }
0x44: {  	_ =	shalt  }
0x45: {  	_ =	shalt  }
0x46: {  	_ =	shalt  }
0x47: {  	_ =	shalt  }
0x48: {  	_ =	shalt  }
0x49: {  	_ =	shalt  }
0x4a: {  	_ =	shalt  }
0x4b: {  	_ =	shalt  }
0x4c: {  	_ =	shalt  }
0x4d: {  	_ =	shalt  }
0x4e: {  	_ =	shalt  }
0x4f: {  	_ =	shalt  }
0x50: {  	_ =	shalt  }
0x51: {  	_ =	shalt  }
0x52: {  	_ =	shalt  }
0x53: {  	_ =	shalt  }
0x54: {  	_ =	shalt  }
0x55: {  	_ =	shalt  }
0x56: {  	_ =	shalt  }
0x57: {  	_ =	shalt  }
0x58: {  	_ =	shalt  }
0x59: {  	_ =	shalt  }
0x5a: {  	_ =	shalt  }
0x5b: {  	_ =	shalt  }
0x5c: {  	_ =	shalt  }
0x5d: {  	_ =	shalt  }
0x5e: {  	_ =	shalt  }
0x5f: {  	_ =	shalt  }
0x60: {  	_ =	shalt  }
0x61: {  	_ =	shalt  }
0x62: {  	_ =	shalt  }
0x63: {  	_ =	shalt  }
0x64: {  	_ =	shalt  }
0x65: {  	_ =	shalt  }
0x66: {  	_ =	shalt  }
0x67: {  	_ =	shalt  }
0x68: {  	_ =	shalt  }
0x69: {  	_ =	shalt  }
0x6a: {  	_ =	shalt  }
0x6b: {  	_ =	shalt  }
0x6c: {  	_ =	shalt  }
0x6d: {  	_ =	shalt  }
0x6e: {  	_ =	shalt  }
0x6f: {  	_ =	shalt  }
0x70: {  	_ =	shalt  }
0x71: {  	_ =	shalt  }
0x72: {  	_ =	shalt  }
0x73: {  	_ =	shalt  }
0x74: {  	_ =	shalt  }
0x75: {  	_ =	shalt  }
0x76: {  	_ =	shalt  }
0x77: {  	_ =	shalt  }
0x78: {  	_ =	shalt  }
0x79: {  	_ =	shalt  }
0x7a: {  	_ =	shalt  }
0x7b: {  	_ =	shalt  }
0x7c: {  	_ =	shalt  }
0x7d: {  	_ =	shalt  }
0x7e: {  	_ =	shalt  }
0x7f: {  	_ =	shalt  }
0x80: {  	_ =	shalt  }
0x81: {  	_ =	shalt  }
0x82: {  	_ =	shalt  }
0x83: {  	_ =	shalt  }
0x84: {  	_ =	shalt  }
0x85: {  	_ =	shalt  }
0x86: {  	_ =	shalt  }
0x87: {  	_ =	shalt  }
.Lfunc_end0:
.L_simem_size_0:
called_computation.1_lowered:
.L_overlay_start_0:
0x88: {  	s2 =	sld [smem:$0x3FD9]  }
0x89: {  	s3 =	sld [smem:$0x3FFE];
	_ =	sdelay $0x1  }
0x8a: {  	s1 =	srdreg.scid  }
0x8b: {  	s0 =	sand.u32 $0x1, s1  }
0x8c: {  	s17 =	sshll.u32 s0, $0xA;
	s2 =	sadd.s32 s3, s2  }
0x8d: {  	s2 =	sadd.s32 s2, s17  }
0x8e: {  	[smem:$0x3FBE] =	sst s2  }
0x8f: {  	_ = 	snop  }
0x90: {  	s2 =	sld [smem:$0x3FC7];
	(tm) =	ssettm $0x1  }
0x91: {  	s18 =	sld [smem:$0x3FFB];
	_ =	sdelay $0x3  }
0x92: {  	_ =	strace s18  }
0x93: {  	s3 =	sld [smem:$0x3FFC];
	_ =	sdelay $0x3  }
0x94: {  	_ =	strace s3  }
0x95: {  	s3 =	sld [smem:$0x3FFD];
	_ =	sdelay $0x3  }
0x96: {  	_ =	strace s3  }
0x97: {  	_ =	strace $0x8FFFFFFF  }
0x98: {  	s19 =	sld [smem:$0x3FDB];
	_ =	sdelay $0x1  }
0x99: {  	s4 =	simm.s32 $_scs_section_size  }
0x9a: {  	s5 =	simm.s32 $_size__tile_overlayer_lowered;
	s6 =	simm.s32 $_tile_overlayer_lowered  }
0x9b: {  	s22 =	simm.s32 $0x1BFF;
	s21 =	sshll.u32 s6, $0x1;
	s3 =	sadd.s32 s4, s19  }
0x9c: {  	s7 =	simm.s32 $0x0;
	s20 =	sshll.u32 s5, $0x1;
	s5 =	sadd.s32 s21, s3  }
0x9d: {  	[timem:s7], [sflag:s22] =	dma.local [hbm:s5], s20  }
0x9e: {  	_ =	swait.ge [sflag:s22], s20  }
0x9f: {  	s4 =	ssub.s32 $0x0, s20;
	[sflag:s22] =	ssyncset.done $0x0  }
0xa0: {  	[sflag:s22] =	ssyncadd.s32 s4;
	_ =	sdelay $0x1  }
0xa1: {  	s23 =	simm.s32 $0x1B8B  }
0xa2: {  	_ =	swait.ge [sflag:s23], $0x1  }
0xa3: {  	[sflag:s23] =	ssyncset.done $0x0  }
0xa4: {  	s25 =	simm.s32 $0x1B8E;
	s24 =	sld [smem:$0x3FFE];
	[sflag:s23] =	ssyncadd.s32 $0xFFFFFFFF  }
0xa5: {  	s26 =	simm.s32 $execute0_lowered;
	[smem:$0x3FD2] =	sst s25  }
0xa6: {  	s5 =	sshll.u32 s26, $0x1;
	_ =	strace $0x80000049;
	[dreg:$0x1] =	wrdreg $0xFFFFFFFF  }
0xa7: {  	s28 =	simm.s32 $_size_execute0_lowered;
	s3 =	sadd.s32 s3, s5;
	[dreg:$0x0] =	wrdreg $0x0  }
0xa8: {  	s5 =	sshll.u32 s28, $0x1;
	[dreg:$0x2] =	wrdreg s3  }
0xa9: {  	[dreg:$0x3] =	wrdreg s5  }
0xaa: {  	[dreg:$0x4] =	wrdreg $0xC0  }
0xab: {  	_ =	task [dreg:s7], $0x5FFFF  }
0xac: {  	[dreg:$0x1] =	wrdreg $0xFFFFFFFF  }
0xad: {  	[dreg:$0x0] =	wrdreg $0x60  }
0xae: {  	[dreg:$0x2] =	wrdreg s24  }
0xaf: {  	[dreg:$0x3] =	wrdreg s2  }
0xb0: {  	[dreg:$0x4] =	wrdreg $0x1A0800  }
0xb1: {  	[dreg:$0x5] =	wrdreg $0x9  }
0xb2: {  	_ =	task.clear_ibuf [dreg:s7], $0x6FFFF;
	_ =	strace $0x90000049  }
0xb3: {  	s29 =	simm.s32 $0x9;
	_ =	strace $0x8000004B  }
0xb4: {  	_ =	swait.ge [sflag:s29], $0x1  }
0xb5: {  	[sflag:s29] =	ssyncadd.s32 $0xFFFFFFFF  }
0xb6: {  	_ =	strace $0x9000004B  }
0xb7: {  	_ =	sfence  }
0xb8: {  	s30 =	sld [smem:$0x0];
	_ =	sdelay $0x2  }
0xb9: {  	s31 =	sshll.u32 s1, $0xD;
	s1 =	sshrl.u32 s1, $0x2  }
0xba: {  	s3 =	sand.u32 $0x4000, s31;
	s1 =	sadd.s32 s1, s30  }
0xbb: {  	s0 =	sor.u32 s3, s0;
	s1 =	sshll.u32 s1, $0x11  }
0xbc: {  	s0 =	sor.u32 s1, s0  }
0xbd: {  	s0 =	sadd.s32 $0x8F2B, s0  }
0xbe: {  	[sflag:s0] =	ssyncadd.remote.s32 $0x1  }
0xbf: {  	_ =	sfence.sel $0xFFFF  }
0xc0: {  	[dreg:$0x0] =	wrdreg $0xFFFFFFFF;
	(pc) =	sbr.abs _section_cstart, $3  }
0xc1: {  	[dreg:$0x1] =	wrdreg $0xFFFFFFFF  }
0xc2: {  	_ =	task.clear_ibuf [dreg:s7], $0x2FFFF;
	_ =	strace $0x9FFFFFFF  }
0xc3: {  	(tm) =	ssettm $0x7FFFFFFF  }
tec
execute0_lowered:
.L_overlay_start_1:
0x0: {  	(tag) =	ssettag $0x1  }
0x1: {  	s0 =	rddreg [dreg:$0x0]  }
0x2: {  	s1 =	rddreg [dreg:$0x1]  }
0x3: {  	s2 =	rddreg [dreg:$0x2]  }
0x4: {  	s3 =	srdreg.scid;
	s8 =	stileid.u32;
	s28 =	simm.s32 $0x12600  }
0x5: {  	s29 =	simm.s32 $0x1;
	s30 =	simm.s32 $0x3;
	s31 =	simm.s32 $0x61A8  }
0x6: {  	s4 =	sand.u32 $0x1, s3;
	s5 =	smul.u32 $0x1880, s8;
	s3 =	simm.s32 $0x0  }
0x7: {  	s6 =	smul.u32 $0x18800, s4;
	s7 =	sshll.u32 s4, $0x4;
	[smem:$0x7FF] =	sst s3  }
0x8: {  	s4 =	ssub.s32 $0x2, s4;
	s7 =	sor.u32 s8, s7;
	_ =	strace $0x8000004A  }
0x9: {  	s8 =	sadd.s32 $0x2C00, s0;
	s25 =	sshrl.u32 s4, $0x1;
	s6 =	sadd.s32 s5, s6  }
0xa: {  	s7 =	smul.u32 $0x30D40, s7;
	s10 =	ssub.s32 s4, s25;
	s4 =	sadd.s32 s5, s2  }
0xb: {  	s5 =	simm.s32 $0x0;
	s6 =	sshrl.u32 s6, $0x3;
	s10 =	smax.u32 s10, $0x1  }
0xc: {  	s0 =	sadd.s32 s6, s0;
	s11 =	sadd.s32 $0x61A8, s7;
	s12 =	sadd.s32 $0x6209A8, s7  }
0xd: {  	s21 =	sadd.s32 $0x124F8, s7;
	s22 =	sadd.s32 $0x62CCF8, s7;
	s23 =	sadd.s32 $0x1E848, s7  }
0xe: {  	s9 =	sshrl.u32 s7, $0x3;
	s17 =	sadd.s32 $0x639048, s7;
	s24 =	sadd.s32 $0x645398, s7  }
0xf: {  	s25 =	sadd.s32 $0x2AB98, s7;
	s26 =	sadd.s32 s8, s9;
	s6 =	sadd.s32 s1, s9  }
0x10: {  	s19 =	sshrl.u32 s12, $0x3;
	s11 =	sshrl.u32 s11, $0x3;
	s14 =	sshrl.u32 s21, $0x3  }
0x11: {  	s17 =	sshrl.u32 s17, $0x3;
	s18 =	sadd.s32 $0xC3500, s26;
	s9 =	sadd.s32 s8, s19  }
0x12: {  	s20 =	sadd.s32 s1, s11;
	s11 =	sadd.s32 $0xC4D6A, s26;
	s12 =	sadd.s32 $0x186A, s6  }
0x13: {  	s14 =	sadd.s32 s1, s14;
	s15 =	sadd.s32 $0xC65D4, s26;
	s16 =	sadd.s32 $0x30D4, s6  }
0x14: {  	s17 =	sadd.s32 s8, s17;
	s19 =	sadd.s32 $0xC7E3E, s26;
	[dreg:$0x4] =	wrdreg s18  }
0x15: {  	s26 =	sshrl.u32 s25, $0x3;
	s25 =	simm.s32 $0xC400;
	[dreg:$0x5] =	wrdreg s9  }
0x16: {  	[dreg:$0x6] =	wrdreg s20;
	s9 =	sadd.s32 $0x189600, s0;
	s0 =	sshrl.u32 s22, $0x3  }
0x17: {  	s20 =	sadd.s32 $0x493E, s6;
	s22 =	sadd.s32 s1, s26;
	s26 =	simm.s32 $0x6200  }
0x18: {  	s13 =	sadd.s32 s8, s0;
	s0 =	sshrl.u32 s23, $0x3;
	s23 =	simm.s32 $0x18800  }
0x19: {  	s18 =	sadd.s32 s1, s0;
	s0 =	sshrl.u32 s24, $0x3;
	s24 =	simm.s32 $0x5  }
0x1a: {  	v0 =	vimm.f32 $0.0e+00;
	s1 =	simm.s32 $0x4;
	s21 =	sadd.s32 s8, s0;
	s0 =	simm.s32 $0x2  }
.LBB2_1:
0x1b: {  	s7 =	simm.s32 $0x18840  }
0x1c: {  	[tilespmem:s7+$0xFFFFFFC0] =	vst v0  }
0x1d: {  	[tilespmem:s7+$0x30] =	vst v0  }
0x1e: {  	[tilespmem:s7+$0x20] =	vst v0  }
0x1f: {  	[tilespmem:s7+$0x10] =	vst v0  }
0x20: {  	[tilespmem:s7+$0x0] =	vst v0  }
0x21: {  	[tilespmem:s7+$0xFFFFFFF0] =	vst v0  }
0x22: {  	s8 =	simm.s32 $0x0;
	[tilespmem:s7+$0xFFFFFFE0] =	vst v0  }
.LBB2_2:
0x23: {  	s8 =	sadd.s32 $0x80, s8;
	[tilespmem:s7+$0xFFFFFFD0] =	vst v0;
	s7 =	sadd.s32 $0x80, s7  }
0x24: {  	[tilespmem:s7+$0xFFFFFFC0] =	vst v0;
	p0 =	slt.u32 s8, $0x1800  }
0x25: {  	[tilespmem:s7+$0x30] =	vst v0  }
.Ltmp0:
0x26: {  	[tilespmem:s7+$0x20] =	vst v0;
	(pc) =	sbr.rel @p0 .LBB2_2-.Ltmp0, $4  }
0x27: {  	[tilespmem:s7+$0x10] =	vst v0  }
0x28: {  	[tilespmem:s7+$0x0] =	vst v0  }
0x29: {  	[tilespmem:s7+$0xFFFFFFF0] =	vst v0  }
0x2a: {  	[tilespmem:s7+$0xFFFFFFE0] =	vst v0  }
0x2b: {  	[tilespmem:s7+$0xFFFFFFD0] =	vst v0  }
0x2c: {  	[spmem:s4] =	stream.linear.scatter [tilespmem:s23], [sflag:$0x5], $0x1880, $0x38;
	[tilespmem:$0x1B900] =	vst v63  }
0x2d: {  	_ =	swait.ge [sflag:s24], $0x1880  }
0x2e: {  	[sflag:s24] =	ssyncset.done $0x0  }
0x2f: {  	[sflag:s24] =	ssyncadd.s32 $0xFFFFE780  }
0x30: {  	[bflag:$0x0] =	sbarrier.arrive $0xFFFF  }
0x31: {  	s8 =	rddreg [dreg:$0x4]  }
0x32: {  	[tilespmem:s3], [sflag:$0x1] =	stream.linear.gather [hbm4b:s8+s3], $0x61A8, $0x38;
	[tilespmem:$0x1B900] =	vst v63  }
0x33: {  	_ = 	snop  }
0x34: {  	[tilespmem:s25], [sflag:$0x3] =	stream.linear.gather [hbm4b:s6+s3], $0x61A8, $0x38;
	[tilespmem:$0x1B900] =	vst v63  }
0x35: {  	s8 =	rddreg [dreg:$0x5]  }
0x36: {  	[tilespmem:s26], [sflag:$0x2] =	stream.linear.gather [hbm4b:s8+s3], $0x61A8, $0x38;
	[tilespmem:$0x1B900] =	vst v63  }
0x37: {  	s8 =	rddreg [dreg:$0x6]  }
0x38: {  	[tilespmem:s28], [sflag:$0x4] =	stream.linear.gather [hbm4b:s8+s3], $0x61A8, $0x38;
	[tilespmem:$0x1B900] =	vst v63  }
0x39: {  	_ =	swait.ge [sflag:s29], $0x61A8  }
0x3a: {  	[sflag:s29] =	ssyncset.done $0x0  }
0x3b: {  	[sflag:s29] =	ssyncadd.s32 $0xFFFF9E58  }
0x3c: {  	_ =	swait.ge [sflag:s30], $0x61A8  }
0x3d: {  	[sflag:s30] =	ssyncset.done $0x0  }
0x3e: {  	[sflag:s30] =	ssyncadd.s32 $0xFFFF9E58  }
0x3f: {  	[spmem:s2] =	stream.indirect.scatter.add.f32 [tilespmem:s25], [sflag:$0x5], $0x1, s3, s31, $0xb8;
	[tilespmem:$0x1B900] =	vst v63  }
0x40: {  	_ =	swait.ge [sflag:s24], $0x61A8  }
0x41: {  	[sflag:s24] =	ssyncset.done $0x0  }
0x42: {  	[sflag:s24] =	ssyncadd.s32 $0xFFFF9E58  }
0x43: {  	[tilespmem:s3], [sflag:$0x1] =	stream.linear.gather [hbm4b:s11+s3], $0x61A8, $0x38;
	[tilespmem:$0x1B900] =	vst v63  }
0x44: {  	_ = 	snop  }
0x45: {  	[tilespmem:s25], [sflag:$0x3] =	stream.linear.gather [hbm4b:s12+s3], $0x61A8, $0x38;
	[tilespmem:$0x1B900] =	vst v63  }
0x46: {  	_ =	swait.ge [sflag:s0], $0x61A8  }
0x47: {  	[sflag:s0] =	ssyncset.done $0x0  }
0x48: {  	[sflag:s0] =	ssyncadd.s32 $0xFFFF9E58  }
0x49: {  	_ =	swait.ge [sflag:s1], $0x61A8  }
0x4a: {  	[sflag:s1] =	ssyncset.done $0x0  }
0x4b: {  	[sflag:s1] =	ssyncadd.s32 $0xFFFF9E58  }
0x4c: {  	[spmem:s2] =	stream.indirect.scatter.add.f32 [tilespmem:s28], [sflag:$0x5], $0x1, s26, s31, $0xb8;
	[tilespmem:$0x1B900] =	vst v63  }
0x4d: {  	_ =	swait.ge [sflag:s24], $0x61A8  }
0x4e: {  	[sflag:s24] =	ssyncset.done $0x0  }
0x4f: {  	[sflag:s24] =	ssyncadd.s32 $0xFFFF9E58  }
0x50: {  	[tilespmem:s26], [sflag:$0x2] =	stream.linear.gather [hbm4b:s13+s3], $0x61A8, $0x38;
	[tilespmem:$0x1B900] =	vst v63  }
0x51: {  	_ = 	snop  }
0x52: {  	[tilespmem:s28], [sflag:$0x4] =	stream.linear.gather [hbm4b:s14+s3], $0x61A8, $0x38;
	[tilespmem:$0x1B900] =	vst v63  }
0x53: {  	_ =	swait.ge [sflag:s29], $0x61A8  }
0x54: {  	[sflag:s29] =	ssyncset.done $0x0  }
0x55: {  	[sflag:s29] =	ssyncadd.s32 $0xFFFF9E58  }
0x56: {  	_ =	swait.ge [sflag:s30], $0x61A8  }
0x57: {  	[sflag:s30] =	ssyncset.done $0x0  }
0x58: {  	[sflag:s30] =	ssyncadd.s32 $0xFFFF9E58  }
0x59: {  	[spmem:s2] =	stream.indirect.scatter.add.f32 [tilespmem:s25], [sflag:$0x5], $0x1, s3, s31, $0xb8;
	[tilespmem:$0x1B900] =	vst v63  }
0x5a: {  	_ =	swait.ge [sflag:s24], $0x61A8  }
0x5b: {  	[sflag:s24] =	ssyncset.done $0x0  }
0x5c: {  	[sflag:s24] =	ssyncadd.s32 $0xFFFF9E58  }
0x5d: {  	[tilespmem:s3], [sflag:$0x1] =	stream.linear.gather [hbm4b:s15+s3], $0x61A8, $0x38;
	[tilespmem:$0x1B900] =	vst v63  }
0x5e: {  	_ = 	snop  }
0x5f: {  	[tilespmem:s25], [sflag:$0x3] =	stream.linear.gather [hbm4b:s16+s3], $0x61A8, $0x38;
	[tilespmem:$0x1B900] =	vst v63  }
0x60: {  	_ =	swait.ge [sflag:s0], $0x61A8  }
0x61: {  	[sflag:s0] =	ssyncset.done $0x0  }
0x62: {  	[sflag:s0] =	ssyncadd.s32 $0xFFFF9E58  }
0x63: {  	_ =	swait.ge [sflag:s1], $0x61A8  }
0x64: {  	[sflag:s1] =	ssyncset.done $0x0  }
0x65: {  	[sflag:s1] =	ssyncadd.s32 $0xFFFF9E58  }
0x66: {  	[spmem:s2] =	stream.indirect.scatter.add.f32 [tilespmem:s28], [sflag:$0x5], $0x1, s26, s31, $0xb8;
	[tilespmem:$0x1B900] =	vst v63  }
0x67: {  	_ =	swait.ge [sflag:s24], $0x61A8  }
0x68: {  	[sflag:s24] =	ssyncset.done $0x0  }
0x69: {  	[sflag:s24] =	ssyncadd.s32 $0xFFFF9E58  }
0x6a: {  	[tilespmem:s26], [sflag:$0x2] =	stream.linear.gather [hbm4b:s17+s3], $0x61A8, $0x38;
	[tilespmem:$0x1B900] =	vst v63  }
0x6b: {  	_ = 	snop  }
0x6c: {  	[tilespmem:s28], [sflag:$0x4] =	stream.linear.gather [hbm4b:s18+s3], $0x61A8, $0x38;
	[tilespmem:$0x1B900] =	vst v63  }
0x6d: {  	_ =	swait.ge [sflag:s29], $0x61A8  }
0x6e: {  	[sflag:s29] =	ssyncset.done $0x0  }
0x6f: {  	[sflag:s29] =	ssyncadd.s32 $0xFFFF9E58  }
0x70: {  	_ =	swait.ge [sflag:s30], $0x61A8  }
0x71: {  	[sflag:s30] =	ssyncset.done $0x0  }
0x72: {  	[sflag:s30] =	ssyncadd.s32 $0xFFFF9E58  }
0x73: {  	[spmem:s2] =	stream.indirect.scatter.add.f32 [tilespmem:s25], [sflag:$0x5], $0x1, s3, s31, $0xb8;
	[tilespmem:$0x1B900] =	vst v63  }
0x74: {  	_ =	swait.ge [sflag:s24], $0x61A8  }
0x75: {  	[sflag:s24] =	ssyncset.done $0x0  }
0x76: {  	[sflag:s24] =	ssyncadd.s32 $0xFFFF9E58  }
0x77: {  	[tilespmem:s3], [sflag:$0x1] =	stream.linear.gather [hbm4b:s19+s3], $0x61A8, $0x38;
	[tilespmem:$0x1B900] =	vst v63  }
0x78: {  	_ = 	snop  }
0x79: {  	[tilespmem:s25], [sflag:$0x3] =	stream.linear.gather [hbm4b:s20+s3], $0x61A8, $0x38;
	[tilespmem:$0x1B900] =	vst v63  }
0x7a: {  	_ =	swait.ge [sflag:s0], $0x61A8  }
0x7b: {  	[sflag:s0] =	ssyncset.done $0x0  }
0x7c: {  	[sflag:s0] =	ssyncadd.s32 $0xFFFF9E58  }
0x7d: {  	_ =	swait.ge [sflag:s1], $0x61A8  }
0x7e: {  	[sflag:s1] =	ssyncset.done $0x0  }
0x7f: {  	[sflag:s1] =	ssyncadd.s32 $0xFFFF9E58  }
0x80: {  	[spmem:s2] =	stream.indirect.scatter.add.f32 [tilespmem:s28], [sflag:$0x5], $0x1, s26, s31, $0xb8;
	[tilespmem:$0x1B900] =	vst v63  }
0x81: {  	_ =	swait.ge [sflag:s24], $0x61A8  }
0x82: {  	[sflag:s24] =	ssyncset.done $0x0  }
0x83: {  	[sflag:s24] =	ssyncadd.s32 $0xFFFF9E58  }
0x84: {  	[tilespmem:s26], [sflag:$0x2] =	stream.linear.gather [hbm4b:s21+s3], $0x61A8, $0x38;
	[tilespmem:$0x1B900] =	vst v63  }
0x85: {  	_ = 	snop  }
0x86: {  	[tilespmem:s28], [sflag:$0x4] =	stream.linear.gather [hbm4b:s22+s3], $0x61A8, $0x38;
	[tilespmem:$0x1B900] =	vst v63  }
0x87: {  	_ =	swait.ge [sflag:s29], $0x61A8  }
0x88: {  	[sflag:s29] =	ssyncset.done $0x0  }
0x89: {  	[sflag:s29] =	ssyncadd.s32 $0xFFFF9E58  }
0x8a: {  	_ =	swait.ge [sflag:s30], $0x61A8  }
0x8b: {  	[sflag:s30] =	ssyncset.done $0x0  }
0x8c: {  	[sflag:s30] =	ssyncadd.s32 $0xFFFF9E58  }
0x8d: {  	[spmem:s2] =	stream.indirect.scatter.add.f32 [tilespmem:s25], [sflag:$0x5], $0x1, s3, s31, $0xb8;
	[tilespmem:$0x1B900] =	vst v63  }
0x8e: {  	_ =	swait.ge [sflag:s24], $0x61A8  }
0x8f: {  	[sflag:s24] =	ssyncset.done $0x0  }
0x90: {  	[sflag:s24] =	ssyncadd.s32 $0xFFFF9E58  }
0x91: {  	_ =	swait.ge [sflag:s0], $0x61A8  }
0x92: {  	[sflag:s0] =	ssyncset.done $0x0  }
0x93: {  	[sflag:s0] =	ssyncadd.s32 $0xFFFF9E58  }
0x94: {  	_ =	swait.ge [sflag:s1], $0x61A8  }
0x95: {  	[sflag:s1] =	ssyncset.done $0x0  }
0x96: {  	[sflag:s1] =	ssyncadd.s32 $0xFFFF9E58  }
0x97: {  	[spmem:s2] =	stream.indirect.scatter.add.f32 [tilespmem:s28], [sflag:$0x5], $0x1, s26, s31, $0xb8;
	[tilespmem:$0x1B900] =	vst v63  }
0x98: {  	_ =	swait.ge [sflag:s24], $0x61A8  }
0x99: {  	[sflag:s24] =	ssyncset.done $0x0  }
0x9a: {  	[sflag:s24] =	ssyncadd.s32 $0xFFFF9E58  }
0x9b: {  	[bflag:$0x0] =	sbarrier.arrive $0xFFFF  }
0x9c: {  	[tilespmem:s23], [sflag:$0x5] =	stream.linear.gather [spmem:s4], $0x1880, $0x38;
	[tilespmem:$0x1B900] =	vst v63  }
0x9d: {  	s5 =	sadd.s32 $0x1, s5;
	_ =	swait.ge [sflag:s24], $0x1880  }
0x9e: {  	p0 =	sne.s32 s5, s10;
	[sflag:s24] =	ssyncset.done $0x0  }
.Ltmp1:
0x9f: {  	[sflag:s24] =	ssyncadd.s32 $0xFFFFE780;
	(pc) =	sbr.rel @p0 .LBB2_1-.Ltmp1, $4  }
0xa0: {  	[hbm4b:s9+s3] =	stream.linear.scatter [tilespmem:s23], [sflag:$0x5], $0x1880, $0x38;
	[tilespmem:$0x1B900] =	vst v63  }
0xa1: {  	_ =	swait.ge [sflag:s24], $0x1880  }
0xa2: {  	[sflag:s24] =	ssyncset.done $0x0  }
0xa3: {  	[sflag:s24] =	ssyncadd.s32 $0xFFFFE780  }
0xa4: {  	_ =	sfence.sel $0x180000  }
0xa5: {  	[bflag:$0x0] =	sbarrier.arrive $0xFFFF  }
0xa6: {  	_ =	strace $0x9000004A  }
0xa7: {  	s0 =	stileid.u32;
	[bflag:$0x2] =	sbarrier.arrive $0xFFFF  }
0xa8: {  	p0 =	sne.s32 s0, $0x0;
	s0 =	rddreg [dreg:$0x3]  }
0xa9: {  	s0 =	sadd.s32 @!p0 $0x100000, s0  }
0xaa: {  	[sflag:s0] =	ssyncadd.tile.s32 @!p0 $0x1;
	_ =	shalt  }
.Lfunc_end2:
_tile_overlayer_lowered:
.L_overlay_start_2:
0xab: {  	(tag) =	ssettag $0x2  }
0xac: {  	s0 =	rddreg [dreg:$0x0];
	s2 =	stileid.u32  }
0xad: {  	s1 =	rddreg [dreg:$0x1];
	p0 =	sne.s32 s2, $0x0  }
0xae: {  	s3 =	rddreg [dreg:$0x2];
	[bflag:$0x3] =	sbarrier.arrive $0xFFFF;
	s2 =	simm.s32 @!p0 $0x1C05  }
0xaf: {  	[timem:s3], [sflag:s2] =	dma.local @!p0 [hbm:s0], s1  }
0xb0: {  	s0 =	simm.s32 @!p0 $0x5  }
0xb1: {  	_ =	swait.ge @!p0 [sflag:s0], s1  }
0xb2: {  	s1 =	ssub.s32 @!p0 $0x0, s1;
	[sflag:s0] =	ssyncset.done @!p0 $0x0  }
0xb3: {  	[sflag:s0] =	ssyncadd.s32 @!p0 s1  }
0xb4: {  	[bflag:$0x3] =	sbarrier.arrive $0xFFFF  }
0xb5: {  	_ =	shalt  }

// kernel: sparse-core-data-format-call.cloned.1.call-start
scs
called_computation_lowered:
.L_overlay_start_0:
0x0: {  	s2 =	sld [smem:$0x3FD9]  }
0x1: {  	s3 =	sld [smem:$0x3FFE];
	_ =	sdelay $0x1  }
0x2: {  	s1 =	srdreg.scid  }
0x3: {  	s0 =	sand.u32 $0x1, s1  }
0x4: {  	s18 =	sshll.u32 s0, $0xA;
	s2 =	sadd.s32 s3, s2  }
0x5: {  	s2 =	sadd.s32 s2, s18  }
0x6: {  	[smem:$0x3FBE] =	sst s2  }
0x7: {  	_ = 	snop  }
0x8: {  	s2 =	sld [smem:$0x3FC8];
	(tm) =	ssettm $0x1  }
0x9: {  	s19 =	sld [smem:$0x3FFB];
	_ =	sdelay $0x3  }
0xa: {  	_ =	strace s19  }
0xb: {  	s3 =	sld [smem:$0x3FFC];
	_ =	sdelay $0x3  }
0xc: {  	_ =	strace s3  }
0xd: {  	s3 =	sld [smem:$0x3FFD];
	_ =	sdelay $0x3  }
0xe: {  	_ =	strace s3  }
0xf: {  	_ =	strace $0x8FFFFFFF  }
0x10: {  	s20 =	sld [smem:$0x3FDB];
	_ =	sdelay $0x1  }
0x11: {  	s4 =	simm.s32 $_scs_section_size  }
0x12: {  	s5 =	simm.s32 $_size__tile_overlayer_lowered;
	s6 =	simm.s32 $_tile_overlayer_lowered  }
0x13: {  	s23 =	simm.s32 $0x1BFF;
	s22 =	sshll.u32 s6, $0x1;
	s3 =	sadd.s32 s4, s20  }
0x14: {  	s7 =	simm.s32 $0x0;
	s21 =	sshll.u32 s5, $0x1;
	s5 =	sadd.s32 s22, s3  }
0x15: {  	[timem:s7], [sflag:s23] =	dma.local [hbm:s5], s21  }
0x16: {  	_ =	swait.ge [sflag:s23], s21  }
0x17: {  	s4 =	ssub.s32 $0x0, s21;
	[sflag:s23] =	ssyncset.done $0x0  }
0x18: {  	[sflag:s23] =	ssyncadd.s32 s4;
	_ =	sdelay $0x1  }
0x19: {  	s24 =	simm.s32 $0x1B8B  }
0x1a: {  	_ =	swait.ge [sflag:s24], $0x1  }
0x1b: {  	[sflag:s24] =	ssyncset.done $0x0  }
0x1c: {  	s26 =	simm.s32 $0x1B8E;
	s25 =	sld [smem:$0x3FFE];
	[sflag:s24] =	ssyncadd.s32 $0xFFFFFFFF  }
0x1d: {  	s27 =	simm.s32 $execute0_lowered;
	[smem:$0x3FD2] =	sst s26  }
0x1e: {  	s5 =	sshll.u32 s27, $0x1;
	_ =	strace $0x80000046;
	[dreg:$0x1] =	wrdreg $0xFFFFFFFF  }
0x1f: {  	s28 =	simm.s32 $_size_execute0_lowered;
	s3 =	sadd.s32 s3, s5;
	[dreg:$0x0] =	wrdreg $0x0  }
0x20: {  	s5 =	sshll.u32 s28, $0x1;
	[dreg:$0x2] =	wrdreg s3  }
0x21: {  	[dreg:$0x3] =	wrdreg s5  }
0x22: {  	[dreg:$0x4] =	wrdreg $0xC0  }
0x23: {  	_ =	task [dreg:s7], $0x5FFFF  }
0x24: {  	[dreg:$0x1] =	wrdreg $0xFFFFFFFF  }
0x25: {  	[dreg:$0x0] =	wrdreg $0x60  }
0x26: {  	[dreg:$0x2] =	wrdreg s2  }
0x27: {  	[dreg:$0x3] =	wrdreg s25  }
0x28: {  	[dreg:$0x4] =	wrdreg $0x9  }
0x29: {  	_ =	task.clear_ibuf [dreg:s7], $0x5FFFF;
	_ =	strace $0x90000046  }
0x2a: {  	s29 =	simm.s32 $0x9;
	_ =	strace $0x80000048  }
0x2b: {  	_ =	swait.ge [sflag:s29], $0x1  }
0x2c: {  	[sflag:s29] =	ssyncadd.s32 $0xFFFFFFFF  }
0x2d: {  	_ =	strace $0x90000048  }
0x2e: {  	_ =	sfence  }
0x2f: {  	s30 =	sld [smem:$0x0];
	_ =	sdelay $0x2  }
0x30: {  	s31 =	sshll.u32 s1, $0xD;
	s1 =	sshrl.u32 s1, $0x2  }
0x31: {  	s3 =	sand.u32 $0x4000, s31;
	s1 =	sadd.s32 s1, s30  }
0x32: {  	s0 =	sor.u32 s3, s0;
	s1 =	sshll.u32 s1, $0x11  }
0x33: {  	s0 =	sor.u32 s1, s0  }
0x34: {  	s0 =	sadd.s32 $0x8F2B, s0  }
0x35: {  	[sflag:s0] =	ssyncadd.remote.s32 $0x1  }
0x36: {  	_ =	sfence.sel $0xFFFF  }
0x37: {  	[dreg:$0x0] =	wrdreg $0xFFFFFFFF;
	(pc) =	sbr.abs _section_cstart, $3  }
0x38: {  	[dreg:$0x1] =	wrdreg $0xFFFFFFFF  }
0x39: {  	_ =	task.clear_ibuf [dreg:s7], $0x2FFFF;
	_ =	strace $0x9FFFFFFF  }
0x3a: {  	(tm) =	ssettm $0x7FFFFFFF  }
0x3b: {  	_ =	shalt  }
tec
execute0_lowered:
.L_overlay_start_1:
0x0: {  	(tag) =	ssettag $0x1  }
0x1: {  	s0 =	stileid.u32;
	s7 =	rddreg [dreg:$0x0]  }
0x2: {  	s1 =	srdreg.scid;
	s4 =	rddreg [dreg:$0x1]  }
0x3: {  	s30 =	simm.s32 $0x2;
	s10 =	simm.s32 $0x0;
	s14 =	simm.s32 $0x0  }
0x4: {  	s15 =	simm.s32 $0x0;
	s11 =	simm.s32 $0x0;
	s13 =	simm.s32 $0x0  }
0x5: {  	s2 =	sand.u32 $0x1, s1;
	s3 =	sshll.u32 s0, $0x7;
	s1 =	rddreg [dreg:$0x2]  }
0x6: {  	_ =	strace $0x80000047;
	s5 =	ssub.s32 $0xC300, s3;
	s6 =	ssub.s32 $0x2, s2  }
.Ltmp0:
0x7: {  	s5 =	sshrl.u32 s5, $0xB;
	s8 =	sshrl.u32 s6, $0x1;
	(pc) =	sbr.rel .LBB1_1-.Ltmp0, $4  }
0x8: {  	s4 =	sadd.s32 $0x2C00, s4;
	s9 =	sadd.s32 $0x1, s5;
	s6 =	ssub.s32 s6, s8  }
0x9: {  	s31 =	sshll.u32 s2, $0x4;
	s5 =	simm.s32 $0x1;
	s6 =	smul.u32 s9, s6  }
0xa: {  	s12 =	smov.u32 s3;
	s7 =	sadd.s32 s7, s31;
	[sflag:s5] =	ssyncpa.u1 $0x0  }
0xb: {  	s9 =	simm.s32 $0x0;
	[sflag:s30] =	ssyncpa.u1 $0x0;
	s8 =	sadd.s32 $0x1, s6  }
.LBB1_4:
0xc: {  	s21 =	simm.s32 $0x0  }
.LBB1_8:
0xd: {  	_ =	sdelay $0x3  }
0xe: {  	v6 =	vld [tilespmem:s18+$0xFFFFFFC0];
	[tilespmem:v0+s20+$0x30 ss:$0x1] =	vst.idx.msk @p0 $0xffff, v2  }
0xf: {  	v58 =	vld [tilespmem:s18+$0xFFFFFFD0];
	[tilespmem:v0+s20+$0x40 ss:$0x1] =	vst.idx.msk @p0 $0xffff, v3;
	s21 =	sadd.s32 @p0 $0x80, s21  }
0x10: {  	v59 =	vld [tilespmem:s18+$0xFFFFFFE0];
	[tilespmem:v0+s20+$0x50 ss:$0x1] =	vst.idx.msk @p0 $0xffff, v5;
	s19 =	smov.u32 @p0 s21  }
0x11: {  	v60 =	vld [tilespmem:s18+$0xFFFFFFF0];
	[tilespmem:v0+s20+$0x60 ss:$0x1] =	vst.idx.msk @p0 $0xffff, v4;
	s19 =	sand.u32 $0x3F80, s19  }
0x12: {  	v61 =	vld [tilespmem:s18+$0x0];
	[tilespmem:v0+s19+$0x70 ss:$0x1] =	vst.idx.msk $0xffff, v1  }
0x13: {  	v62 =	vld [tilespmem:s18+$0x10];
	[tilespmem:v0+s19+$0x0 ss:$0x1] =	vst.idx.msk $0xffff, v6  }
0x14: {  	v63 =	vld [tilespmem:s18+$0x20];
	[tilespmem:v0+s19+$0x10 ss:$0x1] =	vst.idx.msk $0xffff, v58  }
0x15: {  	[tilespmem:v0+s19+$0x20 ss:$0x1] =	vst.idx.msk $0xffff, v59  }
0x16: {  	[tilespmem:v0+s19+$0x30 ss:$0x1] =	vst.idx.msk $0xffff, v60  }
0x17: {  	[tilespmem:v0+s19+$0x40 ss:$0x1] =	vst.idx.msk $0xffff, v61  }
0x18: {  	[tilespmem:v0+s19+$0x50 ss:$0x1] =	vst.idx.msk $0xffff, v62  }
0x19: {  	[tilespmem:v0+s19+$0x60 ss:$0x1] =	vst.idx.msk $0xffff, v63  }
.LBB1_9:
0x1a: {  	s18 =	sand.u32 $0x1FFFFFF, s11  }
0x1b: {  	s19 =	smulhi.u32 $0x14F8B59, s18;
	_ =	sdelay $0x1  }
0x1c: {  	s19 =	sshrl.u32 s19, $0x8  }
0x1d: {  	s19 =	smul.u32 $0xC350, s19  }
0x1e: {  	s15 =	smul.u32 $0xC3500, s15  }
0x1f: {  	s18 =	ssub.s32 s18, s19  }
0x20: {  	s15 =	sadd.s32 s4, s15;
	s18 =	sshll.u32 s18, $0x4  }
0x21: {  	s15 =	sadd.s32 s18, s15  }
0x22: {  	[hbm4b:s15+s9] =	stream.linear.scatter [tilespmem:s17], [sflag:$0x2], s16, $0x38;
	[tilespmem:$0x10000] =	vst v63  }
.LBB1_10:
0x23: {  	p0 =	slt.u32 s13, $0x2  }
0x24: {  	p1 =	sgt.s32 @!p0 s14, $0xC2D0  }
0x25: {  	s15 =	smov.u32 s14;
	s16 =	sshra.s32 @!p0 s14, $0x1F;
	p1 =	por !p1, p0  }
0x26: {  	s14 =	sand.u32 @!p0 s16, s14;
	s15 =	simm.s32 @p1 $0xC2D0  }
0x27: {  	s14 =	ssub.s32 @!p0 s15, s14  }
0x28: {  	s14 =	sadd.s32 @!p0 $0xFFFF3D30, s14  }
0x29: {  	s15 =	sshll.u32 @!p0 s14, $0x7  }
0x2a: {  	p1 =	sgt.s32 @!p0 s14, $0x7F;
	s14 =	ssub.s32 @!p0 $0x4000, s15  }
0x2b: {  	s16 =	sadd.s32 $0x800, s12;
	p1 =	por !p1, p0;
	s14 =	sand.u32 @!p0 $0x3FFFFF80, s14  }
0x2c: {  	s14 =	simm.s32 @!p1 $0x0;
	p1 =	sgt.s32 s16, $0xC34F  }
0x2d: {  	s16 =	smov.u32 @p1 s3;
	p1 =	sne.s32 s13, s8  }
.Ltmp1:
0x2e: {  	_ = 	snop;
	(pc) =	sbr.rel @!p1 .LBB1_11-.Ltmp1, $4  }
0x2f: {  	s10 =	sadd.s32 $0x4000, s10;
	s15 =	simm.s32 @!p0 $0x2  }
0x30: {  	_ =	swait.ge @!p0 [sflag:s15], s14;
	s17 =	ssub.s32 @!p0 $0x0, s14;
	s14 =	smov.u32 s11  }
0x31: {  	s13 =	sadd.s32 $0x1, s13;
	s11 =	smov.u32 s12;
	[sflag:s15] =	ssyncset.done @!p0 $0x0  }
0x32: {  	s12 =	smov.u32 s16;
	[sflag:s15] =	ssyncadd.s32 @!p0 s17;
	s15 =	smov.u32 s2  }
.LBB1_1:
0x33: {  	p0 =	sge.u32 s13, s6  }
0x34: {  	p1 =	sgt.s32 @!p0 s12, $0xC2D0  }
0x35: {  	s16 =	smov.u32 s12;
	s17 =	sshra.s32 @!p0 s12, $0x1F;
	p1 =	por !p1, p0  }
0x36: {  	s17 =	sand.u32 @!p0 s17, s12;
	s16 =	simm.s32 @p1 $0xC2D0  }
0x37: {  	s16 =	ssub.s32 @!p0 s16, s17  }
0x38: {  	s31 =	sadd.s32 $0xFFFFFFFF, s13;
	s18 =	sxor.u32 @!p0 $0xFFFFFFFF, s13;
	s16 =	sadd.s32 @!p0 $0xFFFF3D30, s16  }
0x39: {  	s19 =	simm.s32 @!p0 $0x80;
	s20 =	simm.s32 @!p0 $0x100;
	s17 =	sshll.u32 @!p0 s16, $0x7  }
0x3a: {  	p1 =	sgt.s32 @!p0 s16, $0x7F;
	s16 =	ssub.s32 @!p0 $0x4000, s17;
	s17 =	sshll.u32 @!p0 s18, $0xE  }
0x3b: {  	p1 =	por !p1, p0;
	s18 =	sshll.u32 @!p0 s12, $0x5;
	s16 =	sand.u32 @!p0 $0x3FFFFF80, s16  }
0x3c: {  	s17 =	sand.u32 @!p0 $0x4000, s17;
	s18 =	sadd.s32 @!p0 s18, s7;
	s16 =	simm.s32 @!p1 $0x0  }
0x3d: {  	[tilespmem:s17], [sflag:$0x1] =	stream.strided.gather @!p0 [hbm4b:s18+s19], s16, s20, s19, $0x38;
	[tilespmem:$0x10000] =	vst v63  }
0x3e: {  	p0 =	sge.u32 s31, s6  }
.Ltmp2:
0x3f: {  	_ = 	snop;
	(pc) =	sbr.rel @p0 .LBB1_10-.Ltmp2, $1  }
0x40: {  	_ =	sdelay $0x3  }
0x41: {  	p0 =	sgt.s32 s11, $0xC2D0;
	s16 =	smov.u32 s11;
	s17 =	sshra.s32 s11, $0x1F  }
0x42: {  	s16 =	simm.s32 @!p0 $0xC2D0;
	s17 =	sand.u32 s17, s11  }
0x43: {  	s16 =	ssub.s32 s16, s17  }
0x44: {  	s16 =	sadd.s32 $0xFFFF3D30, s16  }
0x45: {  	s30 =	sshll.u32 s16, $0x7  }
0x46: {  	s17 =	ssub.s32 $0x4000, s30  }
0x47: {  	p0 =	sgt.s32 s16, $0x7F;
	s16 =	sand.u32 $0x3FFFFF80, s17;
	s17 =	sadd.s32 $0x80, s11  }
0x48: {  	s16 =	simm.s32 @p0 $0x0;
	p0 =	slt.s32 s17, $0xC350  }
0x49: {  	s17 =	simm.s32 @!p0 $0xC350  }
0x4a: {  	s20 =	ssub.s32 s17, s11  }
0x4b: {  	p0 =	slt.s32 s20, $0x1  }
.Ltmp3:
0x4c: {  	_ = 	snop;
	(pc) =	sbr.rel @p0 .LBB1_9-.Ltmp3, $4  }
0x4d: {  	_ = 	snop  }
0x4e: {  	s19 =	sshll.u32 s13, $0xE;
	_ =	swait.ge [sflag:s5], s16  }
0x4f: {  	s31 =	sand.u32 $0x4000, s19;
	s18 =	ssub.s32 $0x0, s16;
	[sflag:s5] =	ssyncset.done $0x0  }
0x50: {  	s17 =	sor.u32 $0x8000, s31;
	[sflag:s5] =	ssyncadd.s32 s18  }
0x51: {  	p1 =	sne.s32 s20, $0x1  }
.Ltmp4:
0x52: {  	v0 =	vmov s17;
	(pc) =	sbr.rel @!p1 .LBB1_4-.Ltmp4, $4  }
0x53: {  	_ = 	snop  }
0x54: {  	s18 =	sand.u32 $0x4000, s10  }
0x55: {  	s18 =	sor.u32 $0x40, s18  }
0x56: {  	s19 =	simm.s32 $0x0;
	s21 =	sadd.s32 $0xFFFFFFFF, s20;
	p0 =	por $0x0, $0x0;
	v1 =	vld [tilespmem:s18+$0x30]  }
0x57: {  	v4 =	vld [tilespmem:s18+$0xFFFFFFC0]  }
0x58: {  	v6 =	vld [tilespmem:s18+$0xFFFFFFD0]  }
0x59: {  	v7 =	vld [tilespmem:s18+$0xFFFFFFE0];
	p1 =	sne.s32 s21, $0x1  }
.Ltmp5:
0x5a: {  	v2 =	vld [tilespmem:s18+$0xFFFFFFF0];
	s20 =	sand.u32 $0x3F80, s19;
	(pc) =	sbr.rel @!p1 .LBB1_6-.Ltmp5, $4  }
0x5b: {  	v3 =	vld [tilespmem:s18+$0x0];
	[tilespmem:v0+s20+$0x70 ss:$0x1] =	vst.idx.msk $0xffff, v1  }
0x5c: {  	v5 =	vld [tilespmem:s18+$0x10];
	[tilespmem:v0+s20+$0x0 ss:$0x1] =	vst.idx.msk $0xffff, v4  }
0x5d: {  	v4 =	vld [tilespmem:s18+$0x20];
	[tilespmem:v0+s20+$0x10 ss:$0x1] =	vst.idx.msk $0xffff, v6;
	s18 =	sadd.s32 $0x80, s18  }
0x5e: {  	s22 =	sadd.s32 $0xFFFFFFFF, s21;
	p0 =	por $0x1, $0x1;
	s21 =	simm.s32 $0x0;
	[tilespmem:v0+s20+$0x20 ss:$0x1] =	vst.idx.msk $0xffff, v7;
	v1 =	vld [tilespmem:s18+$0x30]  }
.LBB1_7:
0x5f: {  	p1 =	sne.s32 s22, $0x1;
	v6 =	vld [tilespmem:s18+$0xFFFFFFC0];
	[tilespmem:v0+s20+$0x30 ss:$0x1] =	vst.idx.msk $0xffff, v2  }
0x60: {  	v7 =	vld [tilespmem:s18+$0xFFFFFFD0];
	[tilespmem:v0+s20+$0x40 ss:$0x1] =	vst.idx.msk $0xffff, v3  }
0x61: {  	s21 =	sadd.s32 $0x80, s21;
	v8 =	vld [tilespmem:s18+$0xFFFFFFE0];
	[tilespmem:v0+s20+$0x50 ss:$0x1] =	vst.idx.msk $0xffff, v5  }
.Ltmp6:
0x62: {  	v2 =	vld [tilespmem:s18+$0xFFFFFFF0];
	[tilespmem:v0+s20+$0x60 ss:$0x1] =	vst.idx.msk $0xffff, v4;
	s20 =	sand.u32 $0x3F80, s21;
	(pc) =	sbr.rel @p1 .LBB1_7-.Ltmp6, $4  }
0x63: {  	v3 =	vld [tilespmem:s18+$0x0];
	[tilespmem:v0+s20+$0x70 ss:$0x1] =	vst.idx.msk $0xffff, v1  }
0x64: {  	[tilespmem:v0+s20+$0x0 ss:$0x1] =	vst.idx.msk $0xffff, v6;
	v5 =	vld [tilespmem:s18+$0x10]  }
0x65: {  	[tilespmem:v0+s20+$0x10 ss:$0x1] =	vst.idx.msk $0xffff, v7;
	v4 =	vld [tilespmem:s18+$0x20];
	s18 =	sadd.s32 $0x80, s18  }
0x66: {  	s22 =	sadd.s32 $0xFFFFFFFF, s22;
	v1 =	vld [tilespmem:s18+$0x30];
	[tilespmem:v0+s20+$0x20 ss:$0x1] =	vst.idx.msk $0xffff, v8  }
.Ltmp7:
0x67: {  	_ = 	snop;
	(pc) =	sbr.rel .LBB1_8-.Ltmp7, $1  }
0x68: {  	_ =	sdelay $0x3  }
.LBB1_6:
.Ltmp8:
0x69: {  	(pc) =	sbr.rel .LBB1_8-.Ltmp8, $2  }
0x6a: {  	_ =	sdelay $0x2  }
0x6b: {  	s21 =	simm.s32 $0x0  }
.LBB1_11:
0x6c: {  	_ =	sfence.sel $0x180000  }
0x6d: {  	s2 =	simm.s32 $0x1;
	[bflag:$0x0] =	sbarrier.arrive $0xFFFF  }
0x6e: {  	s31 =	simm.s32 $0x2;
	[sflag:s2] =	ssyncpa.u1 $0x1  }
0x6f: {  	[sflag:s31] =	ssyncpa.u1 $0x1  }
0x70: {  	p0 =	sne.s32 s0, $0x0;
	_ =	strace $0x90000047  }
0x71: {  	s0 =	sadd.s32 @!p0 $0x100000, s1;
	[bflag:$0x2] =	sbarrier.arrive $0xFFFF  }
0x72: {  	[sflag:s0] =	ssyncadd.tile.s32 @!p0 $0x1;
	_ =	shalt  }
.Lfunc_end1:
_tile_overlayer_lowered:
.L_overlay_start_2:
0x73: {  	(tag) =	ssettag $0x2  }
0x74: {  	s0 =	rddreg [dreg:$0x0];
	s2 =	stileid.u32  }
0x75: {  	s1 =	rddreg [dreg:$0x1];
	p0 =	sne.s32 s2, $0x0  }
0x76: {  	s3 =	rddreg [dreg:$0x2];
	[bflag:$0x3] =	sbarrier.arrive $0xFFFF;
	s2 =	simm.s32 @!p0 $0x1C01  }
0x77: {  	[timem:s3], [sflag:s2] =	dma.local @!p0 [hbm:s0], s1  }
0x78: {  	s0 =	simm.s32 @!p0 $0x1  }
0x79: {  	_ =	swait.ge @!p0 [sflag:s0], s1  }
0x7a: {  	s1 =	ssub.s32 @!p0 $0x0, s1;
	[sflag:s0] =	ssyncset.done @!p0 $0x0  }
0x7b: {  	[sflag:s0] =	ssyncadd.s32 @!p0 s1  }
0x7c: {  	[bflag:$0x3] =	sbarrier.arrive $0xFFFF  }
0x7d: {  	_ =	shalt  }

</sc_bundles>
